<compile_context>
chip_gen: v7x
topology: tpu7x:2x2x1
jax: 0.10.2.dev20260603
libtpu: 0.0.44.dev20260713+nightly
codegen_flags: <defaults>
</compile_context>

<pallas_src>
import functools

import numpy as np
import jax
import jax.numpy as jnp
from jax import lax
from jax.experimental import pallas as pl
from jax.experimental.pallas import tpu as pltpu
from jax.experimental.pallas import tpu_sc as plsc

N = 10000
E = 320000
D_IN = 128
H1 = 64
H2 = 32
EMB = 32
K = 16
BN_C = float(1.0 / np.sqrt(1.0 + 1e-5))

NC = 2
NS = 16
NW = NC * NS
CH = 80
NCH = 125
PER_W = NCH * CH
NPAD = 10240
RPT = NPAD // NS

BR = 2000
GRID = N // BR
HI = None

_MESH = plsc.VectorSubcoreMesh(core_axis_name="c", subcore_axis_name="s")


def _make_edge_scatter(F):

    @functools.partial(
        pl.kernel,
        out_type=jax.ShapeDtypeStruct((NC, NPAD, F), jnp.float32),
        mesh=_MESH,
        compiler_params=pltpu.CompilerParams(use_tc_tiling_on_sc=False),
        scratch_types=[
            pltpu.VMEM((PER_W,), jnp.int32),
            pltpu.VMEM((PER_W,), jnp.int32),
            pltpu.VMEM((CH, F), jnp.float32),
            pltpu.VMEM((CH, F), jnp.float32),
            pltpu.VMEM((CH, F), jnp.float32),
            pltpu.VMEM((CH, F), jnp.float32),
            pltpu.VMEM((CH, F), jnp.float32),
            pltpu.VMEM_SHARED((NPAD, F), jnp.float32),
            pltpu.SemaphoreType.DMA,
            pltpu.SemaphoreType.DMA,
            pltpu.SemaphoreType.DMA,
            pltpu.SemaphoreType.DMA,
            pltpu.SemaphoreType.DMA,
            pltpu.SemaphoreType.DMA,
            pltpu.SemaphoreType.DMA,
            pltpu.SemaphoreType.DMA,
            pltpu.SemaphoreType.DMA,
            pltpu.SemaphoreType.DMA,
        ],
    )
    def k(hs_hbm, ei_hbm, zeros_hbm, out_hbm, src_v, dst_v,
          rows0_v, rows1_v, rows2_v, rows3_v, rows4_v, acc_sh,
          g0, g1, g2, g3, g4, s0, s1, s2, s3, s4):
        c = lax.axis_index("c")
        s = lax.axis_index("s")
        w = c * NS + s
        r0 = s * RPT
        pltpu.sync_copy(zeros_hbm.at[pl.ds(r0, RPT)], acc_sh.at[pl.ds(r0, RPT)])
        pltpu.sync_copy(ei_hbm.at[0, pl.ds(w * PER_W, PER_W)], src_v)
        pltpu.sync_copy(ei_hbm.at[1, pl.ds(w * PER_W, PER_W)], dst_v)
        plsc.subcore_barrier()

        bufs = (rows0_v, rows1_v, rows2_v, rows3_v, rows4_v)
        gsems = (g0, g1, g2, g3, g4)
        ssems = (s0, s1, s2, s3, s4)
        dummy = zeros_hbm.at[pl.ds(0, CH)]

        pltpu.async_copy(hs_hbm.at[src_v.at[pl.ds(0 * CH, CH)]], rows0_v, g0)
        pltpu.async_copy(hs_hbm.at[src_v.at[pl.ds(1 * CH, CH)]], rows1_v, g1)
        pltpu.async_copy(hs_hbm.at[src_v.at[pl.ds(2 * CH, CH)]], rows2_v, g2)
        pltpu.async_copy(hs_hbm.at[src_v.at[pl.ds(3 * CH, CH)]], rows3_v, g3)

        @pl.loop(0, NCH, step=5)
        def _(j0):
            for b in range(5):
                j = j0 + b
                b4 = (b + 4) % 5
                pltpu.make_async_copy(dummy, bufs[b], gsems[b]).wait()
                pltpu.async_copy(bufs[b], acc_sh.at[dst_v.at[pl.ds(j * CH, CH)]],
                                 ssems[b], add=True)

                @pl.when(j + 4 < NCH)
                def _():
                    @pl.when(j >= 1)
                    def _():
                        pltpu.make_async_copy(dummy, bufs[b4], ssems[b4]).wait()

                    pltpu.async_copy(
                        hs_hbm.at[src_v.at[pl.ds((j + 4) * CH, CH)]],
                        bufs[b4], gsems[b4])

        for b in range(5):
            pltpu.make_async_copy(dummy, bufs[b], ssems[b]).wait()

        plsc.subcore_barrier()
        pltpu.sync_copy(acc_sh.at[pl.ds(r0, RPT)], out_hbm.at[c, pl.ds(r0, RPT)])

    return k


_scatter64 = _make_edge_scatter(H1)
_scatter32 = _make_edge_scatter(H2)

DEGF = 16


@functools.partial(
    pl.kernel,
    out_type=jax.ShapeDtypeStruct((NC, NPAD, DEGF), jnp.float32),
    mesh=_MESH,
    compiler_params=pltpu.CompilerParams(use_tc_tiling_on_sc=False),
    scratch_types=[
        pltpu.VMEM((PER_W,), jnp.int32),
        pltpu.VMEM((CH, DEGF), jnp.float32),
        pltpu.VMEM_SHARED((NPAD, DEGF), jnp.float32),
        pltpu.SemaphoreType.DMA,
    ],
)
def _deg_kernel(ones_hbm, ei_hbm, zeros_hbm, out_hbm, dst_v, ones_v, acc_sh, dsem):
    c = lax.axis_index("c")
    s = lax.axis_index("s")
    w = c * NS + s
    r0 = s * RPT
    pltpu.sync_copy(zeros_hbm.at[pl.ds(r0, RPT)], acc_sh.at[pl.ds(r0, RPT)])
    pltpu.sync_copy(ones_hbm, ones_v)
    pltpu.sync_copy(ei_hbm.at[1, pl.ds(w * PER_W, PER_W)], dst_v)
    plsc.subcore_barrier()

    @pl.loop(0, NCH)
    def _(j):
        pltpu.async_copy(ones_v, acc_sh.at[dst_v.at[pl.ds(j * CH, CH)]],
                         dsem, add=True)

    @pl.loop(0, NCH)
    def _(j):
        pltpu.make_async_copy(zeros_hbm.at[pl.ds(0, CH)], ones_v, dsem).wait()

    plsc.subcore_barrier()
    pltpu.sync_copy(acc_sh.at[pl.ds(r0, RPT)], out_hbm.at[c, pl.ds(r0, RPT)])



def _tc_first(x_ref, w_ref, degp_ref, h1s_ref, dinv_ref):
    deg = degp_ref[0, :, 0] + degp_ref[1, :, 0] + 1.0
    dinv = 1.0 / jnp.sqrt(jnp.maximum(deg, 1.0))
    xw = jnp.dot(x_ref[...], w_ref[...], precision=HI)
    h1s_ref[...] = xw * dinv[:, None]
    dinv_ref[...] = dinv[:, None]


def _tc_combine(p_ref, hs_ref, dinv_ref, b_ref, w_ref, out_ref):
    dinv = dinv_ref[...]
    h = (p_ref[0] + p_ref[1] + hs_ref[...]) * dinv + b_ref[...]
    h = jnp.maximum(h, 0.0)
    out_ref[...] = jnp.dot(h, w_ref[...], precision=HI) * dinv


def _tc_final(p_ref, hs_ref, dinv_ref, b3_ref, wmu_ref, bmu_ref, wlv_ref,
              blv_ref, wd1_ref, bd1_ref, wd2_ref, bd2_ref, wd3_ref, bd3_ref,
              cent_ref, z_ref, mu_ref, lv_ref, xr_ref, q_ref):
    h3 = (p_ref[0] + p_ref[1] + hs_ref[...]) * dinv_ref[...] + b3_ref[...]
    mu = (jnp.dot(h3, wmu_ref[...], precision=HI) + bmu_ref[...]) * BN_C
    lv = (jnp.dot(h3, wlv_ref[...], precision=HI) + blv_ref[...]) * BN_C
    z_ref[...] = mu
    mu_ref[...] = mu
    lv_ref[...] = lv
    d = jnp.maximum(jnp.dot(mu, wd1_ref[...], precision=HI) + bd1_ref[...], 0.0) * BN_C
    d = jnp.maximum(jnp.dot(d, wd2_ref[...], precision=HI) + bd2_ref[...], 0.0) * BN_C
    xr_ref[...] = jnp.dot(d, wd3_ref[...], precision=HI) + bd3_ref[...]
    cent = cent_ref[...]
    zc = lax.dot_general(mu, cent, (((1,), (1,)), ((), ())), precision=HI)
    d2 = (jnp.sum(mu * mu, axis=1, keepdims=True)
          + jnp.sum(cent * cent, axis=1)[None, :] - 2.0 * zc)
    d2 = jnp.maximum(d2, 0.0)
    q = 1.0 / (1.0 + d2)
    q_ref[...] = q / jnp.sum(q, axis=1, keepdims=True)


def _rows(block_last):
    return pl.BlockSpec((BR, block_last), lambda i: (i, 0))


def _full(shape):
    return pl.BlockSpec(shape, lambda i: tuple(0 for _ in shape))


def _pair(block_last):
    return pl.BlockSpec((NC, BR, block_last), lambda i: (0, i, 0))


def _call_first(x, W1, degp):
    return pl.pallas_call(
        _tc_first,
        grid=(GRID,),
        in_specs=[_rows(D_IN), _full((D_IN, H1)), _pair(DEGF)],
        out_specs=[_rows(H1), _rows(1)],
        out_shape=[jax.ShapeDtypeStruct((N, H1), jnp.float32),
                   jax.ShapeDtypeStruct((N, 1), jnp.float32)],
    )(x, W1, degp)


def _call_combine(p, hs, dinv, b, W, F, F2):
    return pl.pallas_call(
        _tc_combine,
        grid=(GRID,),
        in_specs=[_pair(F), _rows(F), _rows(1), _full((1, F)), _full((F, F2))],
        out_specs=[_rows(F2)],
        out_shape=[jax.ShapeDtypeStruct((N, F2), jnp.float32)],
    )(p, hs, dinv, b, W)[0]


def _call_final(p, hs, dinv, b3, Wmu, bmu, Wlv, blv, Wd1, bd1, Wd2, bd2,
                Wd3, bd3, centers):
    return pl.pallas_call(
        _tc_final,
        grid=(GRID,),
        in_specs=[_pair(H2), _rows(H2), _rows(1), _full((1, H2)),
                  _full((H2, EMB)), _full((1, EMB)),
                  _full((H2, EMB)), _full((1, EMB)),
                  _full((EMB, 32)), _full((1, 32)),
                  _full((32, 64)), _full((1, 64)),
                  _full((64, D_IN)), _full((1, D_IN)),
                  _full((K, EMB))],
        out_specs=[_rows(EMB), _rows(EMB), _rows(EMB), _rows(D_IN), _rows(K)],
        out_shape=[jax.ShapeDtypeStruct((N, EMB), jnp.float32),
                   jax.ShapeDtypeStruct((N, EMB), jnp.float32),
                   jax.ShapeDtypeStruct((N, EMB), jnp.float32),
                   jax.ShapeDtypeStruct((N, D_IN), jnp.float32),
                   jax.ShapeDtypeStruct((N, K), jnp.float32)],
    )(p, hs, dinv, b3, Wmu, bmu, Wlv, blv, Wd1, bd1, Wd2, bd2, Wd3, bd3,
      centers)


def kernel(x, edge_index, W1, b1, W2, b2, W3, b3, Wmu, bmu, Wlv, blv,
           Wd1, bd1, Wd2, bd2, Wd3, bd3, centers):
    ei = edge_index.astype(jnp.int32)
    zeros64 = jnp.zeros((NPAD, H1), jnp.float32)
    zeros32 = jnp.zeros((NPAD, H2), jnp.float32)
    zeros16 = jnp.zeros((NPAD, DEGF), jnp.float32)
    ones16 = jnp.ones((CH, DEGF), jnp.float32)

    degp = _deg_kernel(ones16, ei, zeros16)
    h1s, dinv = _call_first(x, W1, degp)
    p1 = _scatter64(h1s, ei, zeros64)
    h2s = _call_combine(p1, h1s, dinv, b1.reshape(1, -1), W2, H1, H2)
    p2 = _scatter32(h2s, ei, zeros32)
    h3s = _call_combine(p2, h2s, dinv, b2.reshape(1, -1), W3, H2, H2)
    p3 = _scatter32(h3s, ei, zeros32)
    z, mu, logvar, x_recon, q = _call_final(
        p3, h3s, dinv, b3.reshape(1, -1), Wmu, bmu.reshape(1, -1),
        Wlv, blv.reshape(1, -1), Wd1, bd1.reshape(1, -1),
        Wd2, bd2.reshape(1, -1), Wd3, bd3.reshape(1, -1), centers)
    return (z, mu, logvar, x_recon, q)

# --- scband reference (transcript-rebuilt; emitter-appended) ---
"""Pipeline reference for scband-variational-deep-graph-clustering-33457795236116 (READ-ONLY COPY).

The authoritative reference and input builder live on the scoring server;
editing this copy changes nothing except your own understanding.
"""

import jax, jax.numpy as jnp
import numpy as np

N = 10000
E = 320000
D_IN = 128
H1 = 64
H2 = 32
EMB = 32
K = 16
BN_EPS = 1e-5


def _glorot(key, shape):
    fan_in, fan_out = shape
    limit = np.sqrt(6.0 / (fan_in + fan_out))
    return jax.random.uniform(key, shape, minval=-limit, maxval=limit, dtype=jnp.float32)


def setup_inputs(seed: int = 0) -> dict:
    key = jax.random.key(seed)
    ks = jax.random.split(key, 16)
    x = jax.random.normal(ks[0], (N, D_IN), dtype=jnp.float32)
    edge_index = jax.random.randint(ks[1], (2, E), 0, N, dtype=jnp.int64)
    return {
        'x': x,
        'edge_index': edge_index,
        # GCN encoder weights (input->64, 64->32, 32->32 output layer)
        'W1': _glorot(ks[2], (D_IN, H1)), 'b1': jnp.zeros((H1,), jnp.float32),
        'W2': _glorot(ks[3], (H1, H2)), 'b2': jnp.zeros((H2,), jnp.float32),
        'W3': _glorot(ks[4], (H2, H2)), 'b3': jnp.zeros((H2,), jnp.float32),
        # variational heads
        'Wmu': _glorot(ks[5], (H2, EMB)), 'bmu': jnp.zeros((EMB,), jnp.float32),
        'Wlv': _glorot(ks[6], (H2, EMB)), 'blv': jnp.zeros((EMB,), jnp.float32),
        # decoder [32 -> 32 -> 64 -> 128]
        'Wd1': _glorot(ks[7], (EMB, 32)), 'bd1': jnp.zeros((32,), jnp.float32),
        'Wd2': _glorot(ks[8], (32, 64)), 'bd2': jnp.zeros((64,), jnp.float32),
        'Wd3': _glorot(ks[9], (64, D_IN)), 'bd3': jnp.zeros((D_IN,), jnp.float32),
        # cluster centers
        'centers': jax.random.normal(ks[10], (K, EMB), dtype=jnp.float32),
    }


def _bn_eval(h):
    # BatchNorm1d in eval mode with default running stats (mean=0, var=1), affine gamma=1, beta=0
    return h / jnp.sqrt(1.0 + BN_EPS)


def _gcn_conv(h, edge_index, W, b):
    n = h.shape[0]
    h = h @ W
    loop = jnp.arange(n, dtype=edge_index.dtype)
    src = jnp.concatenate([edge_index[0], loop])
    dst = jnp.concatenate([edge_index[1], loop])
    deg = jnp.zeros((n,), h.dtype).at[dst].add(1.0)
    dinv = 1.0 / jnp.sqrt(jnp.maximum(deg, 1.0))
    norm = dinv[src] * dinv[dst]
    msgs = h[src] * norm[:, None]
    out = jax.ops.segment_sum(msgs, dst, num_segments=n)
    return out + b


def reference(x, edge_index, W1, b1, W2, b2, W3, b3, Wmu, bmu, Wlv, blv,
              Wd1, bd1, Wd2, bd2, Wd3, bd3, centers):
    # GCN encoder (eval mode: dropout disabled)
    h = jax.nn.relu(_gcn_conv(x, edge_index, W1, b1))
    h = jax.nn.relu(_gcn_conv(h, edge_index, W2, b2))
    h = _gcn_conv(h, edge_index, W3, b3)
    # variational heads + batch norm (eval)
    mu = _bn_eval(h @ Wmu + bmu)
    logvar = _bn_eval(h @ Wlv + blv)
    # reparameterize in eval mode: z = mu
    z = mu
    # decoder
    d = jax.nn.relu(z @ Wd1 + bd1)
    d = _bn_eval(d)
    d = jax.nn.relu(d @ Wd2 + bd2)
    d = _bn_eval(d)
    x_recon = d @ Wd3 + bd3
    # cluster probs: Student's t with alpha=1
    d2 = jnp.sum(z * z, axis=1, keepdims=True) + jnp.sum(centers * centers, axis=1)[None, :] - 2.0 * (z @ centers.T)
    d2 = jnp.maximum(d2, 0.0)
    q = 1.0 / (1.0 + d2)
    q = q / jnp.sum(q, axis=1, keepdims=True)
    return (z, mu, logvar, x_recon, q)

if __name__ == "__main__":
    import jax
    _d = setup_inputs()
    print(jax.jit(kernel)(*tuple(_d.values())))

</pallas_src>

<mosaic_0001>
#map = affine_map<(d0, d1) -> (0, 0)>
#map1 = affine_map<(d0, d1) -> (0, 0, 0)>
module attributes {stable_mosaic.version = 14 : i64} {
  func.func @k(%arg0: i32, %arg1: i32, %arg2: memref<10000x64xf32, #tpu.memory_space<hbm>>, %arg3: memref<2x320000xi32, #tpu.memory_space<hbm>>, %arg4: memref<10240x64xf32, #tpu.memory_space<hbm>>, %arg5: memref<2x10240x64xf32, #tpu.memory_space<hbm>>, %arg6: memref<10000xi32, #tpu.memory_space<vmem>>, %arg7: memref<10000xi32, #tpu.memory_space<vmem>>, %arg8: memref<80x64xf32, #tpu.memory_space<vmem>>, %arg9: memref<80x64xf32, #tpu.memory_space<vmem>>, %arg10: memref<80x64xf32, #tpu.memory_space<vmem>>, %arg11: memref<80x64xf32, #tpu.memory_space<vmem>>, %arg12: memref<80x64xf32, #tpu.memory_space<vmem>>, %arg13: memref<10240x64xf32, #tpu.memory_space<vmem_shared>>, %arg14: memref<!tpu.dma_semaphore, #tpu.memory_space<semaphore_mem>>, %arg15: memref<!tpu.dma_semaphore, #tpu.memory_space<semaphore_mem>>, %arg16: memref<!tpu.dma_semaphore, #tpu.memory_space<semaphore_mem>>, %arg17: memref<!tpu.dma_semaphore, #tpu.memory_space<semaphore_mem>>, %arg18: memref<!tpu.dma_semaphore, #tpu.memory_space<semaphore_mem>>, %arg19: memref<!tpu.dma_semaphore, #tpu.memory_space<semaphore_mem>>, %arg20: memref<!tpu.dma_semaphore, #tpu.memory_space<semaphore_mem>>, %arg21: memref<!tpu.dma_semaphore, #tpu.memory_space<semaphore_mem>>, %arg22: memref<!tpu.dma_semaphore, #tpu.memory_space<semaphore_mem>>, %arg23: memref<!tpu.dma_semaphore, #tpu.memory_space<semaphore_mem>>) attributes {dimension_semantics = [#tpu.dimension_semantics<core_parallel>, #tpu.dimension_semantics<subcore_parallel>], iteration_bounds = array<i64: 2, 16>, scalar_prefetch = 0 : i64, scratch_operands = 18 : i64, tpu.core_type = #tpu.core_type<sc_vector_subcore>, window_params = [{transform_indices = #map}, {transform_indices = #map}, {transform_indices = #map}, {transform_indices = #map1}]} {
    %mul3A = arith.constant 16 : i32
    %mul3A_0 = arith.muli %arg0, %mul3A : i32
    %add3A = arith.addi %mul3A_0, %arg1 : i32
    %mul3A_1 = arith.constant 640 : i32
    %mul3A_2 = arith.muli %arg1, %mul3A_1 : i32
    "tpu.region"() ({
      %run_scoped3A_61 = tpu.sem_alloc : memref<!tpu.dma_semaphore, #tpu.memory_space<semaphore_mem>>
      %dma_start3A_62 = arith.constant 0 : i32
      %dma_start3A_63 = tpu.memref_slice %arg13[%mul3A_2, %dma_start3A_62] : memref<10240x64xf32, #tpu.memory_space<vmem_shared>> -> memref<640x64xf32, #tpu.memory_space<vmem_shared>>
      %dma_start3A_64 = arith.constant 0 : i32
      %dma_start3A_65 = tpu.memref_slice %arg4[%mul3A_2, %dma_start3A_64] : memref<10240x64xf32, #tpu.memory_space<hbm>> -> memref<640x64xf32, #tpu.memory_space<hbm>>
      tpu.enqueue_dma source(%dma_start3A_65 : memref<640x64xf32, #tpu.memory_space<hbm>>) target(%dma_start3A_63 : memref<640x64xf32, #tpu.memory_space<vmem_shared>>) target_semaphore(%run_scoped3A_61 : memref<!tpu.dma_semaphore, #tpu.memory_space<semaphore_mem>>)
      %dma_wait3A_66 = arith.constant 0 : i32
      %dma_wait3A_67 = tpu.memref_slice %arg13[%mul3A_2, %dma_wait3A_66] : memref<10240x64xf32, #tpu.memory_space<vmem_shared>> -> memref<640x64xf32, #tpu.memory_space<vmem_shared>>
      %dma_wait3A_68 = arith.constant 0 : i32
      %dma_wait3A_69 = tpu.memref_slice %arg4[%mul3A_2, %dma_wait3A_68] : memref<10240x64xf32, #tpu.memory_space<hbm>> -> memref<640x64xf32, #tpu.memory_space<hbm>>
      tpu.wait_dma2 semaphore(%run_scoped3A_61 : memref<!tpu.dma_semaphore, #tpu.memory_space<semaphore_mem>>) src(%dma_wait3A_69 : memref<640x64xf32, #tpu.memory_space<hbm>>) dst(%dma_wait3A_67 : memref<640x64xf32, #tpu.memory_space<vmem_shared>>)
      tpu.yield
    }) : () -> ()
    %mul3A_3 = arith.constant 10000 : i32
    %mul3A_4 = arith.muli %add3A, %mul3A_3 : i32
    %run_scoped3A = arith.constant 0 : i32
    "tpu.region"() ({
      %run_scoped3A_61 = tpu.sem_alloc : memref<!tpu.dma_semaphore, #tpu.memory_space<semaphore_mem>>
      %dma_start3A_62 = tpu.memref_slice %arg3[%run_scoped3A, %mul3A_4] : memref<2x320000xi32, #tpu.memory_space<hbm>> -> memref<1x10000xi32, #tpu.memory_space<hbm>>
      %dma_start3A_63 = tpu.memref_squeeze %dma_start3A_62 : memref<1x10000xi32, #tpu.memory_space<hbm>> -> memref<10000xi32, #tpu.memory_space<hbm>>
      %dma_start3A_64 = tpu.memref_slice %arg3[%run_scoped3A, %mul3A_4] : memref<2x320000xi32, #tpu.memory_space<hbm>> -> memref<1x10000xi32, #tpu.memory_space<hbm>>
      %dma_start3A_65 = tpu.memref_squeeze %dma_start3A_64 : memref<1x10000xi32, #tpu.memory_space<hbm>> -> memref<10000xi32, #tpu.memory_space<hbm>>
      tpu.enqueue_dma source(%dma_start3A_65 : memref<10000xi32, #tpu.memory_space<hbm>>) target(%arg6 : memref<10000xi32, #tpu.memory_space<vmem>>) target_semaphore(%run_scoped3A_61 : memref<!tpu.dma_semaphore, #tpu.memory_space<semaphore_mem>>)
      %dma_wait3A_66 = tpu.memref_slice %arg3[%run_scoped3A, %mul3A_4] : memref<2x320000xi32, #tpu.memory_space<hbm>> -> memref<1x10000xi32, #tpu.memory_space<hbm>>
      %dma_wait3A_67 = tpu.memref_squeeze %dma_wait3A_66 : memref<1x10000xi32, #tpu.memory_space<hbm>> -> memref<10000xi32, #tpu.memory_space<hbm>>
      %dma_wait3A_68 = tpu.memref_slice %arg3[%run_scoped3A, %mul3A_4] : memref<2x320000xi32, #tpu.memory_space<hbm>> -> memref<1x10000xi32, #tpu.memory_space<hbm>>
      %dma_wait3A_69 = tpu.memref_squeeze %dma_wait3A_68 : memref<1x10000xi32, #tpu.memory_space<hbm>> -> memref<10000xi32, #tpu.memory_space<hbm>>
      tpu.wait_dma2 semaphore(%run_scoped3A_61 : memref<!tpu.dma_semaphore, #tpu.memory_space<semaphore_mem>>) src(%dma_wait3A_69 : memref<10000xi32, #tpu.memory_space<hbm>>) dst(%arg6 : memref<10000xi32, #tpu.memory_space<vmem>>)
      tpu.yield
    }) : () -> ()
    %mul3A_5 = arith.constant 10000 : i32
    %mul3A_6 = arith.muli %add3A, %mul3A_5 : i32
    %run_scoped3A_7 = arith.constant 1 : i32
    "tpu.region"() ({
      %run_scoped3A_61 = tpu.sem_alloc : memref<!tpu.dma_semaphore, #tpu.memory_space<semaphore_mem>>
      %dma_start3A_62 = tpu.memref_slice %arg3[%run_scoped3A_7, %mul3A_6] : memref<2x320000xi32, #tpu.memory_space<hbm>> -> memref<1x10000xi32, #tpu.memory_space<hbm>>
      %dma_start3A_63 = tpu.memref_squeeze %dma_start3A_62 : memref<1x10000xi32, #tpu.memory_space<hbm>> -> memref<10000xi32, #tpu.memory_space<hbm>>
      %dma_start3A_64 = tpu.memref_slice %arg3[%run_scoped3A_7, %mul3A_6] : memref<2x320000xi32, #tpu.memory_space<hbm>> -> memref<1x10000xi32, #tpu.memory_space<hbm>>
      %dma_start3A_65 = tpu.memref_squeeze %dma_start3A_64 : memref<1x10000xi32, #tpu.memory_space<hbm>> -> memref<10000xi32, #tpu.memory_space<hbm>>
      tpu.enqueue_dma source(%dma_start3A_65 : memref<10000xi32, #tpu.memory_space<hbm>>) target(%arg7 : memref<10000xi32, #tpu.memory_space<vmem>>) target_semaphore(%run_scoped3A_61 : memref<!tpu.dma_semaphore, #tpu.memory_space<semaphore_mem>>)
      %dma_wait3A_66 = tpu.memref_slice %arg3[%run_scoped3A_7, %mul3A_6] : memref<2x320000xi32, #tpu.memory_space<hbm>> -> memref<1x10000xi32, #tpu.memory_space<hbm>>
      %dma_wait3A_67 = tpu.memref_squeeze %dma_wait3A_66 : memref<1x10000xi32, #tpu.memory_space<hbm>> -> memref<10000xi32, #tpu.memory_space<hbm>>
      %dma_wait3A_68 = tpu.memref_slice %arg3[%run_scoped3A_7, %mul3A_6] : memref<2x320000xi32, #tpu.memory_space<hbm>> -> memref<1x10000xi32, #tpu.memory_space<hbm>>
      %dma_wait3A_69 = tpu.memref_squeeze %dma_wait3A_68 : memref<1x10000xi32, #tpu.memory_space<hbm>> -> memref<10000xi32, #tpu.memory_space<hbm>>
      tpu.wait_dma2 semaphore(%run_scoped3A_61 : memref<!tpu.dma_semaphore, #tpu.memory_space<semaphore_mem>>) src(%dma_wait3A_69 : memref<10000xi32, #tpu.memory_space<hbm>>) dst(%arg7 : memref<10000xi32, #tpu.memory_space<vmem>>)
      tpu.yield
    }) : () -> ()
    %barrier3A = arith.constant 0 : index
    tpu.barrier barrier_id(%barrier3A)
    %dma_start3A = arith.constant 0 : i32
    %dma_start3A_8 = tpu.memref_slice %arg6[%dma_start3A] : memref<10000xi32, #tpu.memory_space<vmem>> -> memref<80xi32, #tpu.memory_space<vmem>>
    %dma_start3A_9 = arith.constant 0 : i32
    %dma_start3A_10 = arith.constant 0 : i32
    %dma_start3A_11 = tpu.memref_slice %arg2[%dma_start3A_9, %dma_start3A_10] : memref<10000x64xf32, #tpu.memory_space<hbm>> -> memref<10000x64xf32, #tpu.memory_space<hbm>>
    tpu.enqueue_indirect_dma source(%dma_start3A_11 : memref<10000x64xf32, #tpu.memory_space<hbm>>) target(%arg8 : memref<80x64xf32, #tpu.memory_space<vmem>>) offsets(%dma_start3A_8 : memref<80xi32, #tpu.memory_space<vmem>>) semaphore(%arg14 : memref<!tpu.dma_semaphore, #tpu.memory_space<semaphore_mem>>)
    %dma_start3A_12 = arith.constant 80 : i32
    %dma_start3A_13 = tpu.memref_slice %arg6[%dma_start3A_12] : memref<10000xi32, #tpu.memory_space<vmem>> -> memref<80xi32, #tpu.memory_space<vmem>>
    %dma_start3A_14 = arith.constant 0 : i32
    %dma_start3A_15 = arith.constant 0 : i32
    %dma_start3A_16 = tpu.memref_slice %arg2[%dma_start3A_14, %dma_start3A_15] : memref<10000x64xf32, #tpu.memory_space<hbm>> -> memref<10000x64xf32, #tpu.memory_space<hbm>>
    tpu.enqueue_indirect_dma source(%dma_start3A_16 : memref<10000x64xf32, #tpu.memory_space<hbm>>) target(%arg9 : memref<80x64xf32, #tpu.memory_space<vmem>>) offsets(%dma_start3A_13 : memref<80xi32, #tpu.memory_space<vmem>>) semaphore(%arg15 : memref<!tpu.dma_semaphore, #tpu.memory_space<semaphore_mem>>)
    %dma_start3A_17 = arith.constant 160 : i32
    %dma_start3A_18 = tpu.memref_slice %arg6[%dma_start3A_17] : memref<10000xi32, #tpu.memory_space<vmem>> -> memref<80xi32, #tpu.memory_space<vmem>>
    %dma_start3A_19 = arith.constant 0 : i32
    %dma_start3A_20 = arith.constant 0 : i32
    %dma_start3A_21 = tpu.memref_slice %arg2[%dma_start3A_19, %dma_start3A_20] : memref<10000x64xf32, #tpu.memory_space<hbm>> -> memref<10000x64xf32, #tpu.memory_space<hbm>>
    tpu.enqueue_indirect_dma source(%dma_start3A_21 : memref<10000x64xf32, #tpu.memory_space<hbm>>) target(%arg10 : memref<80x64xf32, #tpu.memory_space<vmem>>) offsets(%dma_start3A_18 : memref<80xi32, #tpu.memory_space<vmem>>) semaphore(%arg16 : memref<!tpu.dma_semaphore, #tpu.memory_space<semaphore_mem>>)
    %dma_start3A_22 = arith.constant 240 : i32
    %dma_start3A_23 = tpu.memref_slice %arg6[%dma_start3A_22] : memref<10000xi32, #tpu.memory_space<vmem>> -> memref<80xi32, #tpu.memory_space<vmem>>
    %dma_start3A_24 = arith.constant 0 : i32
    %dma_start3A_25 = arith.constant 0 : i32
    %dma_start3A_26 = tpu.memref_slice %arg2[%dma_start3A_24, %dma_start3A_25] : memref<10000x64xf32, #tpu.memory_space<hbm>> -> memref<10000x64xf32, #tpu.memory_space<hbm>>
    tpu.enqueue_indirect_dma source(%dma_start3A_26 : memref<10000x64xf32, #tpu.memory_space<hbm>>) target(%arg11 : memref<80x64xf32, #tpu.memory_space<vmem>>) offsets(%dma_start3A_23 : memref<80xi32, #tpu.memory_space<vmem>>) semaphore(%arg17 : memref<!tpu.dma_semaphore, #tpu.memory_space<semaphore_mem>>)
    %scan3A = arith.constant 0 : i32
    %scan3A_27 = arith.constant 25 : i32
    %scan3A_28 = arith.addi %scan3A, %scan3A_27 : i32
    %scan3A_29 = arith.constant 1 : i32
    scf.for %scan3A_61 = %scan3A to %scan3A_28 step %scan3A_29  : i32 {
      %mul3A_62 = arith.constant 5 : i32
      %mul3A_63 = arith.muli %scan3A_61, %mul3A_62 : i32
      %add3A_64 = arith.constant 0 : i32
      %add3A_65 = arith.addi %add3A_64, %mul3A_63 : i32
      %add3A_66 = arith.constant 0 : i32
      %add3A_67 = arith.addi %add3A_65, %add3A_66 : i32
      %dma_wait3A_68 = arith.constant 0 : i32
      %dma_wait3A_69 = arith.constant 0 : i32
      %dma_wait3A_70 = tpu.memref_slice %arg4[%dma_wait3A_68, %dma_wait3A_69] : memref<10240x64xf32, #tpu.memory_space<hbm>> -> memref<80x64xf32, #tpu.memory_space<hbm>>
      %dma_wait3A_71 = arith.constant 0 : i32
      %dma_wait3A_72 = arith.constant 0 : i32
      %dma_wait3A_73 = tpu.memref_slice %arg4[%dma_wait3A_71, %dma_wait3A_72] : memref<10240x64xf32, #tpu.memory_space<hbm>> -> memref<80x64xf32, #tpu.memory_space<hbm>>
      tpu.wait_dma2 semaphore(%arg14 : memref<!tpu.dma_semaphore, #tpu.memory_space<semaphore_mem>>) src(%dma_wait3A_73 : memref<80x64xf32, #tpu.memory_space<hbm>>) dst(%arg8 : memref<80x64xf32, #tpu.memory_space<vmem>>)
      %mul3A_74 = arith.constant 80 : i32
      %mul3A_75 = arith.muli %add3A_67, %mul3A_74 : i32
      %dma_start3A_76 = tpu.memref_slice %arg7[%mul3A_75] : memref<10000xi32, #tpu.memory_space<vmem>> -> memref<80xi32, #tpu.memory_space<vmem>>
      %dma_start3A_77 = arith.constant 0 : i32
      %dma_start3A_78 = arith.constant 0 : i32
      %dma_start3A_79 = tpu.memref_slice %arg13[%dma_start3A_77, %dma_start3A_78] : memref<10240x64xf32, #tpu.memory_space<vmem_shared>> -> memref<10240x64xf32, #tpu.memory_space<vmem_shared>>
      tpu.enqueue_indirect_dma source(%arg8 : memref<80x64xf32, #tpu.memory_space<vmem>>) target(%dma_start3A_79 : memref<10240x64xf32, #tpu.memory_space<vmem_shared>>) offsets(%dma_start3A_76 : memref<80xi32, #tpu.memory_space<vmem>>) semaphore(%arg19 : memref<!tpu.dma_semaphore, #tpu.memory_space<semaphore_mem>>) {add = true}
      %add3A_80 = arith.constant 4 : i32
      %add3A_81 = arith.addi %add3A_67, %add3A_80 : i32
      %lt3A = arith.constant 125 : i32
      %lt3A_82 = arith.cmpi slt, %add3A_81, %lt3A : i32
      %convert_element_type3A = arith.extui %lt3A_82 : i1 to i32
      %cond3A = arith.constant 0 : i32
      %cond3A_83 = arith.cmpi ne, %convert_element_type3A, %cond3A : i32
      scf.if %cond3A_83 {
        %ge3A = arith.constant 1 : i32
        %ge3A_168 = arith.cmpi sge, %add3A_67, %ge3A : i32
        %convert_element_type3A_169 = arith.extui %ge3A_168 : i1 to i32
        %cond3A_170 = arith.constant 0 : i32
        %cond3A_171 = arith.cmpi ne, %convert_element_type3A_169, %cond3A_170 : i32
        scf.if %cond3A_171 {
          %dma_wait3A_180 = arith.constant 0 : i32
          %dma_wait3A_181 = arith.constant 0 : i32
          %dma_wait3A_182 = tpu.memref_slice %arg4[%dma_wait3A_180, %dma_wait3A_181] : memref<10240x64xf32, #tpu.memory_space<hbm>> -> memref<80x64xf32, #tpu.memory_space<hbm>>
          %dma_wait3A_183 = arith.constant 0 : i32
          %dma_wait3A_184 = arith.constant 0 : i32
          %dma_wait3A_185 = tpu.memref_slice %arg4[%dma_wait3A_183, %dma_wait3A_184] : memref<10240x64xf32, #tpu.memory_space<hbm>> -> memref<80x64xf32, #tpu.memory_space<hbm>>
          tpu.wait_dma2 semaphore(%arg23 : memref<!tpu.dma_semaphore, #tpu.memory_space<semaphore_mem>>) src(%dma_wait3A_185 : memref<80x64xf32, #tpu.memory_space<hbm>>) dst(%arg12 : memref<80x64xf32, #tpu.memory_space<vmem>>)
        } else {
        }
        %add3A_172 = arith.constant 4 : i32
        %add3A_173 = arith.addi %add3A_67, %add3A_172 : i32
        %mul3A_174 = arith.constant 80 : i32
        %mul3A_175 = arith.muli %add3A_173, %mul3A_174 : i32
        %dma_start3A_176 = tpu.memref_slice %arg6[%mul3A_175] : memref<10000xi32, #tpu.memory_space<vmem>> -> memref<80xi32, #tpu.memory_space<vmem>>
        %dma_start3A_177 = arith.constant 0 : i32
        %dma_start3A_178 = arith.constant 0 : i32
        %dma_start3A_179 = tpu.memref_slice %arg2[%dma_start3A_177, %dma_start3A_178] : memref<10000x64xf32, #tpu.memory_space<hbm>> -> memref<10000x64xf32, #tpu.memory_space<hbm>>
        tpu.enqueue_indirect_dma source(%dma_start3A_179 : memref<10000x64xf32, #tpu.memory_space<hbm>>) target(%arg12 : memref<80x64xf32, #tpu.memory_space<vmem>>) offsets(%dma_start3A_176 : memref<80xi32, #tpu.memory_space<vmem>>) semaphore(%arg18 : memref<!tpu.dma_semaphore, #tpu.memory_space<semaphore_mem>>)
      } else {
      }
      %add3A_84 = arith.constant 1 : i32
      %add3A_85 = arith.addi %add3A_65, %add3A_84 : i32
      %dma_wait3A_86 = arith.constant 0 : i32
      %dma_wait3A_87 = arith.constant 0 : i32
      %dma_wait3A_88 = tpu.memref_slice %arg4[%dma_wait3A_86, %dma_wait3A_87] : memref<10240x64xf32, #tpu.memory_space<hbm>> -> memref<80x64xf32, #tpu.memory_space<hbm>>
      %dma_wait3A_89 = arith.constant 0 : i32
      %dma_wait3A_90 = arith.constant 0 : i32
      %dma_wait3A_91 = tpu.memref_slice %arg4[%dma_wait3A_89, %dma_wait3A_90] : memref<10240x64xf32, #tpu.memory_space<hbm>> -> memref<80x64xf32, #tpu.memory_space<hbm>>
      tpu.wait_dma2 semaphore(%arg15 : memref<!tpu.dma_semaphore, #tpu.memory_space<semaphore_mem>>) src(%dma_wait3A_91 : memref<80x64xf32, #tpu.memory_space<hbm>>) dst(%arg9 : memref<80x64xf32, #tpu.memory_space<vmem>>)
      %mul3A_92 = arith.constant 80 : i32
      %mul3A_93 = arith.muli %add3A_85, %mul3A_92 : i32
      %dma_start3A_94 = tpu.memref_slice %arg7[%mul3A_93] : memref<10000xi32, #tpu.memory_space<vmem>> -> memref<80xi32, #tpu.memory_space<vmem>>
      %dma_start3A_95 = arith.constant 0 : i32
      %dma_start3A_96 = arith.constant 0 : i32
      %dma_start3A_97 = tpu.memref_slice %arg13[%dma_start3A_95, %dma_start3A_96] : memref<10240x64xf32, #tpu.memory_space<vmem_shared>> -> memref<10240x64xf32, #tpu.memory_space<vmem_shared>>
      tpu.enqueue_indirect_dma source(%arg9 : memref<80x64xf32, #tpu.memory_space<vmem>>) target(%dma_start3A_97 : memref<10240x64xf32, #tpu.memory_space<vmem_shared>>) offsets(%dma_start3A_94 : memref<80xi32, #tpu.memory_space<vmem>>) semaphore(%arg20 : memref<!tpu.dma_semaphore, #tpu.memory_space<semaphore_mem>>) {add = true}
      %add3A_98 = arith.constant 4 : i32
      %add3A_99 = arith.addi %add3A_85, %add3A_98 : i32
      %lt3A_100 = arith.constant 125 : i32
      %lt3A_101 = arith.cmpi slt, %add3A_99, %lt3A_100 : i32
      %convert_element_type3A_102 = arith.extui %lt3A_101 : i1 to i32
      %cond3A_103 = arith.constant 0 : i32
      %cond3A_104 = arith.cmpi ne, %convert_element_type3A_102, %cond3A_103 : i32
      scf.if %cond3A_104 {
        %ge3A = arith.constant 1 : i32
        %ge3A_168 = arith.cmpi sge, %add3A_85, %ge3A : i32
        %convert_element_type3A_169 = arith.extui %ge3A_168 : i1 to i32
        %cond3A_170 = arith.constant 0 : i32
        %cond3A_171 = arith.cmpi ne, %convert_element_type3A_169, %cond3A_170 : i32
        scf.if %cond3A_171 {
          %dma_wait3A_180 = arith.constant 0 : i32
          %dma_wait3A_181 = arith.constant 0 : i32
          %dma_wait3A_182 = tpu.memref_slice %arg4[%dma_wait3A_180, %dma_wait3A_181] : memref<10240x64xf32, #tpu.memory_space<hbm>> -> memref<80x64xf32, #tpu.memory_space<hbm>>
          %dma_wait3A_183 = arith.constant 0 : i32
          %dma_wait3A_184 = arith.constant 0 : i32
          %dma_wait3A_185 = tpu.memref_slice %arg4[%dma_wait3A_183, %dma_wait3A_184] : memref<10240x64xf32, #tpu.memory_space<hbm>> -> memref<80x64xf32, #tpu.memory_space<hbm>>
          tpu.wait_dma2 semaphore(%arg19 : memref<!tpu.dma_semaphore, #tpu.memory_space<semaphore_mem>>) src(%dma_wait3A_185 : memref<80x64xf32, #tpu.memory_space<hbm>>) dst(%arg8 : memref<80x64xf32, #tpu.memory_space<vmem>>)
        } else {
        }
        %add3A_172 = arith.constant 4 : i32
        %add3A_173 = arith.addi %add3A_85, %add3A_172 : i32
        %mul3A_174 = arith.constant 80 : i32
        %mul3A_175 = arith.muli %add3A_173, %mul3A_174 : i32
        %dma_start3A_176 = tpu.memref_slice %arg6[%mul3A_175] : memref<10000xi32, #tpu.memory_space<vmem>> -> memref<80xi32, #tpu.memory_space<vmem>>
        %dma_start3A_177 = arith.constant 0 : i32
        %dma_start3A_178 = arith.constant 0 : i32
        %dma_start3A_179 = tpu.memref_slice %arg2[%dma_start3A_177, %dma_start3A_178] : memref<10000x64xf32, #tpu.memory_space<hbm>> -> memref<10000x64xf32, #tpu.memory_space<hbm>>
        tpu.enqueue_indirect_dma source(%dma_start3A_179 : memref<10000x64xf32, #tpu.memory_space<hbm>>) target(%arg8 : memref<80x64xf32, #tpu.memory_space<vmem>>) offsets(%dma_start3A_176 : memref<80xi32, #tpu.memory_space<vmem>>) semaphore(%arg14 : memref<!tpu.dma_semaphore, #tpu.memory_space<semaphore_mem>>)
      } else {
      }
      %add3A_105 = arith.constant 2 : i32
      %add3A_106 = arith.addi %add3A_65, %add3A_105 : i32
      %dma_wait3A_107 = arith.constant 0 : i32
      %dma_wait3A_108 = arith.constant 0 : i32
      %dma_wait3A_109 = tpu.memref_slice %arg4[%dma_wait3A_107, %dma_wait3A_108] : memref<10240x64xf32, #tpu.memory_space<hbm>> -> memref<80x64xf32, #tpu.memory_space<hbm>>
      %dma_wait3A_110 = arith.constant 0 : i32
      %dma_wait3A_111 = arith.constant 0 : i32
      %dma_wait3A_112 = tpu.memref_slice %arg4[%dma_wait3A_110, %dma_wait3A_111] : memref<10240x64xf32, #tpu.memory_space<hbm>> -> memref<80x64xf32, #tpu.memory_space<hbm>>
      tpu.wait_dma2 semaphore(%arg16 : memref<!tpu.dma_semaphore, #tpu.memory_space<semaphore_mem>>) src(%dma_wait3A_112 : memref<80x64xf32, #tpu.memory_space<hbm>>) dst(%arg10 : memref<80x64xf32, #tpu.memory_space<vmem>>)
      %mul3A_113 = arith.constant 80 : i32
      %mul3A_114 = arith.muli %add3A_106, %mul3A_113 : i32
      %dma_start3A_115 = tpu.memref_slice %arg7[%mul3A_114] : memref<10000xi32, #tpu.memory_space<vmem>> -> memref<80xi32, #tpu.memory_space<vmem>>
      %dma_start3A_116 = arith.constant 0 : i32
      %dma_start3A_117 = arith.constant 0 : i32
      %dma_start3A_118 = tpu.memref_slice %arg13[%dma_start3A_116, %dma_start3A_117] : memref<10240x64xf32, #tpu.memory_space<vmem_shared>> -> memref<10240x64xf32, #tpu.memory_space<vmem_shared>>
      tpu.enqueue_indirect_dma source(%arg10 : memref<80x64xf32, #tpu.memory_space<vmem>>) target(%dma_start3A_118 : memref<10240x64xf32, #tpu.memory_space<vmem_shared>>) offsets(%dma_start3A_115 : memref<80xi32, #tpu.memory_space<vmem>>) semaphore(%arg21 : memref<!tpu.dma_semaphore, #tpu.memory_space<semaphore_mem>>) {add = true}
      %add3A_119 = arith.constant 4 : i32
      %add3A_120 = arith.addi %add3A_106, %add3A_119 : i32
      %lt3A_121 = arith.constant 125 : i32
      %lt3A_122 = arith.cmpi slt, %add3A_120, %lt3A_121 : i32
      %convert_element_type3A_123 = arith.extui %lt3A_122 : i1 to i32
      %cond3A_124 = arith.constant 0 : i32
      %cond3A_125 = arith.cmpi ne, %convert_element_type3A_123, %cond3A_124 : i32
      scf.if %cond3A_125 {
        %ge3A = arith.constant 1 : i32
        %ge3A_168 = arith.cmpi sge, %add3A_106, %ge3A : i32
        %convert_element_type3A_169 = arith.extui %ge3A_168 : i1 to i32
        %cond3A_170 = arith.constant 0 : i32
        %cond3A_171 = arith.cmpi ne, %convert_element_type3A_169, %cond3A_170 : i32
        scf.if %cond3A_171 {
          %dma_wait3A_180 = arith.constant 0 : i32
          %dma_wait3A_181 = arith.constant 0 : i32
          %dma_wait3A_182 = tpu.memref_slice %arg4[%dma_wait3A_180, %dma_wait3A_181] : memref<10240x64xf32, #tpu.memory_space<hbm>> -> memref<80x64xf32, #tpu.memory_space<hbm>>
          %dma_wait3A_183 = arith.constant 0 : i32
          %dma_wait3A_184 = arith.constant 0 : i32
          %dma_wait3A_185 = tpu.memref_slice %arg4[%dma_wait3A_183, %dma_wait3A_184] : memref<10240x64xf32, #tpu.memory_space<hbm>> -> memref<80x64xf32, #tpu.memory_space<hbm>>
          tpu.wait_dma2 semaphore(%arg20 : memref<!tpu.dma_semaphore, #tpu.memory_space<semaphore_mem>>) src(%dma_wait3A_185 : memref<80x64xf32, #tpu.memory_space<hbm>>) dst(%arg9 : memref<80x64xf32, #tpu.memory_space<vmem>>)
        } else {
        }
        %add3A_172 = arith.constant 4 : i32
        %add3A_173 = arith.addi %add3A_106, %add3A_172 : i32
        %mul3A_174 = arith.constant 80 : i32
        %mul3A_175 = arith.muli %add3A_173, %mul3A_174 : i32
        %dma_start3A_176 = tpu.memref_slice %arg6[%mul3A_175] : memref<10000xi32, #tpu.memory_space<vmem>> -> memref<80xi32, #tpu.memory_space<vmem>>
        %dma_start3A_177 = arith.constant 0 : i32
        %dma_start3A_178 = arith.constant 0 : i32
        %dma_start3A_179 = tpu.memref_slice %arg2[%dma_start3A_177, %dma_start3A_178] : memref<10000x64xf32, #tpu.memory_space<hbm>> -> memref<10000x64xf32, #tpu.memory_space<hbm>>
        tpu.enqueue_indirect_dma source(%dma_start3A_179 : memref<10000x64xf32, #tpu.memory_space<hbm>>) target(%arg9 : memref<80x64xf32, #tpu.memory_space<vmem>>) offsets(%dma_start3A_176 : memref<80xi32, #tpu.memory_space<vmem>>) semaphore(%arg15 : memref<!tpu.dma_semaphore, #tpu.memory_space<semaphore_mem>>)
      } else {
      }
      %add3A_126 = arith.constant 3 : i32
      %add3A_127 = arith.addi %add3A_65, %add3A_126 : i32
      %dma_wait3A_128 = arith.constant 0 : i32
      %dma_wait3A_129 = arith.constant 0 : i32
      %dma_wait3A_130 = tpu.memref_slice %arg4[%dma_wait3A_128, %dma_wait3A_129] : memref<10240x64xf32, #tpu.memory_space<hbm>> -> memref<80x64xf32, #tpu.memory_space<hbm>>
      %dma_wait3A_131 = arith.constant 0 : i32
      %dma_wait3A_132 = arith.constant 0 : i32
      %dma_wait3A_133 = tpu.memref_slice %arg4[%dma_wait3A_131, %dma_wait3A_132] : memref<10240x64xf32, #tpu.memory_space<hbm>> -> memref<80x64xf32, #tpu.memory_space<hbm>>
      tpu.wait_dma2 semaphore(%arg17 : memref<!tpu.dma_semaphore, #tpu.memory_space<semaphore_mem>>) src(%dma_wait3A_133 : memref<80x64xf32, #tpu.memory_space<hbm>>) dst(%arg11 : memref<80x64xf32, #tpu.memory_space<vmem>>)
      %mul3A_134 = arith.constant 80 : i32
      %mul3A_135 = arith.muli %add3A_127, %mul3A_134 : i32
      %dma_start3A_136 = tpu.memref_slice %arg7[%mul3A_135] : memref<10000xi32, #tpu.memory_space<vmem>> -> memref<80xi32, #tpu.memory_space<vmem>>
      %dma_start3A_137 = arith.constant 0 : i32
      %dma_start3A_138 = arith.constant 0 : i32
      %dma_start3A_139 = tpu.memref_slice %arg13[%dma_start3A_137, %dma_start3A_138] : memref<10240x64xf32, #tpu.memory_space<vmem_shared>> -> memref<10240x64xf32, #tpu.memory_space<vmem_shared>>
      tpu.enqueue_indirect_dma source(%arg11 : memref<80x64xf32, #tpu.memory_space<vmem>>) target(%dma_start3A_139 : memref<10240x64xf32, #tpu.memory_space<vmem_shared>>) offsets(%dma_start3A_136 : memref<80xi32, #tpu.memory_space<vmem>>) semaphore(%arg22 : memref<!tpu.dma_semaphore, #tpu.memory_space<semaphore_mem>>) {add = true}
      %add3A_140 = arith.constant 4 : i32
      %add3A_141 = arith.addi %add3A_127, %add3A_140 : i32
      %lt3A_142 = arith.constant 125 : i32
      %lt3A_143 = arith.cmpi slt, %add3A_141, %lt3A_142 : i32
      %convert_element_type3A_144 = arith.extui %lt3A_143 : i1 to i32
      %cond3A_145 = arith.constant 0 : i32
      %cond3A_146 = arith.cmpi ne, %convert_element_type3A_144, %cond3A_145 : i32
      scf.if %cond3A_146 {
        %ge3A = arith.constant 1 : i32
        %ge3A_168 = arith.cmpi sge, %add3A_127, %ge3A : i32
        %convert_element_type3A_169 = arith.extui %ge3A_168 : i1 to i32
        %cond3A_170 = arith.constant 0 : i32
        %cond3A_171 = arith.cmpi ne, %convert_element_type3A_169, %cond3A_170 : i32
        scf.if %cond3A_171 {
          %dma_wait3A_180 = arith.constant 0 : i32
          %dma_wait3A_181 = arith.constant 0 : i32
          %dma_wait3A_182 = tpu.memref_slice %arg4[%dma_wait3A_180, %dma_wait3A_181] : memref<10240x64xf32, #tpu.memory_space<hbm>> -> memref<80x64xf32, #tpu.memory_space<hbm>>
          %dma_wait3A_183 = arith.constant 0 : i32
          %dma_wait3A_184 = arith.constant 0 : i32
          %dma_wait3A_185 = tpu.memref_slice %arg4[%dma_wait3A_183, %dma_wait3A_184] : memref<10240x64xf32, #tpu.memory_space<hbm>> -> memref<80x64xf32, #tpu.memory_space<hbm>>
          tpu.wait_dma2 semaphore(%arg21 : memref<!tpu.dma_semaphore, #tpu.memory_space<semaphore_mem>>) src(%dma_wait3A_185 : memref<80x64xf32, #tpu.memory_space<hbm>>) dst(%arg10 : memref<80x64xf32, #tpu.memory_space<vmem>>)
        } else {
        }
        %add3A_172 = arith.constant 4 : i32
        %add3A_173 = arith.addi %add3A_127, %add3A_172 : i32
        %mul3A_174 = arith.constant 80 : i32
        %mul3A_175 = arith.muli %add3A_173, %mul3A_174 : i32
        %dma_start3A_176 = tpu.memref_slice %arg6[%mul3A_175] : memref<10000xi32, #tpu.memory_space<vmem>> -> memref<80xi32, #tpu.memory_space<vmem>>
        %dma_start3A_177 = arith.constant 0 : i32
        %dma_start3A_178 = arith.constant 0 : i32
        %dma_start3A_179 = tpu.memref_slice %arg2[%dma_start3A_177, %dma_start3A_178] : memref<10000x64xf32, #tpu.memory_space<hbm>> -> memref<10000x64xf32, #tpu.memory_space<hbm>>
        tpu.enqueue_indirect_dma source(%dma_start3A_179 : memref<10000x64xf32, #tpu.memory_space<hbm>>) target(%arg10 : memref<80x64xf32, #tpu.memory_space<vmem>>) offsets(%dma_start3A_176 : memref<80xi32, #tpu.memory_space<vmem>>) semaphore(%arg16 : memref<!tpu.dma_semaphore, #tpu.memory_space<semaphore_mem>>)
      } else {
      }
      %add3A_147 = arith.constant 4 : i32
      %add3A_148 = arith.addi %add3A_65, %add3A_147 : i32
      %dma_wait3A_149 = arith.constant 0 : i32
      %dma_wait3A_150 = arith.constant 0 : i32
      %dma_wait3A_151 = tpu.memref_slice %arg4[%dma_wait3A_149, %dma_wait3A_150] : memref<10240x64xf32, #tpu.memory_space<hbm>> -> memref<80x64xf32, #tpu.memory_space<hbm>>
      %dma_wait3A_152 = arith.constant 0 : i32
      %dma_wait3A_153 = arith.constant 0 : i32
      %dma_wait3A_154 = tpu.memref_slice %arg4[%dma_wait3A_152, %dma_wait3A_153] : memref<10240x64xf32, #tpu.memory_space<hbm>> -> memref<80x64xf32, #tpu.memory_space<hbm>>
      tpu.wait_dma2 semaphore(%arg18 : memref<!tpu.dma_semaphore, #tpu.memory_space<semaphore_mem>>) src(%dma_wait3A_154 : memref<80x64xf32, #tpu.memory_space<hbm>>) dst(%arg12 : memref<80x64xf32, #tpu.memory_space<vmem>>)
      %mul3A_155 = arith.constant 80 : i32
      %mul3A_156 = arith.muli %add3A_148, %mul3A_155 : i32
      %dma_start3A_157 = tpu.memref_slice %arg7[%mul3A_156] : memref<10000xi32, #tpu.memory_space<vmem>> -> memref<80xi32, #tpu.memory_space<vmem>>
      %dma_start3A_158 = arith.constant 0 : i32
      %dma_start3A_159 = arith.constant 0 : i32
      %dma_start3A_160 = tpu.memref_slice %arg13[%dma_start3A_158, %dma_start3A_159] : memref<10240x64xf32, #tpu.memory_space<vmem_shared>> -> memref<10240x64xf32, #tpu.memory_space<vmem_shared>>
      tpu.enqueue_indirect_dma source(%arg12 : memref<80x64xf32, #tpu.memory_space<vmem>>) target(%dma_start3A_160 : memref<10240x64xf32, #tpu.memory_space<vmem_shared>>) offsets(%dma_start3A_157 : memref<80xi32, #tpu.memory_space<vmem>>) semaphore(%arg23 : memref<!tpu.dma_semaphore, #tpu.memory_space<semaphore_mem>>) {add = true}
      %add3A_161 = arith.constant 4 : i32
      %add3A_162 = arith.addi %add3A_148, %add3A_161 : i32
      %lt3A_163 = arith.constant 125 : i32
      %lt3A_164 = arith.cmpi slt, %add3A_162, %lt3A_163 : i32
      %convert_element_type3A_165 = arith.extui %lt3A_164 : i1 to i32
      %cond3A_166 = arith.constant 0 : i32
      %cond3A_167 = arith.cmpi ne, %convert_element_type3A_165, %cond3A_166 : i32
      scf.if %cond3A_167 {
        %ge3A = arith.constant 1 : i32
        %ge3A_168 = arith.cmpi sge, %add3A_148, %ge3A : i32
        %convert_element_type3A_169 = arith.extui %ge3A_168 : i1 to i32
        %cond3A_170 = arith.constant 0 : i32
        %cond3A_171 = arith.cmpi ne, %convert_element_type3A_169, %cond3A_170 : i32
        scf.if %cond3A_171 {
          %dma_wait3A_180 = arith.constant 0 : i32
          %dma_wait3A_181 = arith.constant 0 : i32
          %dma_wait3A_182 = tpu.memref_slice %arg4[%dma_wait3A_180, %dma_wait3A_181] : memref<10240x64xf32, #tpu.memory_space<hbm>> -> memref<80x64xf32, #tpu.memory_space<hbm>>
          %dma_wait3A_183 = arith.constant 0 : i32
          %dma_wait3A_184 = arith.constant 0 : i32
          %dma_wait3A_185 = tpu.memref_slice %arg4[%dma_wait3A_183, %dma_wait3A_184] : memref<10240x64xf32, #tpu.memory_space<hbm>> -> memref<80x64xf32, #tpu.memory_space<hbm>>
          tpu.wait_dma2 semaphore(%arg22 : memref<!tpu.dma_semaphore, #tpu.memory_space<semaphore_mem>>) src(%dma_wait3A_185 : memref<80x64xf32, #tpu.memory_space<hbm>>) dst(%arg11 : memref<80x64xf32, #tpu.memory_space<vmem>>)
        } else {
        }
        %add3A_172 = arith.constant 4 : i32
        %add3A_173 = arith.addi %add3A_148, %add3A_172 : i32
        %mul3A_174 = arith.constant 80 : i32
        %mul3A_175 = arith.muli %add3A_173, %mul3A_174 : i32
        %dma_start3A_176 = tpu.memref_slice %arg6[%mul3A_175] : memref<10000xi32, #tpu.memory_space<vmem>> -> memref<80xi32, #tpu.memory_space<vmem>>
        %dma_start3A_177 = arith.constant 0 : i32
        %dma_start3A_178 = arith.constant 0 : i32
        %dma_start3A_179 = tpu.memref_slice %arg2[%dma_start3A_177, %dma_start3A_178] : memref<10000x64xf32, #tpu.memory_space<hbm>> -> memref<10000x64xf32, #tpu.memory_space<hbm>>
        tpu.enqueue_indirect_dma source(%dma_start3A_179 : memref<10000x64xf32, #tpu.memory_space<hbm>>) target(%arg11 : memref<80x64xf32, #tpu.memory_space<vmem>>) offsets(%dma_start3A_176 : memref<80xi32, #tpu.memory_space<vmem>>) semaphore(%arg17 : memref<!tpu.dma_semaphore, #tpu.memory_space<semaphore_mem>>)
      } else {
      }
    }
    %scan3A_30 = arith.constant 25 : i32
    %dma_wait3A = arith.constant 0 : i32
    %dma_wait3A_31 = arith.constant 0 : i32
    %dma_wait3A_32 = tpu.memref_slice %arg4[%dma_wait3A, %dma_wait3A_31] : memref<10240x64xf32, #tpu.memory_space<hbm>> -> memref<80x64xf32, #tpu.memory_space<hbm>>
    %dma_wait3A_33 = arith.constant 0 : i32
    %dma_wait3A_34 = arith.constant 0 : i32
    %dma_wait3A_35 = tpu.memref_slice %arg4[%dma_wait3A_33, %dma_wait3A_34] : memref<10240x64xf32, #tpu.memory_space<hbm>> -> memref<80x64xf32, #tpu.memory_space<hbm>>
    tpu.wait_dma2 semaphore(%arg19 : memref<!tpu.dma_semaphore, #tpu.memory_space<semaphore_mem>>) src(%dma_wait3A_35 : memref<80x64xf32, #tpu.memory_space<hbm>>) dst(%arg8 : memref<80x64xf32, #tpu.memory_space<vmem>>)
    %dma_wait3A_36 = arith.constant 0 : i32
    %dma_wait3A_37 = arith.constant 0 : i32
    %dma_wait3A_38 = tpu.memref_slice %arg4[%dma_wait3A_36, %dma_wait3A_37] : memref<10240x64xf32, #tpu.memory_space<hbm>> -> memref<80x64xf32, #tpu.memory_space<hbm>>
    %dma_wait3A_39 = arith.constant 0 : i32
    %dma_wait3A_40 = arith.constant 0 : i32
    %dma_wait3A_41 = tpu.memref_slice %arg4[%dma_wait3A_39, %dma_wait3A_40] : memref<10240x64xf32, #tpu.memory_space<hbm>> -> memref<80x64xf32, #tpu.memory_space<hbm>>
    tpu.wait_dma2 semaphore(%arg20 : memref<!tpu.dma_semaphore, #tpu.memory_space<semaphore_mem>>) src(%dma_wait3A_41 : memref<80x64xf32, #tpu.memory_space<hbm>>) dst(%arg9 : memref<80x64xf32, #tpu.memory_space<vmem>>)
    %dma_wait3A_42 = arith.constant 0 : i32
    %dma_wait3A_43 = arith.constant 0 : i32
    %dma_wait3A_44 = tpu.memref_slice %arg4[%dma_wait3A_42, %dma_wait3A_43] : memref<10240x64xf32, #tpu.memory_space<hbm>> -> memref<80x64xf32, #tpu.memory_space<hbm>>
    %dma_wait3A_45 = arith.constant 0 : i32
    %dma_wait3A_46 = arith.constant 0 : i32
    %dma_wait3A_47 = tpu.memref_slice %arg4[%dma_wait3A_45, %dma_wait3A_46] : memref<10240x64xf32, #tpu.memory_space<hbm>> -> memref<80x64xf32, #tpu.memory_space<hbm>>
    tpu.wait_dma2 semaphore(%arg21 : memref<!tpu.dma_semaphore, #tpu.memory_space<semaphore_mem>>) src(%dma_wait3A_47 : memref<80x64xf32, #tpu.memory_space<hbm>>) dst(%arg10 : memref<80x64xf32, #tpu.memory_space<vmem>>)
    %dma_wait3A_48 = arith.constant 0 : i32
    %dma_wait3A_49 = arith.constant 0 : i32
    %dma_wait3A_50 = tpu.memref_slice %arg4[%dma_wait3A_48, %dma_wait3A_49] : memref<10240x64xf32, #tpu.memory_space<hbm>> -> memref<80x64xf32, #tpu.memory_space<hbm>>
    %dma_wait3A_51 = arith.constant 0 : i32
    %dma_wait3A_52 = arith.constant 0 : i32
    %dma_wait3A_53 = tpu.memref_slice %arg4[%dma_wait3A_51, %dma_wait3A_52] : memref<10240x64xf32, #tpu.memory_space<hbm>> -> memref<80x64xf32, #tpu.memory_space<hbm>>
    tpu.wait_dma2 semaphore(%arg22 : memref<!tpu.dma_semaphore, #tpu.memory_space<semaphore_mem>>) src(%dma_wait3A_53 : memref<80x64xf32, #tpu.memory_space<hbm>>) dst(%arg11 : memref<80x64xf32, #tpu.memory_space<vmem>>)
    %dma_wait3A_54 = arith.constant 0 : i32
    %dma_wait3A_55 = arith.constant 0 : i32
    %dma_wait3A_56 = tpu.memref_slice %arg4[%dma_wait3A_54, %dma_wait3A_55] : memref<10240x64xf32, #tpu.memory_space<hbm>> -> memref<80x64xf32, #tpu.memory_space<hbm>>
    %dma_wait3A_57 = arith.constant 0 : i32
    %dma_wait3A_58 = arith.constant 0 : i32
    %dma_wait3A_59 = tpu.memref_slice %arg4[%dma_wait3A_57, %dma_wait3A_58] : memref<10240x64xf32, #tpu.memory_space<hbm>> -> memref<80x64xf32, #tpu.memory_space<hbm>>
    tpu.wait_dma2 semaphore(%arg23 : memref<!tpu.dma_semaphore, #tpu.memory_space<semaphore_mem>>) src(%dma_wait3A_59 : memref<80x64xf32, #tpu.memory_space<hbm>>) dst(%arg12 : memref<80x64xf32, #tpu.memory_space<vmem>>)
    %barrier3A_60 = arith.constant 0 : index
    tpu.barrier barrier_id(%barrier3A_60)
    "tpu.region"() ({
      %run_scoped3A_61 = tpu.sem_alloc : memref<!tpu.dma_semaphore, #tpu.memory_space<semaphore_mem>>
      %dma_start3A_62 = arith.constant 0 : i32
      %dma_start3A_63 = tpu.memref_slice %arg5[%arg0, %mul3A_2, %dma_start3A_62] : memref<2x10240x64xf32, #tpu.memory_space<hbm>> -> memref<1x640x64xf32, #tpu.memory_space<hbm>>
      %dma_start3A_64 = tpu.memref_squeeze %dma_start3A_63 : memref<1x640x64xf32, #tpu.memory_space<hbm>> -> memref<640x64xf32, #tpu.memory_space<hbm>>
      %dma_start3A_65 = arith.constant 0 : i32
      %dma_start3A_66 = tpu.memref_slice %arg13[%mul3A_2, %dma_start3A_65] : memref<10240x64xf32, #tpu.memory_space<vmem_shared>> -> memref<640x64xf32, #tpu.memory_space<vmem_shared>>
      tpu.enqueue_dma source(%dma_start3A_66 : memref<640x64xf32, #tpu.memory_space<vmem_shared>>) target(%dma_start3A_64 : memref<640x64xf32, #tpu.memory_space<hbm>>) target_semaphore(%run_scoped3A_61 : memref<!tpu.dma_semaphore, #tpu.memory_space<semaphore_mem>>)
      %dma_wait3A_67 = arith.constant 0 : i32
      %dma_wait3A_68 = tpu.memref_slice %arg5[%arg0, %mul3A_2, %dma_wait3A_67] : memref<2x10240x64xf32, #tpu.memory_space<hbm>> -> memref<1x640x64xf32, #tpu.memory_space<hbm>>
      %dma_wait3A_69 = tpu.memref_squeeze %dma_wait3A_68 : memref<1x640x64xf32, #tpu.memory_space<hbm>> -> memref<640x64xf32, #tpu.memory_space<hbm>>
      %dma_wait3A_70 = arith.constant 0 : i32
      %dma_wait3A_71 = tpu.memref_slice %arg13[%mul3A_2, %dma_wait3A_70] : memref<10240x64xf32, #tpu.memory_space<vmem_shared>> -> memref<640x64xf32, #tpu.memory_space<vmem_shared>>
      tpu.wait_dma2 semaphore(%run_scoped3A_61 : memref<!tpu.dma_semaphore, #tpu.memory_space<semaphore_mem>>) src(%dma_wait3A_71 : memref<640x64xf32, #tpu.memory_space<vmem_shared>>) dst(%dma_wait3A_69 : memref<640x64xf32, #tpu.memory_space<hbm>>)
      tpu.yield
    }) : () -> ()
    return
  }
}

#map = affine_map<(d0, d1) -> (0, 0)>
#map1 = affine_map<(d0, d1) -> (0, 0, 0)>
module attributes {stable_mosaic.version = 14 : i64} {
  func.func @_deg_kernel(%arg0: i32, %arg1: i32, %arg2: memref<80x16xf32, #tpu.memory_space<hbm>>, %arg3: memref<2x320000xi32, #tpu.memory_space<hbm>>, %arg4: memref<10240x16xf32, #tpu.memory_space<hbm>>, %arg5: memref<2x10240x16xf32, #tpu.memory_space<hbm>>, %arg6: memref<10000xi32, #tpu.memory_space<vmem>>, %arg7: memref<80x16xf32, #tpu.memory_space<vmem>>, %arg8: memref<10240x16xf32, #tpu.memory_space<vmem_shared>>, %arg9: memref<!tpu.dma_semaphore, #tpu.memory_space<semaphore_mem>>) attributes {dimension_semantics = [#tpu.dimension_semantics<core_parallel>, #tpu.dimension_semantics<subcore_parallel>], iteration_bounds = array<i64: 2, 16>, scalar_prefetch = 0 : i64, scratch_operands = 4 : i64, tpu.core_type = #tpu.core_type<sc_vector_subcore>, window_params = [{transform_indices = #map}, {transform_indices = #map}, {transform_indices = #map}, {transform_indices = #map1}]} {
    %mul3A = arith.constant 16 : i32
    %mul3A_0 = arith.muli %arg0, %mul3A : i32
    %add3A = arith.addi %mul3A_0, %arg1 : i32
    %mul3A_1 = arith.constant 640 : i32
    %mul3A_2 = arith.muli %arg1, %mul3A_1 : i32
    "tpu.region"() ({
      %run_scoped3A_15 = tpu.sem_alloc : memref<!tpu.dma_semaphore, #tpu.memory_space<semaphore_mem>>
      %dma_start3A = arith.constant 0 : i32
      %dma_start3A_16 = tpu.memref_slice %arg8[%mul3A_2, %dma_start3A] : memref<10240x16xf32, #tpu.memory_space<vmem_shared>> -> memref<640x16xf32, #tpu.memory_space<vmem_shared>>
      %dma_start3A_17 = arith.constant 0 : i32
      %dma_start3A_18 = tpu.memref_slice %arg4[%mul3A_2, %dma_start3A_17] : memref<10240x16xf32, #tpu.memory_space<hbm>> -> memref<640x16xf32, #tpu.memory_space<hbm>>
      tpu.enqueue_dma source(%dma_start3A_18 : memref<640x16xf32, #tpu.memory_space<hbm>>) target(%dma_start3A_16 : memref<640x16xf32, #tpu.memory_space<vmem_shared>>) target_semaphore(%run_scoped3A_15 : memref<!tpu.dma_semaphore, #tpu.memory_space<semaphore_mem>>)
      %dma_wait3A = arith.constant 0 : i32
      %dma_wait3A_19 = tpu.memref_slice %arg8[%mul3A_2, %dma_wait3A] : memref<10240x16xf32, #tpu.memory_space<vmem_shared>> -> memref<640x16xf32, #tpu.memory_space<vmem_shared>>
      %dma_wait3A_20 = arith.constant 0 : i32
      %dma_wait3A_21 = tpu.memref_slice %arg4[%mul3A_2, %dma_wait3A_20] : memref<10240x16xf32, #tpu.memory_space<hbm>> -> memref<640x16xf32, #tpu.memory_space<hbm>>
      tpu.wait_dma2 semaphore(%run_scoped3A_15 : memref<!tpu.dma_semaphore, #tpu.memory_space<semaphore_mem>>) src(%dma_wait3A_21 : memref<640x16xf32, #tpu.memory_space<hbm>>) dst(%dma_wait3A_19 : memref<640x16xf32, #tpu.memory_space<vmem_shared>>)
      tpu.yield
    }) : () -> ()
    "tpu.region"() ({
      %run_scoped3A_15 = tpu.sem_alloc : memref<!tpu.dma_semaphore, #tpu.memory_space<semaphore_mem>>
      tpu.enqueue_dma source(%arg2 : memref<80x16xf32, #tpu.memory_space<hbm>>) target(%arg7 : memref<80x16xf32, #tpu.memory_space<vmem>>) target_semaphore(%run_scoped3A_15 : memref<!tpu.dma_semaphore, #tpu.memory_space<semaphore_mem>>)
      tpu.wait_dma2 semaphore(%run_scoped3A_15 : memref<!tpu.dma_semaphore, #tpu.memory_space<semaphore_mem>>) src(%arg2 : memref<80x16xf32, #tpu.memory_space<hbm>>) dst(%arg7 : memref<80x16xf32, #tpu.memory_space<vmem>>)
      tpu.yield
    }) : () -> ()
    %mul3A_3 = arith.constant 10000 : i32
    %mul3A_4 = arith.muli %add3A, %mul3A_3 : i32
    %run_scoped3A = arith.constant 1 : i32
    "tpu.region"() ({
      %run_scoped3A_15 = tpu.sem_alloc : memref<!tpu.dma_semaphore, #tpu.memory_space<semaphore_mem>>
      %dma_start3A = tpu.memref_slice %arg3[%run_scoped3A, %mul3A_4] : memref<2x320000xi32, #tpu.memory_space<hbm>> -> memref<1x10000xi32, #tpu.memory_space<hbm>>
      %dma_start3A_16 = tpu.memref_squeeze %dma_start3A : memref<1x10000xi32, #tpu.memory_space<hbm>> -> memref<10000xi32, #tpu.memory_space<hbm>>
      %dma_start3A_17 = tpu.memref_slice %arg3[%run_scoped3A, %mul3A_4] : memref<2x320000xi32, #tpu.memory_space<hbm>> -> memref<1x10000xi32, #tpu.memory_space<hbm>>
      %dma_start3A_18 = tpu.memref_squeeze %dma_start3A_17 : memref<1x10000xi32, #tpu.memory_space<hbm>> -> memref<10000xi32, #tpu.memory_space<hbm>>
      tpu.enqueue_dma source(%dma_start3A_18 : memref<10000xi32, #tpu.memory_space<hbm>>) target(%arg6 : memref<10000xi32, #tpu.memory_space<vmem>>) target_semaphore(%run_scoped3A_15 : memref<!tpu.dma_semaphore, #tpu.memory_space<semaphore_mem>>)
      %dma_wait3A = tpu.memref_slice %arg3[%run_scoped3A, %mul3A_4] : memref<2x320000xi32, #tpu.memory_space<hbm>> -> memref<1x10000xi32, #tpu.memory_space<hbm>>
      %dma_wait3A_19 = tpu.memref_squeeze %dma_wait3A : memref<1x10000xi32, #tpu.memory_space<hbm>> -> memref<10000xi32, #tpu.memory_space<hbm>>
      %dma_wait3A_20 = tpu.memref_slice %arg3[%run_scoped3A, %mul3A_4] : memref<2x320000xi32, #tpu.memory_space<hbm>> -> memref<1x10000xi32, #tpu.memory_space<hbm>>
      %dma_wait3A_21 = tpu.memref_squeeze %dma_wait3A_20 : memref<1x10000xi32, #tpu.memory_space<hbm>> -> memref<10000xi32, #tpu.memory_space<hbm>>
      tpu.wait_dma2 semaphore(%run_scoped3A_15 : memref<!tpu.dma_semaphore, #tpu.memory_space<semaphore_mem>>) src(%dma_wait3A_21 : memref<10000xi32, #tpu.memory_space<hbm>>) dst(%arg6 : memref<10000xi32, #tpu.memory_space<vmem>>)
      tpu.yield
    }) : () -> ()
    %barrier3A = arith.constant 0 : index
    tpu.barrier barrier_id(%barrier3A)
    %scan3A = arith.constant 0 : i32
    %scan3A_5 = arith.constant 125 : i32
    %scan3A_6 = arith.addi %scan3A, %scan3A_5 : i32
    %scan3A_7 = arith.constant 1 : i32
    scf.for %scan3A_15 = %scan3A to %scan3A_6 step %scan3A_7  : i32 {
      %mul3A_16 = arith.constant 1 : i32
      %mul3A_17 = arith.muli %scan3A_15, %mul3A_16 : i32
      %add3A_18 = arith.constant 0 : i32
      %add3A_19 = arith.addi %add3A_18, %mul3A_17 : i32
      %mul3A_20 = arith.constant 80 : i32
      %mul3A_21 = arith.muli %add3A_19, %mul3A_20 : i32
      %dma_start3A = tpu.memref_slice %arg6[%mul3A_21] : memref<10000xi32, #tpu.memory_space<vmem>> -> memref<80xi32, #tpu.memory_space<vmem>>
      %dma_start3A_22 = arith.constant 0 : i32
      %dma_start3A_23 = arith.constant 0 : i32
      %dma_start3A_24 = tpu.memref_slice %arg8[%dma_start3A_22, %dma_start3A_23] : memref<10240x16xf32, #tpu.memory_space<vmem_shared>> -> memref<10240x16xf32, #tpu.memory_space<vmem_shared>>
      tpu.enqueue_indirect_dma source(%arg7 : memref<80x16xf32, #tpu.memory_space<vmem>>) target(%dma_start3A_24 : memref<10240x16xf32, #tpu.memory_space<vmem_shared>>) offsets(%dma_start3A : memref<80xi32, #tpu.memory_space<vmem>>) semaphore(%arg9 : memref<!tpu.dma_semaphore, #tpu.memory_space<semaphore_mem>>) {add = true}
    }
    %scan3A_8 = arith.constant 125 : i32
    %scan3A_9 = arith.constant 0 : i32
    %scan3A_10 = arith.constant 125 : i32
    %scan3A_11 = arith.addi %scan3A_9, %scan3A_10 : i32
    %scan3A_12 = arith.constant 1 : i32
    scf.for %scan3A_15 = %scan3A_9 to %scan3A_11 step %scan3A_12  : i32 {
      %mul3A_16 = arith.constant 1 : i32
      %mul3A_17 = arith.muli %scan3A_15, %mul3A_16 : i32
      %add3A_18 = arith.constant 0 : i32
      %add3A_19 = arith.addi %add3A_18, %mul3A_17 : i32
      %dma_wait3A = arith.constant 0 : i32
      %dma_wait3A_20 = arith.constant 0 : i32
      %dma_wait3A_21 = tpu.memref_slice %arg4[%dma_wait3A, %dma_wait3A_20] : memref<10240x16xf32, #tpu.memory_space<hbm>> -> memref<80x16xf32, #tpu.memory_space<hbm>>
      %dma_wait3A_22 = arith.constant 0 : i32
      %dma_wait3A_23 = arith.constant 0 : i32
      %dma_wait3A_24 = tpu.memref_slice %arg4[%dma_wait3A_22, %dma_wait3A_23] : memref<10240x16xf32, #tpu.memory_space<hbm>> -> memref<80x16xf32, #tpu.memory_space<hbm>>
      tpu.wait_dma2 semaphore(%arg9 : memref<!tpu.dma_semaphore, #tpu.memory_space<semaphore_mem>>) src(%dma_wait3A_24 : memref<80x16xf32, #tpu.memory_space<hbm>>) dst(%arg7 : memref<80x16xf32, #tpu.memory_space<vmem>>)
    }
    %scan3A_13 = arith.constant 125 : i32
    %barrier3A_14 = arith.constant 0 : index
    tpu.barrier barrier_id(%barrier3A_14)
    "tpu.region"() ({
      %run_scoped3A_15 = tpu.sem_alloc : memref<!tpu.dma_semaphore, #tpu.memory_space<semaphore_mem>>
      %dma_start3A = arith.constant 0 : i32
      %dma_start3A_16 = tpu.memref_slice %arg5[%arg0, %mul3A_2, %dma_start3A] : memref<2x10240x16xf32, #tpu.memory_space<hbm>> -> memref<1x640x16xf32, #tpu.memory_space<hbm>>
      %dma_start3A_17 = tpu.memref_squeeze %dma_start3A_16 : memref<1x640x16xf32, #tpu.memory_space<hbm>> -> memref<640x16xf32, #tpu.memory_space<hbm>>
      %dma_start3A_18 = arith.constant 0 : i32
      %dma_start3A_19 = tpu.memref_slice %arg8[%mul3A_2, %dma_start3A_18] : memref<10240x16xf32, #tpu.memory_space<vmem_shared>> -> memref<640x16xf32, #tpu.memory_space<vmem_shared>>
      tpu.enqueue_dma source(%dma_start3A_19 : memref<640x16xf32, #tpu.memory_space<vmem_shared>>) target(%dma_start3A_17 : memref<640x16xf32, #tpu.memory_space<hbm>>) target_semaphore(%run_scoped3A_15 : memref<!tpu.dma_semaphore, #tpu.memory_space<semaphore_mem>>)
      %dma_wait3A = arith.constant 0 : i32
      %dma_wait3A_20 = tpu.memref_slice %arg5[%arg0, %mul3A_2, %dma_wait3A] : memref<2x10240x16xf32, #tpu.memory_space<hbm>> -> memref<1x640x16xf32, #tpu.memory_space<hbm>>
      %dma_wait3A_21 = tpu.memref_squeeze %dma_wait3A_20 : memref<1x640x16xf32, #tpu.memory_space<hbm>> -> memref<640x16xf32, #tpu.memory_space<hbm>>
      %dma_wait3A_22 = arith.constant 0 : i32
      %dma_wait3A_23 = tpu.memref_slice %arg8[%mul3A_2, %dma_wait3A_22] : memref<10240x16xf32, #tpu.memory_space<vmem_shared>> -> memref<640x16xf32, #tpu.memory_space<vmem_shared>>
      tpu.wait_dma2 semaphore(%run_scoped3A_15 : memref<!tpu.dma_semaphore, #tpu.memory_space<semaphore_mem>>) src(%dma_wait3A_23 : memref<640x16xf32, #tpu.memory_space<vmem_shared>>) dst(%dma_wait3A_21 : memref<640x16xf32, #tpu.memory_space<hbm>>)
      tpu.yield
    }) : () -> ()
    return
  }
}

#map = affine_map<(d0, d1) -> (0, 0)>
#map1 = affine_map<(d0, d1) -> (0, 0, 0)>
module attributes {stable_mosaic.version = 14 : i64} {
  func.func @k(%arg0: i32, %arg1: i32, %arg2: memref<10000x32xf32, #tpu.memory_space<hbm>>, %arg3: memref<2x320000xi32, #tpu.memory_space<hbm>>, %arg4: memref<10240x32xf32, #tpu.memory_space<hbm>>, %arg5: memref<2x10240x32xf32, #tpu.memory_space<hbm>>, %arg6: memref<10000xi32, #tpu.memory_space<vmem>>, %arg7: memref<10000xi32, #tpu.memory_space<vmem>>, %arg8: memref<80x32xf32, #tpu.memory_space<vmem>>, %arg9: memref<80x32xf32, #tpu.memory_space<vmem>>, %arg10: memref<80x32xf32, #tpu.memory_space<vmem>>, %arg11: memref<80x32xf32, #tpu.memory_space<vmem>>, %arg12: memref<80x32xf32, #tpu.memory_space<vmem>>, %arg13: memref<10240x32xf32, #tpu.memory_space<vmem_shared>>, %arg14: memref<!tpu.dma_semaphore, #tpu.memory_space<semaphore_mem>>, %arg15: memref<!tpu.dma_semaphore, #tpu.memory_space<semaphore_mem>>, %arg16: memref<!tpu.dma_semaphore, #tpu.memory_space<semaphore_mem>>, %arg17: memref<!tpu.dma_semaphore, #tpu.memory_space<semaphore_mem>>, %arg18: memref<!tpu.dma_semaphore, #tpu.memory_space<semaphore_mem>>, %arg19: memref<!tpu.dma_semaphore, #tpu.memory_space<semaphore_mem>>, %arg20: memref<!tpu.dma_semaphore, #tpu.memory_space<semaphore_mem>>, %arg21: memref<!tpu.dma_semaphore, #tpu.memory_space<semaphore_mem>>, %arg22: memref<!tpu.dma_semaphore, #tpu.memory_space<semaphore_mem>>, %arg23: memref<!tpu.dma_semaphore, #tpu.memory_space<semaphore_mem>>) attributes {dimension_semantics = [#tpu.dimension_semantics<core_parallel>, #tpu.dimension_semantics<subcore_parallel>], iteration_bounds = array<i64: 2, 16>, scalar_prefetch = 0 : i64, scratch_operands = 18 : i64, tpu.core_type = #tpu.core_type<sc_vector_subcore>, window_params = [{transform_indices = #map}, {transform_indices = #map}, {transform_indices = #map}, {transform_indices = #map1}]} {
    %mul3A = arith.constant 16 : i32
    %mul3A_0 = arith.muli %arg0, %mul3A : i32
    %add3A = arith.addi %mul3A_0, %arg1 : i32
    %mul3A_1 = arith.constant 640 : i32
    %mul3A_2 = arith.muli %arg1, %mul3A_1 : i32
    "tpu.region"() ({
      %run_scoped3A_61 = tpu.sem_alloc : memref<!tpu.dma_semaphore, #tpu.memory_space<semaphore_mem>>
      %dma_start3A_62 = arith.constant 0 : i32
      %dma_start3A_63 = tpu.memref_slice %arg13[%mul3A_2, %dma_start3A_62] : memref<10240x32xf32, #tpu.memory_space<vmem_shared>> -> memref<640x32xf32, #tpu.memory_space<vmem_shared>>
      %dma_start3A_64 = arith.constant 0 : i32
      %dma_start3A_65 = tpu.memref_slice %arg4[%mul3A_2, %dma_start3A_64] : memref<10240x32xf32, #tpu.memory_space<hbm>> -> memref<640x32xf32, #tpu.memory_space<hbm>>
      tpu.enqueue_dma source(%dma_start3A_65 : memref<640x32xf32, #tpu.memory_space<hbm>>) target(%dma_start3A_63 : memref<640x32xf32, #tpu.memory_space<vmem_shared>>) target_semaphore(%run_scoped3A_61 : memref<!tpu.dma_semaphore, #tpu.memory_space<semaphore_mem>>)
      %dma_wait3A_66 = arith.constant 0 : i32
      %dma_wait3A_67 = tpu.memref_slice %arg13[%mul3A_2, %dma_wait3A_66] : memref<10240x32xf32, #tpu.memory_space<vmem_shared>> -> memref<640x32xf32, #tpu.memory_space<vmem_shared>>
      %dma_wait3A_68 = arith.constant 0 : i32
      %dma_wait3A_69 = tpu.memref_slice %arg4[%mul3A_2, %dma_wait3A_68] : memref<10240x32xf32, #tpu.memory_space<hbm>> -> memref<640x32xf32, #tpu.memory_space<hbm>>
      tpu.wait_dma2 semaphore(%run_scoped3A_61 : memref<!tpu.dma_semaphore, #tpu.memory_space<semaphore_mem>>) src(%dma_wait3A_69 : memref<640x32xf32, #tpu.memory_space<hbm>>) dst(%dma_wait3A_67 : memref<640x32xf32, #tpu.memory_space<vmem_shared>>)
      tpu.yield
    }) : () -> ()
    %mul3A_3 = arith.constant 10000 : i32
    %mul3A_4 = arith.muli %add3A, %mul3A_3 : i32
    %run_scoped3A = arith.constant 0 : i32
    "tpu.region"() ({
      %run_scoped3A_61 = tpu.sem_alloc : memref<!tpu.dma_semaphore, #tpu.memory_space<semaphore_mem>>
      %dma_start3A_62 = tpu.memref_slice %arg3[%run_scoped3A, %mul3A_4] : memref<2x320000xi32, #tpu.memory_space<hbm>> -> memref<1x10000xi32, #tpu.memory_space<hbm>>
      %dma_start3A_63 = tpu.memref_squeeze %dma_start3A_62 : memref<1x10000xi32, #tpu.memory_space<hbm>> -> memref<10000xi32, #tpu.memory_space<hbm>>
      %dma_start3A_64 = tpu.memref_slice %arg3[%run_scoped3A, %mul3A_4] : memref<2x320000xi32, #tpu.memory_space<hbm>> -> memref<1x10000xi32, #tpu.memory_space<hbm>>
      %dma_start3A_65 = tpu.memref_squeeze %dma_start3A_64 : memref<1x10000xi32, #tpu.memory_space<hbm>> -> memref<10000xi32, #tpu.memory_space<hbm>>
      tpu.enqueue_dma source(%dma_start3A_65 : memref<10000xi32, #tpu.memory_space<hbm>>) target(%arg6 : memref<10000xi32, #tpu.memory_space<vmem>>) target_semaphore(%run_scoped3A_61 : memref<!tpu.dma_semaphore, #tpu.memory_space<semaphore_mem>>)
      %dma_wait3A_66 = tpu.memref_slice %arg3[%run_scoped3A, %mul3A_4] : memref<2x320000xi32, #tpu.memory_space<hbm>> -> memref<1x10000xi32, #tpu.memory_space<hbm>>
      %dma_wait3A_67 = tpu.memref_squeeze %dma_wait3A_66 : memref<1x10000xi32, #tpu.memory_space<hbm>> -> memref<10000xi32, #tpu.memory_space<hbm>>
      %dma_wait3A_68 = tpu.memref_slice %arg3[%run_scoped3A, %mul3A_4] : memref<2x320000xi32, #tpu.memory_space<hbm>> -> memref<1x10000xi32, #tpu.memory_space<hbm>>
      %dma_wait3A_69 = tpu.memref_squeeze %dma_wait3A_68 : memref<1x10000xi32, #tpu.memory_space<hbm>> -> memref<10000xi32, #tpu.memory_space<hbm>>
      tpu.wait_dma2 semaphore(%run_scoped3A_61 : memref<!tpu.dma_semaphore, #tpu.memory_space<semaphore_mem>>) src(%dma_wait3A_69 : memref<10000xi32, #tpu.memory_space<hbm>>) dst(%arg6 : memref<10000xi32, #tpu.memory_space<vmem>>)
      tpu.yield
    }) : () -> ()
    %mul3A_5 = arith.constant 10000 : i32
    %mul3A_6 = arith.muli %add3A, %mul3A_5 : i32
    %run_scoped3A_7 = arith.constant 1 : i32
    "tpu.region"() ({
      %run_scoped3A_61 = tpu.sem_alloc : memref<!tpu.dma_semaphore, #tpu.memory_space<semaphore_mem>>
      %dma_start3A_62 = tpu.memref_slice %arg3[%run_scoped3A_7, %mul3A_6] : memref<2x320000xi32, #tpu.memory_space<hbm>> -> memref<1x10000xi32, #tpu.memory_space<hbm>>
      %dma_start3A_63 = tpu.memref_squeeze %dma_start3A_62 : memref<1x10000xi32, #tpu.memory_space<hbm>> -> memref<10000xi32, #tpu.memory_space<hbm>>
      %dma_start3A_64 = tpu.memref_slice %arg3[%run_scoped3A_7, %mul3A_6] : memref<2x320000xi32, #tpu.memory_space<hbm>> -> memref<1x10000xi32, #tpu.memory_space<hbm>>
      %dma_start3A_65 = tpu.memref_squeeze %dma_start3A_64 : memref<1x10000xi32, #tpu.memory_space<hbm>> -> memref<10000xi32, #tpu.memory_space<hbm>>
      tpu.enqueue_dma source(%dma_start3A_65 : memref<10000xi32, #tpu.memory_space<hbm>>) target(%arg7 : memref<10000xi32, #tpu.memory_space<vmem>>) target_semaphore(%run_scoped3A_61 : memref<!tpu.dma_semaphore, #tpu.memory_space<semaphore_mem>>)
      %dma_wait3A_66 = tpu.memref_slice %arg3[%run_scoped3A_7, %mul3A_6] : memref<2x320000xi32, #tpu.memory_space<hbm>> -> memref<1x10000xi32, #tpu.memory_space<hbm>>
      %dma_wait3A_67 = tpu.memref_squeeze %dma_wait3A_66 : memref<1x10000xi32, #tpu.memory_space<hbm>> -> memref<10000xi32, #tpu.memory_space<hbm>>
      %dma_wait3A_68 = tpu.memref_slice %arg3[%run_scoped3A_7, %mul3A_6] : memref<2x320000xi32, #tpu.memory_space<hbm>> -> memref<1x10000xi32, #tpu.memory_space<hbm>>
      %dma_wait3A_69 = tpu.memref_squeeze %dma_wait3A_68 : memref<1x10000xi32, #tpu.memory_space<hbm>> -> memref<10000xi32, #tpu.memory_space<hbm>>
      tpu.wait_dma2 semaphore(%run_scoped3A_61 : memref<!tpu.dma_semaphore, #tpu.memory_space<semaphore_mem>>) src(%dma_wait3A_69 : memref<10000xi32, #tpu.memory_space<hbm>>) dst(%arg7 : memref<10000xi32, #tpu.memory_space<vmem>>)
      tpu.yield
    }) : () -> ()
    %barrier3A = arith.constant 0 : index
    tpu.barrier barrier_id(%barrier3A)
    %dma_start3A = arith.constant 0 : i32
    %dma_start3A_8 = tpu.memref_slice %arg6[%dma_start3A] : memref<10000xi32, #tpu.memory_space<vmem>> -> memref<80xi32, #tpu.memory_space<vmem>>
    %dma_start3A_9 = arith.constant 0 : i32
    %dma_start3A_10 = arith.constant 0 : i32
    %dma_start3A_11 = tpu.memref_slice %arg2[%dma_start3A_9, %dma_start3A_10] : memref<10000x32xf32, #tpu.memory_space<hbm>> -> memref<10000x32xf32, #tpu.memory_space<hbm>>
    tpu.enqueue_indirect_dma source(%dma_start3A_11 : memref<10000x32xf32, #tpu.memory_space<hbm>>) target(%arg8 : memref<80x32xf32, #tpu.memory_space<vmem>>) offsets(%dma_start3A_8 : memref<80xi32, #tpu.memory_space<vmem>>) semaphore(%arg14 : memref<!tpu.dma_semaphore, #tpu.memory_space<semaphore_mem>>)
    %dma_start3A_12 = arith.constant 80 : i32
    %dma_start3A_13 = tpu.memref_slice %arg6[%dma_start3A_12] : memref<10000xi32, #tpu.memory_space<vmem>> -> memref<80xi32, #tpu.memory_space<vmem>>
    %dma_start3A_14 = arith.constant 0 : i32
    %dma_start3A_15 = arith.constant 0 : i32
    %dma_start3A_16 = tpu.memref_slice %arg2[%dma_start3A_14, %dma_start3A_15] : memref<10000x32xf32, #tpu.memory_space<hbm>> -> memref<10000x32xf32, #tpu.memory_space<hbm>>
    tpu.enqueue_indirect_dma source(%dma_start3A_16 : memref<10000x32xf32, #tpu.memory_space<hbm>>) target(%arg9 : memref<80x32xf32, #tpu.memory_space<vmem>>) offsets(%dma_start3A_13 : memref<80xi32, #tpu.memory_space<vmem>>) semaphore(%arg15 : memref<!tpu.dma_semaphore, #tpu.memory_space<semaphore_mem>>)
    %dma_start3A_17 = arith.constant 160 : i32
    %dma_start3A_18 = tpu.memref_slice %arg6[%dma_start3A_17] : memref<10000xi32, #tpu.memory_space<vmem>> -> memref<80xi32, #tpu.memory_space<vmem>>
    %dma_start3A_19 = arith.constant 0 : i32
    %dma_start3A_20 = arith.constant 0 : i32
    %dma_start3A_21 = tpu.memref_slice %arg2[%dma_start3A_19, %dma_start3A_20] : memref<10000x32xf32, #tpu.memory_space<hbm>> -> memref<10000x32xf32, #tpu.memory_space<hbm>>
    tpu.enqueue_indirect_dma source(%dma_start3A_21 : memref<10000x32xf32, #tpu.memory_space<hbm>>) target(%arg10 : memref<80x32xf32, #tpu.memory_space<vmem>>) offsets(%dma_start3A_18 : memref<80xi32, #tpu.memory_space<vmem>>) semaphore(%arg16 : memref<!tpu.dma_semaphore, #tpu.memory_space<semaphore_mem>>)
    %dma_start3A_22 = arith.constant 240 : i32
    %dma_start3A_23 = tpu.memref_slice %arg6[%dma_start3A_22] : memref<10000xi32, #tpu.memory_space<vmem>> -> memref<80xi32, #tpu.memory_space<vmem>>
    %dma_start3A_24 = arith.constant 0 : i32
    %dma_start3A_25 = arith.constant 0 : i32
    %dma_start3A_26 = tpu.memref_slice %arg2[%dma_start3A_24, %dma_start3A_25] : memref<10000x32xf32, #tpu.memory_space<hbm>> -> memref<10000x32xf32, #tpu.memory_space<hbm>>
    tpu.enqueue_indirect_dma source(%dma_start3A_26 : memref<10000x32xf32, #tpu.memory_space<hbm>>) target(%arg11 : memref<80x32xf32, #tpu.memory_space<vmem>>) offsets(%dma_start3A_23 : memref<80xi32, #tpu.memory_space<vmem>>) semaphore(%arg17 : memref<!tpu.dma_semaphore, #tpu.memory_space<semaphore_mem>>)
    %scan3A = arith.constant 0 : i32
    %scan3A_27 = arith.constant 25 : i32
    %scan3A_28 = arith.addi %scan3A, %scan3A_27 : i32
    %scan3A_29 = arith.constant 1 : i32
    scf.for %scan3A_61 = %scan3A to %scan3A_28 step %scan3A_29  : i32 {
      %mul3A_62 = arith.constant 5 : i32
      %mul3A_63 = arith.muli %scan3A_61, %mul3A_62 : i32
      %add3A_64 = arith.constant 0 : i32
      %add3A_65 = arith.addi %add3A_64, %mul3A_63 : i32
      %add3A_66 = arith.constant 0 : i32
      %add3A_67 = arith.addi %add3A_65, %add3A_66 : i32
      %dma_wait3A_68 = arith.constant 0 : i32
      %dma_wait3A_69 = arith.constant 0 : i32
      %dma_wait3A_70 = tpu.memref_slice %arg4[%dma_wait3A_68, %dma_wait3A_69] : memref<10240x32xf32, #tpu.memory_space<hbm>> -> memref<80x32xf32, #tpu.memory_space<hbm>>
      %dma_wait3A_71 = arith.constant 0 : i32
      %dma_wait3A_72 = arith.constant 0 : i32
      %dma_wait3A_73 = tpu.memref_slice %arg4[%dma_wait3A_71, %dma_wait3A_72] : memref<10240x32xf32, #tpu.memory_space<hbm>> -> memref<80x32xf32, #tpu.memory_space<hbm>>
      tpu.wait_dma2 semaphore(%arg14 : memref<!tpu.dma_semaphore, #tpu.memory_space<semaphore_mem>>) src(%dma_wait3A_73 : memref<80x32xf32, #tpu.memory_space<hbm>>) dst(%arg8 : memref<80x32xf32, #tpu.memory_space<vmem>>)
      %mul3A_74 = arith.constant 80 : i32
      %mul3A_75 = arith.muli %add3A_67, %mul3A_74 : i32
      %dma_start3A_76 = tpu.memref_slice %arg7[%mul3A_75] : memref<10000xi32, #tpu.memory_space<vmem>> -> memref<80xi32, #tpu.memory_space<vmem>>
      %dma_start3A_77 = arith.constant 0 : i32
      %dma_start3A_78 = arith.constant 0 : i32
      %dma_start3A_79 = tpu.memref_slice %arg13[%dma_start3A_77, %dma_start3A_78] : memref<10240x32xf32, #tpu.memory_space<vmem_shared>> -> memref<10240x32xf32, #tpu.memory_space<vmem_shared>>
      tpu.enqueue_indirect_dma source(%arg8 : memref<80x32xf32, #tpu.memory_space<vmem>>) target(%dma_start3A_79 : memref<10240x32xf32, #tpu.memory_space<vmem_shared>>) offsets(%dma_start3A_76 : memref<80xi32, #tpu.memory_space<vmem>>) semaphore(%arg19 : memref<!tpu.dma_semaphore, #tpu.memory_space<semaphore_mem>>) {add = true}
      %add3A_80 = arith.constant 4 : i32
      %add3A_81 = arith.addi %add3A_67, %add3A_80 : i32
      %lt3A = arith.constant 125 : i32
      %lt3A_82 = arith.cmpi slt, %add3A_81, %lt3A : i32
      %convert_element_type3A = arith.extui %lt3A_82 : i1 to i32
      %cond3A = arith.constant 0 : i32
      %cond3A_83 = arith.cmpi ne, %convert_element_type3A, %cond3A : i32
      scf.if %cond3A_83 {
        %ge3A = arith.constant 1 : i32
        %ge3A_168 = arith.cmpi sge, %add3A_67, %ge3A : i32
        %convert_element_type3A_169 = arith.extui %ge3A_168 : i1 to i32
        %cond3A_170 = arith.constant 0 : i32
        %cond3A_171 = arith.cmpi ne, %convert_element_type3A_169, %cond3A_170 : i32
        scf.if %cond3A_171 {
          %dma_wait3A_180 = arith.constant 0 : i32
          %dma_wait3A_181 = arith.constant 0 : i32
          %dma_wait3A_182 = tpu.memref_slice %arg4[%dma_wait3A_180, %dma_wait3A_181] : memref<10240x32xf32, #tpu.memory_space<hbm>> -> memref<80x32xf32, #tpu.memory_space<hbm>>
          %dma_wait3A_183 = arith.constant 0 : i32
          %dma_wait3A_184 = arith.constant 0 : i32
          %dma_wait3A_185 = tpu.memref_slice %arg4[%dma_wait3A_183, %dma_wait3A_184] : memref<10240x32xf32, #tpu.memory_space<hbm>> -> memref<80x32xf32, #tpu.memory_space<hbm>>
          tpu.wait_dma2 semaphore(%arg23 : memref<!tpu.dma_semaphore, #tpu.memory_space<semaphore_mem>>) src(%dma_wait3A_185 : memref<80x32xf32, #tpu.memory_space<hbm>>) dst(%arg12 : memref<80x32xf32, #tpu.memory_space<vmem>>)
        } else {
        }
        %add3A_172 = arith.constant 4 : i32
        %add3A_173 = arith.addi %add3A_67, %add3A_172 : i32
        %mul3A_174 = arith.constant 80 : i32
        %mul3A_175 = arith.muli %add3A_173, %mul3A_174 : i32
        %dma_start3A_176 = tpu.memref_slice %arg6[%mul3A_175] : memref<10000xi32, #tpu.memory_space<vmem>> -> memref<80xi32, #tpu.memory_space<vmem>>
        %dma_start3A_177 = arith.constant 0 : i32
        %dma_start3A_178 = arith.constant 0 : i32
        %dma_start3A_179 = tpu.memref_slice %arg2[%dma_start3A_177, %dma_start3A_178] : memref<10000x32xf32, #tpu.memory_space<hbm>> -> memref<10000x32xf32, #tpu.memory_space<hbm>>
        tpu.enqueue_indirect_dma source(%dma_start3A_179 : memref<10000x32xf32, #tpu.memory_space<hbm>>) target(%arg12 : memref<80x32xf32, #tpu.memory_space<vmem>>) offsets(%dma_start3A_176 : memref<80xi32, #tpu.memory_space<vmem>>) semaphore(%arg18 : memref<!tpu.dma_semaphore, #tpu.memory_space<semaphore_mem>>)
      } else {
      }
      %add3A_84 = arith.constant 1 : i32
      %add3A_85 = arith.addi %add3A_65, %add3A_84 : i32
      %dma_wait3A_86 = arith.constant 0 : i32
      %dma_wait3A_87 = arith.constant 0 : i32
      %dma_wait3A_88 = tpu.memref_slice %arg4[%dma_wait3A_86, %dma_wait3A_87] : memref<10240x32xf32, #tpu.memory_space<hbm>> -> memref<80x32xf32, #tpu.memory_space<hbm>>
      %dma_wait3A_89 = arith.constant 0 : i32
      %dma_wait3A_90 = arith.constant 0 : i32
      %dma_wait3A_91 = tpu.memref_slice %arg4[%dma_wait3A_89, %dma_wait3A_90] : memref<10240x32xf32, #tpu.memory_space<hbm>> -> memref<80x32xf32, #tpu.memory_space<hbm>>
      tpu.wait_dma2 semaphore(%arg15 : memref<!tpu.dma_semaphore, #tpu.memory_space<semaphore_mem>>) src(%dma_wait3A_91 : memref<80x32xf32, #tpu.memory_space<hbm>>) dst(%arg9 : memref<80x32xf32, #tpu.memory_space<vmem>>)
      %mul3A_92 = arith.constant 80 : i32
      %mul3A_93 = arith.muli %add3A_85, %mul3A_92 : i32
      %dma_start3A_94 = tpu.memref_slice %arg7[%mul3A_93] : memref<10000xi32, #tpu.memory_space<vmem>> -> memref<80xi32, #tpu.memory_space<vmem>>
      %dma_start3A_95 = arith.constant 0 : i32
      %dma_start3A_96 = arith.constant 0 : i32
      %dma_start3A_97 = tpu.memref_slice %arg13[%dma_start3A_95, %dma_start3A_96] : memref<10240x32xf32, #tpu.memory_space<vmem_shared>> -> memref<10240x32xf32, #tpu.memory_space<vmem_shared>>
      tpu.enqueue_indirect_dma source(%arg9 : memref<80x32xf32, #tpu.memory_space<vmem>>) target(%dma_start3A_97 : memref<10240x32xf32, #tpu.memory_space<vmem_shared>>) offsets(%dma_start3A_94 : memref<80xi32, #tpu.memory_space<vmem>>) semaphore(%arg20 : memref<!tpu.dma_semaphore, #tpu.memory_space<semaphore_mem>>) {add = true}
      %add3A_98 = arith.constant 4 : i32
      %add3A_99 = arith.addi %add3A_85, %add3A_98 : i32
      %lt3A_100 = arith.constant 125 : i32
      %lt3A_101 = arith.cmpi slt, %add3A_99, %lt3A_100 : i32
      %convert_element_type3A_102 = arith.extui %lt3A_101 : i1 to i32
      %cond3A_103 = arith.constant 0 : i32
      %cond3A_104 = arith.cmpi ne, %convert_element_type3A_102, %cond3A_103 : i32
      scf.if %cond3A_104 {
        %ge3A = arith.constant 1 : i32
        %ge3A_168 = arith.cmpi sge, %add3A_85, %ge3A : i32
        %convert_element_type3A_169 = arith.extui %ge3A_168 : i1 to i32
        %cond3A_170 = arith.constant 0 : i32
        %cond3A_171 = arith.cmpi ne, %convert_element_type3A_169, %cond3A_170 : i32
        scf.if %cond3A_171 {
          %dma_wait3A_180 = arith.constant 0 : i32
          %dma_wait3A_181 = arith.constant 0 : i32
          %dma_wait3A_182 = tpu.memref_slice %arg4[%dma_wait3A_180, %dma_wait3A_181] : memref<10240x32xf32, #tpu.memory_space<hbm>> -> memref<80x32xf32, #tpu.memory_space<hbm>>
          %dma_wait3A_183 = arith.constant 0 : i32
          %dma_wait3A_184 = arith.constant 0 : i32
          %dma_wait3A_185 = tpu.memref_slice %arg4[%dma_wait3A_183, %dma_wait3A_184] : memref<10240x32xf32, #tpu.memory_space<hbm>> -> memref<80x32xf32, #tpu.memory_space<hbm>>
          tpu.wait_dma2 semaphore(%arg19 : memref<!tpu.dma_semaphore, #tpu.memory_space<semaphore_mem>>) src(%dma_wait3A_185 : memref<80x32xf32, #tpu.memory_space<hbm>>) dst(%arg8 : memref<80x32xf32, #tpu.memory_space<vmem>>)
        } else {
        }
        %add3A_172 = arith.constant 4 : i32
        %add3A_173 = arith.addi %add3A_85, %add3A_172 : i32
        %mul3A_174 = arith.constant 80 : i32
        %mul3A_175 = arith.muli %add3A_173, %mul3A_174 : i32
        %dma_start3A_176 = tpu.memref_slice %arg6[%mul3A_175] : memref<10000xi32, #tpu.memory_space<vmem>> -> memref<80xi32, #tpu.memory_space<vmem>>
        %dma_start3A_177 = arith.constant 0 : i32
        %dma_start3A_178 = arith.constant 0 : i32
        %dma_start3A_179 = tpu.memref_slice %arg2[%dma_start3A_177, %dma_start3A_178] : memref<10000x32xf32, #tpu.memory_space<hbm>> -> memref<10000x32xf32, #tpu.memory_space<hbm>>
        tpu.enqueue_indirect_dma source(%dma_start3A_179 : memref<10000x32xf32, #tpu.memory_space<hbm>>) target(%arg8 : memref<80x32xf32, #tpu.memory_space<vmem>>) offsets(%dma_start3A_176 : memref<80xi32, #tpu.memory_space<vmem>>) semaphore(%arg14 : memref<!tpu.dma_semaphore, #tpu.memory_space<semaphore_mem>>)
      } else {
      }
      %add3A_105 = arith.constant 2 : i32
      %add3A_106 = arith.addi %add3A_65, %add3A_105 : i32
      %dma_wait3A_107 = arith.constant 0 : i32
      %dma_wait3A_108 = arith.constant 0 : i32
      %dma_wait3A_109 = tpu.memref_slice %arg4[%dma_wait3A_107, %dma_wait3A_108] : memref<10240x32xf32, #tpu.memory_space<hbm>> -> memref<80x32xf32, #tpu.memory_space<hbm>>
      %dma_wait3A_110 = arith.constant 0 : i32
      %dma_wait3A_111 = arith.constant 0 : i32
      %dma_wait3A_112 = tpu.memref_slice %arg4[%dma_wait3A_110, %dma_wait3A_111] : memref<10240x32xf32, #tpu.memory_space<hbm>> -> memref<80x32xf32, #tpu.memory_space<hbm>>
      tpu.wait_dma2 semaphore(%arg16 : memref<!tpu.dma_semaphore, #tpu.memory_space<semaphore_mem>>) src(%dma_wait3A_112 : memref<80x32xf32, #tpu.memory_space<hbm>>) dst(%arg10 : memref<80x32xf32, #tpu.memory_space<vmem>>)
      %mul3A_113 = arith.constant 80 : i32
      %mul3A_114 = arith.muli %add3A_106, %mul3A_113 : i32
      %dma_start3A_115 = tpu.memref_slice %arg7[%mul3A_114] : memref<10000xi32, #tpu.memory_space<vmem>> -> memref<80xi32, #tpu.memory_space<vmem>>
      %dma_start3A_116 = arith.constant 0 : i32
      %dma_start3A_117 = arith.constant 0 : i32
      %dma_start3A_118 = tpu.memref_slice %arg13[%dma_start3A_116, %dma_start3A_117] : memref<10240x32xf32, #tpu.memory_space<vmem_shared>> -> memref<10240x32xf32, #tpu.memory_space<vmem_shared>>
      tpu.enqueue_indirect_dma source(%arg10 : memref<80x32xf32, #tpu.memory_space<vmem>>) target(%dma_start3A_118 : memref<10240x32xf32, #tpu.memory_space<vmem_shared>>) offsets(%dma_start3A_115 : memref<80xi32, #tpu.memory_space<vmem>>) semaphore(%arg21 : memref<!tpu.dma_semaphore, #tpu.memory_space<semaphore_mem>>) {add = true}
      %add3A_119 = arith.constant 4 : i32
      %add3A_120 = arith.addi %add3A_106, %add3A_119 : i32
      %lt3A_121 = arith.constant 125 : i32
      %lt3A_122 = arith.cmpi slt, %add3A_120, %lt3A_121 : i32
      %convert_element_type3A_123 = arith.extui %lt3A_122 : i1 to i32
      %cond3A_124 = arith.constant 0 : i32
      %cond3A_125 = arith.cmpi ne, %convert_element_type3A_123, %cond3A_124 : i32
      scf.if %cond3A_125 {
        %ge3A = arith.constant 1 : i32
        %ge3A_168 = arith.cmpi sge, %add3A_106, %ge3A : i32
        %convert_element_type3A_169 = arith.extui %ge3A_168 : i1 to i32
        %cond3A_170 = arith.constant 0 : i32
        %cond3A_171 = arith.cmpi ne, %convert_element_type3A_169, %cond3A_170 : i32
        scf.if %cond3A_171 {
          %dma_wait3A_180 = arith.constant 0 : i32
          %dma_wait3A_181 = arith.constant 0 : i32
          %dma_wait3A_182 = tpu.memref_slice %arg4[%dma_wait3A_180, %dma_wait3A_181] : memref<10240x32xf32, #tpu.memory_space<hbm>> -> memref<80x32xf32, #tpu.memory_space<hbm>>
          %dma_wait3A_183 = arith.constant 0 : i32
          %dma_wait3A_184 = arith.constant 0 : i32
          %dma_wait3A_185 = tpu.memref_slice %arg4[%dma_wait3A_183, %dma_wait3A_184] : memref<10240x32xf32, #tpu.memory_space<hbm>> -> memref<80x32xf32, #tpu.memory_space<hbm>>
          tpu.wait_dma2 semaphore(%arg20 : memref<!tpu.dma_semaphore, #tpu.memory_space<semaphore_mem>>) src(%dma_wait3A_185 : memref<80x32xf32, #tpu.memory_space<hbm>>) dst(%arg9 : memref<80x32xf32, #tpu.memory_space<vmem>>)
        } else {
        }
        %add3A_172 = arith.constant 4 : i32
        %add3A_173 = arith.addi %add3A_106, %add3A_172 : i32
        %mul3A_174 = arith.constant 80 : i32
        %mul3A_175 = arith.muli %add3A_173, %mul3A_174 : i32
        %dma_start3A_176 = tpu.memref_slice %arg6[%mul3A_175] : memref<10000xi32, #tpu.memory_space<vmem>> -> memref<80xi32, #tpu.memory_space<vmem>>
        %dma_start3A_177 = arith.constant 0 : i32
        %dma_start3A_178 = arith.constant 0 : i32
        %dma_start3A_179 = tpu.memref_slice %arg2[%dma_start3A_177, %dma_start3A_178] : memref<10000x32xf32, #tpu.memory_space<hbm>> -> memref<10000x32xf32, #tpu.memory_space<hbm>>
        tpu.enqueue_indirect_dma source(%dma_start3A_179 : memref<10000x32xf32, #tpu.memory_space<hbm>>) target(%arg9 : memref<80x32xf32, #tpu.memory_space<vmem>>) offsets(%dma_start3A_176 : memref<80xi32, #tpu.memory_space<vmem>>) semaphore(%arg15 : memref<!tpu.dma_semaphore, #tpu.memory_space<semaphore_mem>>)
      } else {
      }
      %add3A_126 = arith.constant 3 : i32
      %add3A_127 = arith.addi %add3A_65, %add3A_126 : i32
      %dma_wait3A_128 = arith.constant 0 : i32
      %dma_wait3A_129 = arith.constant 0 : i32
      %dma_wait3A_130 = tpu.memref_slice %arg4[%dma_wait3A_128, %dma_wait3A_129] : memref<10240x32xf32, #tpu.memory_space<hbm>> -> memref<80x32xf32, #tpu.memory_space<hbm>>
      %dma_wait3A_131 = arith.constant 0 : i32
      %dma_wait3A_132 = arith.constant 0 : i32
      %dma_wait3A_133 = tpu.memref_slice %arg4[%dma_wait3A_131, %dma_wait3A_132] : memref<10240x32xf32, #tpu.memory_space<hbm>> -> memref<80x32xf32, #tpu.memory_space<hbm>>
      tpu.wait_dma2 semaphore(%arg17 : memref<!tpu.dma_semaphore, #tpu.memory_space<semaphore_mem>>) src(%dma_wait3A_133 : memref<80x32xf32, #tpu.memory_space<hbm>>) dst(%arg11 : memref<80x32xf32, #tpu.memory_space<vmem>>)
      %mul3A_134 = arith.constant 80 : i32
      %mul3A_135 = arith.muli %add3A_127, %mul3A_134 : i32
      %dma_start3A_136 = tpu.memref_slice %arg7[%mul3A_135] : memref<10000xi32, #tpu.memory_space<vmem>> -> memref<80xi32, #tpu.memory_space<vmem>>
      %dma_start3A_137 = arith.constant 0 : i32
      %dma_start3A_138 = arith.constant 0 : i32
      %dma_start3A_139 = tpu.memref_slice %arg13[%dma_start3A_137, %dma_start3A_138] : memref<10240x32xf32, #tpu.memory_space<vmem_shared>> -> memref<10240x32xf32, #tpu.memory_space<vmem_shared>>
      tpu.enqueue_indirect_dma source(%arg11 : memref<80x32xf32, #tpu.memory_space<vmem>>) target(%dma_start3A_139 : memref<10240x32xf32, #tpu.memory_space<vmem_shared>>) offsets(%dma_start3A_136 : memref<80xi32, #tpu.memory_space<vmem>>) semaphore(%arg22 : memref<!tpu.dma_semaphore, #tpu.memory_space<semaphore_mem>>) {add = true}
      %add3A_140 = arith.constant 4 : i32
      %add3A_141 = arith.addi %add3A_127, %add3A_140 : i32
      %lt3A_142 = arith.constant 125 : i32
      %lt3A_143 = arith.cmpi slt, %add3A_141, %lt3A_142 : i32
      %convert_element_type3A_144 = arith.extui %lt3A_143 : i1 to i32
      %cond3A_145 = arith.constant 0 : i32
      %cond3A_146 = arith.cmpi ne, %convert_element_type3A_144, %cond3A_145 : i32
      scf.if %cond3A_146 {
        %ge3A = arith.constant 1 : i32
        %ge3A_168 = arith.cmpi sge, %add3A_127, %ge3A : i32
        %convert_element_type3A_169 = arith.extui %ge3A_168 : i1 to i32
        %cond3A_170 = arith.constant 0 : i32
        %cond3A_171 = arith.cmpi ne, %convert_element_type3A_169, %cond3A_170 : i32
        scf.if %cond3A_171 {
          %dma_wait3A_180 = arith.constant 0 : i32
          %dma_wait3A_181 = arith.constant 0 : i32
          %dma_wait3A_182 = tpu.memref_slice %arg4[%dma_wait3A_180, %dma_wait3A_181] : memref<10240x32xf32, #tpu.memory_space<hbm>> -> memref<80x32xf32, #tpu.memory_space<hbm>>
          %dma_wait3A_183 = arith.constant 0 : i32
          %dma_wait3A_184 = arith.constant 0 : i32
          %dma_wait3A_185 = tpu.memref_slice %arg4[%dma_wait3A_183, %dma_wait3A_184] : memref<10240x32xf32, #tpu.memory_space<hbm>> -> memref<80x32xf32, #tpu.memory_space<hbm>>
          tpu.wait_dma2 semaphore(%arg21 : memref<!tpu.dma_semaphore, #tpu.memory_space<semaphore_mem>>) src(%dma_wait3A_185 : memref<80x32xf32, #tpu.memory_space<hbm>>) dst(%arg10 : memref<80x32xf32, #tpu.memory_space<vmem>>)
        } else {
        }
        %add3A_172 = arith.constant 4 : i32
        %add3A_173 = arith.addi %add3A_127, %add3A_172 : i32
        %mul3A_174 = arith.constant 80 : i32
        %mul3A_175 = arith.muli %add3A_173, %mul3A_174 : i32
        %dma_start3A_176 = tpu.memref_slice %arg6[%mul3A_175] : memref<10000xi32, #tpu.memory_space<vmem>> -> memref<80xi32, #tpu.memory_space<vmem>>
        %dma_start3A_177 = arith.constant 0 : i32
        %dma_start3A_178 = arith.constant 0 : i32
        %dma_start3A_179 = tpu.memref_slice %arg2[%dma_start3A_177, %dma_start3A_178] : memref<10000x32xf32, #tpu.memory_space<hbm>> -> memref<10000x32xf32, #tpu.memory_space<hbm>>
        tpu.enqueue_indirect_dma source(%dma_start3A_179 : memref<10000x32xf32, #tpu.memory_space<hbm>>) target(%arg10 : memref<80x32xf32, #tpu.memory_space<vmem>>) offsets(%dma_start3A_176 : memref<80xi32, #tpu.memory_space<vmem>>) semaphore(%arg16 : memref<!tpu.dma_semaphore, #tpu.memory_space<semaphore_mem>>)
      } else {
      }
      %add3A_147 = arith.constant 4 : i32
      %add3A_148 = arith.addi %add3A_65, %add3A_147 : i32
      %dma_wait3A_149 = arith.constant 0 : i32
      %dma_wait3A_150 = arith.constant 0 : i32
      %dma_wait3A_151 = tpu.memref_slice %arg4[%dma_wait3A_149, %dma_wait3A_150] : memref<10240x32xf32, #tpu.memory_space<hbm>> -> memref<80x32xf32, #tpu.memory_space<hbm>>
      %dma_wait3A_152 = arith.constant 0 : i32
      %dma_wait3A_153 = arith.constant 0 : i32
      %dma_wait3A_154 = tpu.memref_slice %arg4[%dma_wait3A_152, %dma_wait3A_153] : memref<10240x32xf32, #tpu.memory_space<hbm>> -> memref<80x32xf32, #tpu.memory_space<hbm>>
      tpu.wait_dma2 semaphore(%arg18 : memref<!tpu.dma_semaphore, #tpu.memory_space<semaphore_mem>>) src(%dma_wait3A_154 : memref<80x32xf32, #tpu.memory_space<hbm>>) dst(%arg12 : memref<80x32xf32, #tpu.memory_space<vmem>>)
      %mul3A_155 = arith.constant 80 : i32
      %mul3A_156 = arith.muli %add3A_148, %mul3A_155 : i32
      %dma_start3A_157 = tpu.memref_slice %arg7[%mul3A_156] : memref<10000xi32, #tpu.memory_space<vmem>> -> memref<80xi32, #tpu.memory_space<vmem>>
      %dma_start3A_158 = arith.constant 0 : i32
      %dma_start3A_159 = arith.constant 0 : i32
      %dma_start3A_160 = tpu.memref_slice %arg13[%dma_start3A_158, %dma_start3A_159] : memref<10240x32xf32, #tpu.memory_space<vmem_shared>> -> memref<10240x32xf32, #tpu.memory_space<vmem_shared>>
      tpu.enqueue_indirect_dma source(%arg12 : memref<80x32xf32, #tpu.memory_space<vmem>>) target(%dma_start3A_160 : memref<10240x32xf32, #tpu.memory_space<vmem_shared>>) offsets(%dma_start3A_157 : memref<80xi32, #tpu.memory_space<vmem>>) semaphore(%arg23 : memref<!tpu.dma_semaphore, #tpu.memory_space<semaphore_mem>>) {add = true}
      %add3A_161 = arith.constant 4 : i32
      %add3A_162 = arith.addi %add3A_148, %add3A_161 : i32
      %lt3A_163 = arith.constant 125 : i32
      %lt3A_164 = arith.cmpi slt, %add3A_162, %lt3A_163 : i32
      %convert_element_type3A_165 = arith.extui %lt3A_164 : i1 to i32
      %cond3A_166 = arith.constant 0 : i32
      %cond3A_167 = arith.cmpi ne, %convert_element_type3A_165, %cond3A_166 : i32
      scf.if %cond3A_167 {
        %ge3A = arith.constant 1 : i32
        %ge3A_168 = arith.cmpi sge, %add3A_148, %ge3A : i32
        %convert_element_type3A_169 = arith.extui %ge3A_168 : i1 to i32
        %cond3A_170 = arith.constant 0 : i32
        %cond3A_171 = arith.cmpi ne, %convert_element_type3A_169, %cond3A_170 : i32
        scf.if %cond3A_171 {
          %dma_wait3A_180 = arith.constant 0 : i32
          %dma_wait3A_181 = arith.constant 0 : i32
          %dma_wait3A_182 = tpu.memref_slice %arg4[%dma_wait3A_180, %dma_wait3A_181] : memref<10240x32xf32, #tpu.memory_space<hbm>> -> memref<80x32xf32, #tpu.memory_space<hbm>>
          %dma_wait3A_183 = arith.constant 0 : i32
          %dma_wait3A_184 = arith.constant 0 : i32
          %dma_wait3A_185 = tpu.memref_slice %arg4[%dma_wait3A_183, %dma_wait3A_184] : memref<10240x32xf32, #tpu.memory_space<hbm>> -> memref<80x32xf32, #tpu.memory_space<hbm>>
          tpu.wait_dma2 semaphore(%arg22 : memref<!tpu.dma_semaphore, #tpu.memory_space<semaphore_mem>>) src(%dma_wait3A_185 : memref<80x32xf32, #tpu.memory_space<hbm>>) dst(%arg11 : memref<80x32xf32, #tpu.memory_space<vmem>>)
        } else {
        }
        %add3A_172 = arith.constant 4 : i32
        %add3A_173 = arith.addi %add3A_148, %add3A_172 : i32
        %mul3A_174 = arith.constant 80 : i32
        %mul3A_175 = arith.muli %add3A_173, %mul3A_174 : i32
        %dma_start3A_176 = tpu.memref_slice %arg6[%mul3A_175] : memref<10000xi32, #tpu.memory_space<vmem>> -> memref<80xi32, #tpu.memory_space<vmem>>
        %dma_start3A_177 = arith.constant 0 : i32
        %dma_start3A_178 = arith.constant 0 : i32
        %dma_start3A_179 = tpu.memref_slice %arg2[%dma_start3A_177, %dma_start3A_178] : memref<10000x32xf32, #tpu.memory_space<hbm>> -> memref<10000x32xf32, #tpu.memory_space<hbm>>
        tpu.enqueue_indirect_dma source(%dma_start3A_179 : memref<10000x32xf32, #tpu.memory_space<hbm>>) target(%arg11 : memref<80x32xf32, #tpu.memory_space<vmem>>) offsets(%dma_start3A_176 : memref<80xi32, #tpu.memory_space<vmem>>) semaphore(%arg17 : memref<!tpu.dma_semaphore, #tpu.memory_space<semaphore_mem>>)
      } else {
      }
    }
    %scan3A_30 = arith.constant 25 : i32
    %dma_wait3A = arith.constant 0 : i32
    %dma_wait3A_31 = arith.constant 0 : i32
    %dma_wait3A_32 = tpu.memref_slice %arg4[%dma_wait3A, %dma_wait3A_31] : memref<10240x32xf32, #tpu.memory_space<hbm>> -> memref<80x32xf32, #tpu.memory_space<hbm>>
    %dma_wait3A_33 = arith.constant 0 : i32
    %dma_wait3A_34 = arith.constant 0 : i32
    %dma_wait3A_35 = tpu.memref_slice %arg4[%dma_wait3A_33, %dma_wait3A_34] : memref<10240x32xf32, #tpu.memory_space<hbm>> -> memref<80x32xf32, #tpu.memory_space<hbm>>
    tpu.wait_dma2 semaphore(%arg19 : memref<!tpu.dma_semaphore, #tpu.memory_space<semaphore_mem>>) src(%dma_wait3A_35 : memref<80x32xf32, #tpu.memory_space<hbm>>) dst(%arg8 : memref<80x32xf32, #tpu.memory_space<vmem>>)
    %dma_wait3A_36 = arith.constant 0 : i32
    %dma_wait3A_37 = arith.constant 0 : i32
    %dma_wait3A_38 = tpu.memref_slice %arg4[%dma_wait3A_36, %dma_wait3A_37] : memref<10240x32xf32, #tpu.memory_space<hbm>> -> memref<80x32xf32, #tpu.memory_space<hbm>>
    %dma_wait3A_39 = arith.constant 0 : i32
    %dma_wait3A_40 = arith.constant 0 : i32
    %dma_wait3A_41 = tpu.memref_slice %arg4[%dma_wait3A_39, %dma_wait3A_40] : memref<10240x32xf32, #tpu.memory_space<hbm>> -> memref<80x32xf32, #tpu.memory_space<hbm>>
    tpu.wait_dma2 semaphore(%arg20 : memref<!tpu.dma_semaphore, #tpu.memory_space<semaphore_mem>>) src(%dma_wait3A_41 : memref<80x32xf32, #tpu.memory_space<hbm>>) dst(%arg9 : memref<80x32xf32, #tpu.memory_space<vmem>>)
    %dma_wait3A_42 = arith.constant 0 : i32
    %dma_wait3A_43 = arith.constant 0 : i32
    %dma_wait3A_44 = tpu.memref_slice %arg4[%dma_wait3A_42, %dma_wait3A_43] : memref<10240x32xf32, #tpu.memory_space<hbm>> -> memref<80x32xf32, #tpu.memory_space<hbm>>
    %dma_wait3A_45 = arith.constant 0 : i32
    %dma_wait3A_46 = arith.constant 0 : i32
    %dma_wait3A_47 = tpu.memref_slice %arg4[%dma_wait3A_45, %dma_wait3A_46] : memref<10240x32xf32, #tpu.memory_space<hbm>> -> memref<80x32xf32, #tpu.memory_space<hbm>>
    tpu.wait_dma2 semaphore(%arg21 : memref<!tpu.dma_semaphore, #tpu.memory_space<semaphore_mem>>) src(%dma_wait3A_47 : memref<80x32xf32, #tpu.memory_space<hbm>>) dst(%arg10 : memref<80x32xf32, #tpu.memory_space<vmem>>)
    %dma_wait3A_48 = arith.constant 0 : i32
    %dma_wait3A_49 = arith.constant 0 : i32
    %dma_wait3A_50 = tpu.memref_slice %arg4[%dma_wait3A_48, %dma_wait3A_49] : memref<10240x32xf32, #tpu.memory_space<hbm>> -> memref<80x32xf32, #tpu.memory_space<hbm>>
    %dma_wait3A_51 = arith.constant 0 : i32
    %dma_wait3A_52 = arith.constant 0 : i32
    %dma_wait3A_53 = tpu.memref_slice %arg4[%dma_wait3A_51, %dma_wait3A_52] : memref<10240x32xf32, #tpu.memory_space<hbm>> -> memref<80x32xf32, #tpu.memory_space<hbm>>
    tpu.wait_dma2 semaphore(%arg22 : memref<!tpu.dma_semaphore, #tpu.memory_space<semaphore_mem>>) src(%dma_wait3A_53 : memref<80x32xf32, #tpu.memory_space<hbm>>) dst(%arg11 : memref<80x32xf32, #tpu.memory_space<vmem>>)
    %dma_wait3A_54 = arith.constant 0 : i32
    %dma_wait3A_55 = arith.constant 0 : i32
    %dma_wait3A_56 = tpu.memref_slice %arg4[%dma_wait3A_54, %dma_wait3A_55] : memref<10240x32xf32, #tpu.memory_space<hbm>> -> memref<80x32xf32, #tpu.memory_space<hbm>>
    %dma_wait3A_57 = arith.constant 0 : i32
    %dma_wait3A_58 = arith.constant 0 : i32
    %dma_wait3A_59 = tpu.memref_slice %arg4[%dma_wait3A_57, %dma_wait3A_58] : memref<10240x32xf32, #tpu.memory_space<hbm>> -> memref<80x32xf32, #tpu.memory_space<hbm>>
    tpu.wait_dma2 semaphore(%arg23 : memref<!tpu.dma_semaphore, #tpu.memory_space<semaphore_mem>>) src(%dma_wait3A_59 : memref<80x32xf32, #tpu.memory_space<hbm>>) dst(%arg12 : memref<80x32xf32, #tpu.memory_space<vmem>>)
    %barrier3A_60 = arith.constant 0 : index
    tpu.barrier barrier_id(%barrier3A_60)
    "tpu.region"() ({
      %run_scoped3A_61 = tpu.sem_alloc : memref<!tpu.dma_semaphore, #tpu.memory_space<semaphore_mem>>
      %dma_start3A_62 = arith.constant 0 : i32
      %dma_start3A_63 = tpu.memref_slice %arg5[%arg0, %mul3A_2, %dma_start3A_62] : memref<2x10240x32xf32, #tpu.memory_space<hbm>> -> memref<1x640x32xf32, #tpu.memory_space<hbm>>
      %dma_start3A_64 = tpu.memref_squeeze %dma_start3A_63 : memref<1x640x32xf32, #tpu.memory_space<hbm>> -> memref<640x32xf32, #tpu.memory_space<hbm>>
      %dma_start3A_65 = arith.constant 0 : i32
      %dma_start3A_66 = tpu.memref_slice %arg13[%mul3A_2, %dma_start3A_65] : memref<10240x32xf32, #tpu.memory_space<vmem_shared>> -> memref<640x32xf32, #tpu.memory_space<vmem_shared>>
      tpu.enqueue_dma source(%dma_start3A_66 : memref<640x32xf32, #tpu.memory_space<vmem_shared>>) target(%dma_start3A_64 : memref<640x32xf32, #tpu.memory_space<hbm>>) target_semaphore(%run_scoped3A_61 : memref<!tpu.dma_semaphore, #tpu.memory_space<semaphore_mem>>)
      %dma_wait3A_67 = arith.constant 0 : i32
      %dma_wait3A_68 = tpu.memref_slice %arg5[%arg0, %mul3A_2, %dma_wait3A_67] : memref<2x10240x32xf32, #tpu.memory_space<hbm>> -> memref<1x640x32xf32, #tpu.memory_space<hbm>>
      %dma_wait3A_69 = tpu.memref_squeeze %dma_wait3A_68 : memref<1x640x32xf32, #tpu.memory_space<hbm>> -> memref<640x32xf32, #tpu.memory_space<hbm>>
      %dma_wait3A_70 = arith.constant 0 : i32
      %dma_wait3A_71 = tpu.memref_slice %arg13[%mul3A_2, %dma_wait3A_70] : memref<10240x32xf32, #tpu.memory_space<vmem_shared>> -> memref<640x32xf32, #tpu.memory_space<vmem_shared>>
      tpu.wait_dma2 semaphore(%run_scoped3A_61 : memref<!tpu.dma_semaphore, #tpu.memory_space<semaphore_mem>>) src(%dma_wait3A_71 : memref<640x32xf32, #tpu.memory_space<vmem_shared>>) dst(%dma_wait3A_69 : memref<640x32xf32, #tpu.memory_space<hbm>>)
      tpu.yield
    }) : () -> ()
    return
  }
}

#map = affine_map<(d0, d1) -> (0, 0)>
#map1 = affine_map<(d0, d1) -> (0, 0, 0)>
module attributes {stable_mosaic.version = 14 : i64} {
  func.func @k(%arg0: i32, %arg1: i32, %arg2: memref<10000x32xf32, #tpu.memory_space<hbm>>, %arg3: memref<2x320000xi32, #tpu.memory_space<hbm>>, %arg4: memref<10240x32xf32, #tpu.memory_space<hbm>>, %arg5: memref<2x10240x32xf32, #tpu.memory_space<hbm>>, %arg6: memref<10000xi32, #tpu.memory_space<vmem>>, %arg7: memref<10000xi32, #tpu.memory_space<vmem>>, %arg8: memref<80x32xf32, #tpu.memory_space<vmem>>, %arg9: memref<80x32xf32, #tpu.memory_space<vmem>>, %arg10: memref<80x32xf32, #tpu.memory_space<vmem>>, %arg11: memref<80x32xf32, #tpu.memory_space<vmem>>, %arg12: memref<80x32xf32, #tpu.memory_space<vmem>>, %arg13: memref<10240x32xf32, #tpu.memory_space<vmem_shared>>, %arg14: memref<!tpu.dma_semaphore, #tpu.memory_space<semaphore_mem>>, %arg15: memref<!tpu.dma_semaphore, #tpu.memory_space<semaphore_mem>>, %arg16: memref<!tpu.dma_semaphore, #tpu.memory_space<semaphore_mem>>, %arg17: memref<!tpu.dma_semaphore, #tpu.memory_space<semaphore_mem>>, %arg18: memref<!tpu.dma_semaphore, #tpu.memory_space<semaphore_mem>>, %arg19: memref<!tpu.dma_semaphore, #tpu.memory_space<semaphore_mem>>, %arg20: memref<!tpu.dma_semaphore, #tpu.memory_space<semaphore_mem>>, %arg21: memref<!tpu.dma_semaphore, #tpu.memory_space<semaphore_mem>>, %arg22: memref<!tpu.dma_semaphore, #tpu.memory_space<semaphore_mem>>, %arg23: memref<!tpu.dma_semaphore, #tpu.memory_space<semaphore_mem>>) attributes {dimension_semantics = [#tpu.dimension_semantics<core_parallel>, #tpu.dimension_semantics<subcore_parallel>], iteration_bounds = array<i64: 2, 16>, scalar_prefetch = 0 : i64, scratch_operands = 18 : i64, tpu.core_type = #tpu.core_type<sc_vector_subcore>, window_params = [{transform_indices = #map}, {transform_indices = #map}, {transform_indices = #map}, {transform_indices = #map1}]} {
    %mul3A = arith.constant 16 : i32
    %mul3A_0 = arith.muli %arg0, %mul3A : i32
    %add3A = arith.addi %mul3A_0, %arg1 : i32
    %mul3A_1 = arith.constant 640 : i32
    %mul3A_2 = arith.muli %arg1, %mul3A_1 : i32
    "tpu.region"() ({
      %run_scoped3A_61 = tpu.sem_alloc : memref<!tpu.dma_semaphore, #tpu.memory_space<semaphore_mem>>
      %dma_start3A_62 = arith.constant 0 : i32
      %dma_start3A_63 = tpu.memref_slice %arg13[%mul3A_2, %dma_start3A_62] : memref<10240x32xf32, #tpu.memory_space<vmem_shared>> -> memref<640x32xf32, #tpu.memory_space<vmem_shared>>
      %dma_start3A_64 = arith.constant 0 : i32
      %dma_start3A_65 = tpu.memref_slice %arg4[%mul3A_2, %dma_start3A_64] : memref<10240x32xf32, #tpu.memory_space<hbm>> -> memref<640x32xf32, #tpu.memory_space<hbm>>
      tpu.enqueue_dma source(%dma_start3A_65 : memref<640x32xf32, #tpu.memory_space<hbm>>) target(%dma_start3A_63 : memref<640x32xf32, #tpu.memory_space<vmem_shared>>) target_semaphore(%run_scoped3A_61 : memref<!tpu.dma_semaphore, #tpu.memory_space<semaphore_mem>>)
      %dma_wait3A_66 = arith.constant 0 : i32
      %dma_wait3A_67 = tpu.memref_slice %arg13[%mul3A_2, %dma_wait3A_66] : memref<10240x32xf32, #tpu.memory_space<vmem_shared>> -> memref<640x32xf32, #tpu.memory_space<vmem_shared>>
      %dma_wait3A_68 = arith.constant 0 : i32
      %dma_wait3A_69 = tpu.memref_slice %arg4[%mul3A_2, %dma_wait3A_68] : memref<10240x32xf32, #tpu.memory_space<hbm>> -> memref<640x32xf32, #tpu.memory_space<hbm>>
      tpu.wait_dma2 semaphore(%run_scoped3A_61 : memref<!tpu.dma_semaphore, #tpu.memory_space<semaphore_mem>>) src(%dma_wait3A_69 : memref<640x32xf32, #tpu.memory_space<hbm>>) dst(%dma_wait3A_67 : memref<640x32xf32, #tpu.memory_space<vmem_shared>>)
      tpu.yield
    }) : () -> ()
    %mul3A_3 = arith.constant 10000 : i32
    %mul3A_4 = arith.muli %add3A, %mul3A_3 : i32
    %run_scoped3A = arith.constant 0 : i32
    "tpu.region"() ({
      %run_scoped3A_61 = tpu.sem_alloc : memref<!tpu.dma_semaphore, #tpu.memory_space<semaphore_mem>>
      %dma_start3A_62 = tpu.memref_slice %arg3[%run_scoped3A, %mul3A_4] : memref<2x320000xi32, #tpu.memory_space<hbm>> -> memref<1x10000xi32, #tpu.memory_space<hbm>>
      %dma_start3A_63 = tpu.memref_squeeze %dma_start3A_62 : memref<1x10000xi32, #tpu.memory_space<hbm>> -> memref<10000xi32, #tpu.memory_space<hbm>>
      %dma_start3A_64 = tpu.memref_slice %arg3[%run_scoped3A, %mul3A_4] : memref<2x320000xi32, #tpu.memory_space<hbm>> -> memref<1x10000xi32, #tpu.memory_space<hbm>>
      %dma_start3A_65 = tpu.memref_squeeze %dma_start3A_64 : memref<1x10000xi32, #tpu.memory_space<hbm>> -> memref<10000xi32, #tpu.memory_space<hbm>>
      tpu.enqueue_dma source(%dma_start3A_65 : memref<10000xi32, #tpu.memory_space<hbm>>) target(%arg6 : memref<10000xi32, #tpu.memory_space<vmem>>) target_semaphore(%run_scoped3A_61 : memref<!tpu.dma_semaphore, #tpu.memory_space<semaphore_mem>>)
      %dma_wait3A_66 = tpu.memref_slice %arg3[%run_scoped3A, %mul3A_4] : memref<2x320000xi32, #tpu.memory_space<hbm>> -> memref<1x10000xi32, #tpu.memory_space<hbm>>
      %dma_wait3A_67 = tpu.memref_squeeze %dma_wait3A_66 : memref<1x10000xi32, #tpu.memory_space<hbm>> -> memref<10000xi32, #tpu.memory_space<hbm>>
      %dma_wait3A_68 = tpu.memref_slice %arg3[%run_scoped3A, %mul3A_4] : memref<2x320000xi32, #tpu.memory_space<hbm>> -> memref<1x10000xi32, #tpu.memory_space<hbm>>
      %dma_wait3A_69 = tpu.memref_squeeze %dma_wait3A_68 : memref<1x10000xi32, #tpu.memory_space<hbm>> -> memref<10000xi32, #tpu.memory_space<hbm>>
      tpu.wait_dma2 semaphore(%run_scoped3A_61 : memref<!tpu.dma_semaphore, #tpu.memory_space<semaphore_mem>>) src(%dma_wait3A_69 : memref<10000xi32, #tpu.memory_space<hbm>>) dst(%arg6 : memref<10000xi32, #tpu.memory_space<vmem>>)
      tpu.yield
    }) : () -> ()
    %mul3A_5 = arith.constant 10000 : i32
    %mul3A_6 = arith.muli %add3A, %mul3A_5 : i32
    %run_scoped3A_7 = arith.constant 1 : i32
    "tpu.region"() ({
      %run_scoped3A_61 = tpu.sem_alloc : memref<!tpu.dma_semaphore, #tpu.memory_space<semaphore_mem>>
      %dma_start3A_62 = tpu.memref_slice %arg3[%run_scoped3A_7, %mul3A_6] : memref<2x320000xi32, #tpu.memory_space<hbm>> -> memref<1x10000xi32, #tpu.memory_space<hbm>>
      %dma_start3A_63 = tpu.memref_squeeze %dma_start3A_62 : memref<1x10000xi32, #tpu.memory_space<hbm>> -> memref<10000xi32, #tpu.memory_space<hbm>>
      %dma_start3A_64 = tpu.memref_slice %arg3[%run_scoped3A_7, %mul3A_6] : memref<2x320000xi32, #tpu.memory_space<hbm>> -> memref<1x10000xi32, #tpu.memory_space<hbm>>
      %dma_start3A_65 = tpu.memref_squeeze %dma_start3A_64 : memref<1x10000xi32, #tpu.memory_space<hbm>> -> memref<10000xi32, #tpu.memory_space<hbm>>
      tpu.enqueue_dma source(%dma_start3A_65 : memref<10000xi32, #tpu.memory_space<hbm>>) target(%arg7 : memref<10000xi32, #tpu.memory_space<vmem>>) target_semaphore(%run_scoped3A_61 : memref<!tpu.dma_semaphore, #tpu.memory_space<semaphore_mem>>)
      %dma_wait3A_66 = tpu.memref_slice %arg3[%run_scoped3A_7, %mul3A_6] : memref<2x320000xi32, #tpu.memory_space<hbm>> -> memref<1x10000xi32, #tpu.memory_space<hbm>>
      %dma_wait3A_67 = tpu.memref_squeeze %dma_wait3A_66 : memref<1x10000xi32, #tpu.memory_space<hbm>> -> memref<10000xi32, #tpu.memory_space<hbm>>
      %dma_wait3A_68 = tpu.memref_slice %arg3[%run_scoped3A_7, %mul3A_6] : memref<2x320000xi32, #tpu.memory_space<hbm>> -> memref<1x10000xi32, #tpu.memory_space<hbm>>
      %dma_wait3A_69 = tpu.memref_squeeze %dma_wait3A_68 : memref<1x10000xi32, #tpu.memory_space<hbm>> -> memref<10000xi32, #tpu.memory_space<hbm>>
      tpu.wait_dma2 semaphore(%run_scoped3A_61 : memref<!tpu.dma_semaphore, #tpu.memory_space<semaphore_mem>>) src(%dma_wait3A_69 : memref<10000xi32, #tpu.memory_space<hbm>>) dst(%arg7 : memref<10000xi32, #tpu.memory_space<vmem>>)
      tpu.yield
    }) : () -> ()
    %barrier3A = arith.constant 0 : index
    tpu.barrier barrier_id(%barrier3A)
    %dma_start3A = arith.constant 0 : i32
    %dma_start3A_8 = tpu.memref_slice %arg6[%dma_start3A] : memref<10000xi32, #tpu.memory_space<vmem>> -> memref<80xi32, #tpu.memory_space<vmem>>
    %dma_start3A_9 = arith.constant 0 : i32
    %dma_start3A_10 = arith.constant 0 : i32
    %dma_start3A_11 = tpu.memref_slice %arg2[%dma_start3A_9, %dma_start3A_10] : memref<10000x32xf32, #tpu.memory_space<hbm>> -> memref<10000x32xf32, #tpu.memory_space<hbm>>
    tpu.enqueue_indirect_dma source(%dma_start3A_11 : memref<10000x32xf32, #tpu.memory_space<hbm>>) target(%arg8 : memref<80x32xf32, #tpu.memory_space<vmem>>) offsets(%dma_start3A_8 : memref<80xi32, #tpu.memory_space<vmem>>) semaphore(%arg14 : memref<!tpu.dma_semaphore, #tpu.memory_space<semaphore_mem>>)
    %dma_start3A_12 = arith.constant 80 : i32
    %dma_start3A_13 = tpu.memref_slice %arg6[%dma_start3A_12] : memref<10000xi32, #tpu.memory_space<vmem>> -> memref<80xi32, #tpu.memory_space<vmem>>
    %dma_start3A_14 = arith.constant 0 : i32
    %dma_start3A_15 = arith.constant 0 : i32
    %dma_start3A_16 = tpu.memref_slice %arg2[%dma_start3A_14, %dma_start3A_15] : memref<10000x32xf32, #tpu.memory_space<hbm>> -> memref<10000x32xf32, #tpu.memory_space<hbm>>
    tpu.enqueue_indirect_dma source(%dma_start3A_16 : memref<10000x32xf32, #tpu.memory_space<hbm>>) target(%arg9 : memref<80x32xf32, #tpu.memory_space<vmem>>) offsets(%dma_start3A_13 : memref<80xi32, #tpu.memory_space<vmem>>) semaphore(%arg15 : memref<!tpu.dma_semaphore, #tpu.memory_space<semaphore_mem>>)
    %dma_start3A_17 = arith.constant 160 : i32
    %dma_start3A_18 = tpu.memref_slice %arg6[%dma_start3A_17] : memref<10000xi32, #tpu.memory_space<vmem>> -> memref<80xi32, #tpu.memory_space<vmem>>
    %dma_start3A_19 = arith.constant 0 : i32
    %dma_start3A_20 = arith.constant 0 : i32
    %dma_start3A_21 = tpu.memref_slice %arg2[%dma_start3A_19, %dma_start3A_20] : memref<10000x32xf32, #tpu.memory_space<hbm>> -> memref<10000x32xf32, #tpu.memory_space<hbm>>
    tpu.enqueue_indirect_dma source(%dma_start3A_21 : memref<10000x32xf32, #tpu.memory_space<hbm>>) target(%arg10 : memref<80x32xf32, #tpu.memory_space<vmem>>) offsets(%dma_start3A_18 : memref<80xi32, #tpu.memory_space<vmem>>) semaphore(%arg16 : memref<!tpu.dma_semaphore, #tpu.memory_space<semaphore_mem>>)
    %dma_start3A_22 = arith.constant 240 : i32
    %dma_start3A_23 = tpu.memref_slice %arg6[%dma_start3A_22] : memref<10000xi32, #tpu.memory_space<vmem>> -> memref<80xi32, #tpu.memory_space<vmem>>
    %dma_start3A_24 = arith.constant 0 : i32
    %dma_start3A_25 = arith.constant 0 : i32
    %dma_start3A_26 = tpu.memref_slice %arg2[%dma_start3A_24, %dma_start3A_25] : memref<10000x32xf32, #tpu.memory_space<hbm>> -> memref<10000x32xf32, #tpu.memory_space<hbm>>
    tpu.enqueue_indirect_dma source(%dma_start3A_26 : memref<10000x32xf32, #tpu.memory_space<hbm>>) target(%arg11 : memref<80x32xf32, #tpu.memory_space<vmem>>) offsets(%dma_start3A_23 : memref<80xi32, #tpu.memory_space<vmem>>) semaphore(%arg17 : memref<!tpu.dma_semaphore, #tpu.memory_space<semaphore_mem>>)
    %scan3A = arith.constant 0 : i32
    %scan3A_27 = arith.constant 25 : i32
    %scan3A_28 = arith.addi %scan3A, %scan3A_27 : i32
    %scan3A_29 = arith.constant 1 : i32
    scf.for %scan3A_61 = %scan3A to %scan3A_28 step %scan3A_29  : i32 {
      %mul3A_62 = arith.constant 5 : i32
      %mul3A_63 = arith.muli %scan3A_61, %mul3A_62 : i32
      %add3A_64 = arith.constant 0 : i32
      %add3A_65 = arith.addi %add3A_64, %mul3A_63 : i32
      %add3A_66 = arith.constant 0 : i32
      %add3A_67 = arith.addi %add3A_65, %add3A_66 : i32
      %dma_wait3A_68 = arith.constant 0 : i32
      %dma_wait3A_69 = arith.constant 0 : i32
      %dma_wait3A_70 = tpu.memref_slice %arg4[%dma_wait3A_68, %dma_wait3A_69] : memref<10240x32xf32, #tpu.memory_space<hbm>> -> memref<80x32xf32, #tpu.memory_space<hbm>>
      %dma_wait3A_71 = arith.constant 0 : i32
      %dma_wait3A_72 = arith.constant 0 : i32
      %dma_wait3A_73 = tpu.memref_slice %arg4[%dma_wait3A_71, %dma_wait3A_72] : memref<10240x32xf32, #tpu.memory_space<hbm>> -> memref<80x32xf32, #tpu.memory_space<hbm>>
      tpu.wait_dma2 semaphore(%arg14 : memref<!tpu.dma_semaphore, #tpu.memory_space<semaphore_mem>>) src(%dma_wait3A_73 : memref<80x32xf32, #tpu.memory_space<hbm>>) dst(%arg8 : memref<80x32xf32, #tpu.memory_space<vmem>>)
      %mul3A_74 = arith.constant 80 : i32
      %mul3A_75 = arith.muli %add3A_67, %mul3A_74 : i32
      %dma_start3A_76 = tpu.memref_slice %arg7[%mul3A_75] : memref<10000xi32, #tpu.memory_space<vmem>> -> memref<80xi32, #tpu.memory_space<vmem>>
      %dma_start3A_77 = arith.constant 0 : i32
      %dma_start3A_78 = arith.constant 0 : i32
      %dma_start3A_79 = tpu.memref_slice %arg13[%dma_start3A_77, %dma_start3A_78] : memref<10240x32xf32, #tpu.memory_space<vmem_shared>> -> memref<10240x32xf32, #tpu.memory_space<vmem_shared>>
      tpu.enqueue_indirect_dma source(%arg8 : memref<80x32xf32, #tpu.memory_space<vmem>>) target(%dma_start3A_79 : memref<10240x32xf32, #tpu.memory_space<vmem_shared>>) offsets(%dma_start3A_76 : memref<80xi32, #tpu.memory_space<vmem>>) semaphore(%arg19 : memref<!tpu.dma_semaphore, #tpu.memory_space<semaphore_mem>>) {add = true}
      %add3A_80 = arith.constant 4 : i32
      %add3A_81 = arith.addi %add3A_67, %add3A_80 : i32
      %lt3A = arith.constant 125 : i32
      %lt3A_82 = arith.cmpi slt, %add3A_81, %lt3A : i32
      %convert_element_type3A = arith.extui %lt3A_82 : i1 to i32
      %cond3A = arith.constant 0 : i32
      %cond3A_83 = arith.cmpi ne, %convert_element_type3A, %cond3A : i32
      scf.if %cond3A_83 {
        %ge3A = arith.constant 1 : i32
        %ge3A_168 = arith.cmpi sge, %add3A_67, %ge3A : i32
        %convert_element_type3A_169 = arith.extui %ge3A_168 : i1 to i32
        %cond3A_170 = arith.constant 0 : i32
        %cond3A_171 = arith.cmpi ne, %convert_element_type3A_169, %cond3A_170 : i32
        scf.if %cond3A_171 {
          %dma_wait3A_180 = arith.constant 0 : i32
          %dma_wait3A_181 = arith.constant 0 : i32
          %dma_wait3A_182 = tpu.memref_slice %arg4[%dma_wait3A_180, %dma_wait3A_181] : memref<10240x32xf32, #tpu.memory_space<hbm>> -> memref<80x32xf32, #tpu.memory_space<hbm>>
          %dma_wait3A_183 = arith.constant 0 : i32
          %dma_wait3A_184 = arith.constant 0 : i32
          %dma_wait3A_185 = tpu.memref_slice %arg4[%dma_wait3A_183, %dma_wait3A_184] : memref<10240x32xf32, #tpu.memory_space<hbm>> -> memref<80x32xf32, #tpu.memory_space<hbm>>
          tpu.wait_dma2 semaphore(%arg23 : memref<!tpu.dma_semaphore, #tpu.memory_space<semaphore_mem>>) src(%dma_wait3A_185 : memref<80x32xf32, #tpu.memory_space<hbm>>) dst(%arg12 : memref<80x32xf32, #tpu.memory_space<vmem>>)
        } else {
        }
        %add3A_172 = arith.constant 4 : i32
        %add3A_173 = arith.addi %add3A_67, %add3A_172 : i32
        %mul3A_174 = arith.constant 80 : i32
        %mul3A_175 = arith.muli %add3A_173, %mul3A_174 : i32
        %dma_start3A_176 = tpu.memref_slice %arg6[%mul3A_175] : memref<10000xi32, #tpu.memory_space<vmem>> -> memref<80xi32, #tpu.memory_space<vmem>>
        %dma_start3A_177 = arith.constant 0 : i32
        %dma_start3A_178 = arith.constant 0 : i32
        %dma_start3A_179 = tpu.memref_slice %arg2[%dma_start3A_177, %dma_start3A_178] : memref<10000x32xf32, #tpu.memory_space<hbm>> -> memref<10000x32xf32, #tpu.memory_space<hbm>>
        tpu.enqueue_indirect_dma source(%dma_start3A_179 : memref<10000x32xf32, #tpu.memory_space<hbm>>) target(%arg12 : memref<80x32xf32, #tpu.memory_space<vmem>>) offsets(%dma_start3A_176 : memref<80xi32, #tpu.memory_space<vmem>>) semaphore(%arg18 : memref<!tpu.dma_semaphore, #tpu.memory_space<semaphore_mem>>)
      } else {
      }
      %add3A_84 = arith.constant 1 : i32
      %add3A_85 = arith.addi %add3A_65, %add3A_84 : i32
      %dma_wait3A_86 = arith.constant 0 : i32
      %dma_wait3A_87 = arith.constant 0 : i32
      %dma_wait3A_88 = tpu.memref_slice %arg4[%dma_wait3A_86, %dma_wait3A_87] : memref<10240x32xf32, #tpu.memory_space<hbm>> -> memref<80x32xf32, #tpu.memory_space<hbm>>
      %dma_wait3A_89 = arith.constant 0 : i32
      %dma_wait3A_90 = arith.constant 0 : i32
      %dma_wait3A_91 = tpu.memref_slice %arg4[%dma_wait3A_89, %dma_wait3A_90] : memref<10240x32xf32, #tpu.memory_space<hbm>> -> memref<80x32xf32, #tpu.memory_space<hbm>>
      tpu.wait_dma2 semaphore(%arg15 : memref<!tpu.dma_semaphore, #tpu.memory_space<semaphore_mem>>) src(%dma_wait3A_91 : memref<80x32xf32, #tpu.memory_space<hbm>>) dst(%arg9 : memref<80x32xf32, #tpu.memory_space<vmem>>)
      %mul3A_92 = arith.constant 80 : i32
      %mul3A_93 = arith.muli %add3A_85, %mul3A_92 : i32
      %dma_start3A_94 = tpu.memref_slice %arg7[%mul3A_93] : memref<10000xi32, #tpu.memory_space<vmem>> -> memref<80xi32, #tpu.memory_space<vmem>>
      %dma_start3A_95 = arith.constant 0 : i32
      %dma_start3A_96 = arith.constant 0 : i32
      %dma_start3A_97 = tpu.memref_slice %arg13[%dma_start3A_95, %dma_start3A_96] : memref<10240x32xf32, #tpu.memory_space<vmem_shared>> -> memref<10240x32xf32, #tpu.memory_space<vmem_shared>>
      tpu.enqueue_indirect_dma source(%arg9 : memref<80x32xf32, #tpu.memory_space<vmem>>) target(%dma_start3A_97 : memref<10240x32xf32, #tpu.memory_space<vmem_shared>>) offsets(%dma_start3A_94 : memref<80xi32, #tpu.memory_space<vmem>>) semaphore(%arg20 : memref<!tpu.dma_semaphore, #tpu.memory_space<semaphore_mem>>) {add = true}
      %add3A_98 = arith.constant 4 : i32
      %add3A_99 = arith.addi %add3A_85, %add3A_98 : i32
      %lt3A_100 = arith.constant 125 : i32
      %lt3A_101 = arith.cmpi slt, %add3A_99, %lt3A_100 : i32
      %convert_element_type3A_102 = arith.extui %lt3A_101 : i1 to i32
      %cond3A_103 = arith.constant 0 : i32
      %cond3A_104 = arith.cmpi ne, %convert_element_type3A_102, %cond3A_103 : i32
      scf.if %cond3A_104 {
        %ge3A = arith.constant 1 : i32
        %ge3A_168 = arith.cmpi sge, %add3A_85, %ge3A : i32
        %convert_element_type3A_169 = arith.extui %ge3A_168 : i1 to i32
        %cond3A_170 = arith.constant 0 : i32
        %cond3A_171 = arith.cmpi ne, %convert_element_type3A_169, %cond3A_170 : i32
        scf.if %cond3A_171 {
          %dma_wait3A_180 = arith.constant 0 : i32
          %dma_wait3A_181 = arith.constant 0 : i32
          %dma_wait3A_182 = tpu.memref_slice %arg4[%dma_wait3A_180, %dma_wait3A_181] : memref<10240x32xf32, #tpu.memory_space<hbm>> -> memref<80x32xf32, #tpu.memory_space<hbm>>
          %dma_wait3A_183 = arith.constant 0 : i32
          %dma_wait3A_184 = arith.constant 0 : i32
          %dma_wait3A_185 = tpu.memref_slice %arg4[%dma_wait3A_183, %dma_wait3A_184] : memref<10240x32xf32, #tpu.memory_space<hbm>> -> memref<80x32xf32, #tpu.memory_space<hbm>>
          tpu.wait_dma2 semaphore(%arg19 : memref<!tpu.dma_semaphore, #tpu.memory_space<semaphore_mem>>) src(%dma_wait3A_185 : memref<80x32xf32, #tpu.memory_space<hbm>>) dst(%arg8 : memref<80x32xf32, #tpu.memory_space<vmem>>)
        } else {
        }
        %add3A_172 = arith.constant 4 : i32
        %add3A_173 = arith.addi %add3A_85, %add3A_172 : i32
        %mul3A_174 = arith.constant 80 : i32
        %mul3A_175 = arith.muli %add3A_173, %mul3A_174 : i32
        %dma_start3A_176 = tpu.memref_slice %arg6[%mul3A_175] : memref<10000xi32, #tpu.memory_space<vmem>> -> memref<80xi32, #tpu.memory_space<vmem>>
        %dma_start3A_177 = arith.constant 0 : i32
        %dma_start3A_178 = arith.constant 0 : i32
        %dma_start3A_179 = tpu.memref_slice %arg2[%dma_start3A_177, %dma_start3A_178] : memref<10000x32xf32, #tpu.memory_space<hbm>> -> memref<10000x32xf32, #tpu.memory_space<hbm>>
        tpu.enqueue_indirect_dma source(%dma_start3A_179 : memref<10000x32xf32, #tpu.memory_space<hbm>>) target(%arg8 : memref<80x32xf32, #tpu.memory_space<vmem>>) offsets(%dma_start3A_176 : memref<80xi32, #tpu.memory_space<vmem>>) semaphore(%arg14 : memref<!tpu.dma_semaphore, #tpu.memory_space<semaphore_mem>>)
      } else {
      }
      %add3A_105 = arith.constant 2 : i32
      %add3A_106 = arith.addi %add3A_65, %add3A_105 : i32
      %dma_wait3A_107 = arith.constant 0 : i32
      %dma_wait3A_108 = arith.constant 0 : i32
      %dma_wait3A_109 = tpu.memref_slice %arg4[%dma_wait3A_107, %dma_wait3A_108] : memref<10240x32xf32, #tpu.memory_space<hbm>> -> memref<80x32xf32, #tpu.memory_space<hbm>>
      %dma_wait3A_110 = arith.constant 0 : i32
      %dma_wait3A_111 = arith.constant 0 : i32
      %dma_wait3A_112 = tpu.memref_slice %arg4[%dma_wait3A_110, %dma_wait3A_111] : memref<10240x32xf32, #tpu.memory_space<hbm>> -> memref<80x32xf32, #tpu.memory_space<hbm>>
      tpu.wait_dma2 semaphore(%arg16 : memref<!tpu.dma_semaphore, #tpu.memory_space<semaphore_mem>>) src(%dma_wait3A_112 : memref<80x32xf32, #tpu.memory_space<hbm>>) dst(%arg10 : memref<80x32xf32, #tpu.memory_space<vmem>>)
      %mul3A_113 = arith.constant 80 : i32
      %mul3A_114 = arith.muli %add3A_106, %mul3A_113 : i32
      %dma_start3A_115 = tpu.memref_slice %arg7[%mul3A_114] : memref<10000xi32, #tpu.memory_space<vmem>> -> memref<80xi32, #tpu.memory_space<vmem>>
      %dma_start3A_116 = arith.constant 0 : i32
      %dma_start3A_117 = arith.constant 0 : i32
      %dma_start3A_118 = tpu.memref_slice %arg13[%dma_start3A_116, %dma_start3A_117] : memref<10240x32xf32, #tpu.memory_space<vmem_shared>> -> memref<10240x32xf32, #tpu.memory_space<vmem_shared>>
      tpu.enqueue_indirect_dma source(%arg10 : memref<80x32xf32, #tpu.memory_space<vmem>>) target(%dma_start3A_118 : memref<10240x32xf32, #tpu.memory_space<vmem_shared>>) offsets(%dma_start3A_115 : memref<80xi32, #tpu.memory_space<vmem>>) semaphore(%arg21 : memref<!tpu.dma_semaphore, #tpu.memory_space<semaphore_mem>>) {add = true}
      %add3A_119 = arith.constant 4 : i32
      %add3A_120 = arith.addi %add3A_106, %add3A_119 : i32
      %lt3A_121 = arith.constant 125 : i32
      %lt3A_122 = arith.cmpi slt, %add3A_120, %lt3A_121 : i32
      %convert_element_type3A_123 = arith.extui %lt3A_122 : i1 to i32
      %cond3A_124 = arith.constant 0 : i32
      %cond3A_125 = arith.cmpi ne, %convert_element_type3A_123, %cond3A_124 : i32
      scf.if %cond3A_125 {
        %ge3A = arith.constant 1 : i32
        %ge3A_168 = arith.cmpi sge, %add3A_106, %ge3A : i32
        %convert_element_type3A_169 = arith.extui %ge3A_168 : i1 to i32
        %cond3A_170 = arith.constant 0 : i32
        %cond3A_171 = arith.cmpi ne, %convert_element_type3A_169, %cond3A_170 : i32
        scf.if %cond3A_171 {
          %dma_wait3A_180 = arith.constant 0 : i32
          %dma_wait3A_181 = arith.constant 0 : i32
          %dma_wait3A_182 = tpu.memref_slice %arg4[%dma_wait3A_180, %dma_wait3A_181] : memref<10240x32xf32, #tpu.memory_space<hbm>> -> memref<80x32xf32, #tpu.memory_space<hbm>>
          %dma_wait3A_183 = arith.constant 0 : i32
          %dma_wait3A_184 = arith.constant 0 : i32
          %dma_wait3A_185 = tpu.memref_slice %arg4[%dma_wait3A_183, %dma_wait3A_184] : memref<10240x32xf32, #tpu.memory_space<hbm>> -> memref<80x32xf32, #tpu.memory_space<hbm>>
          tpu.wait_dma2 semaphore(%arg20 : memref<!tpu.dma_semaphore, #tpu.memory_space<semaphore_mem>>) src(%dma_wait3A_185 : memref<80x32xf32, #tpu.memory_space<hbm>>) dst(%arg9 : memref<80x32xf32, #tpu.memory_space<vmem>>)
        } else {
        }
        %add3A_172 = arith.constant 4 : i32
        %add3A_173 = arith.addi %add3A_106, %add3A_172 : i32
        %mul3A_174 = arith.constant 80 : i32
        %mul3A_175 = arith.muli %add3A_173, %mul3A_174 : i32
        %dma_start3A_176 = tpu.memref_slice %arg6[%mul3A_175] : memref<10000xi32, #tpu.memory_space<vmem>> -> memref<80xi32, #tpu.memory_space<vmem>>
        %dma_start3A_177 = arith.constant 0 : i32
        %dma_start3A_178 = arith.constant 0 : i32
        %dma_start3A_179 = tpu.memref_slice %arg2[%dma_start3A_177, %dma_start3A_178] : memref<10000x32xf32, #tpu.memory_space<hbm>> -> memref<10000x32xf32, #tpu.memory_space<hbm>>
        tpu.enqueue_indirect_dma source(%dma_start3A_179 : memref<10000x32xf32, #tpu.memory_space<hbm>>) target(%arg9 : memref<80x32xf32, #tpu.memory_space<vmem>>) offsets(%dma_start3A_176 : memref<80xi32, #tpu.memory_space<vmem>>) semaphore(%arg15 : memref<!tpu.dma_semaphore, #tpu.memory_space<semaphore_mem>>)
      } else {
      }
      %add3A_126 = arith.constant 3 : i32
      %add3A_127 = arith.addi %add3A_65, %add3A_126 : i32
      %dma_wait3A_128 = arith.constant 0 : i32
      %dma_wait3A_129 = arith.constant 0 : i32
      %dma_wait3A_130 = tpu.memref_slice %arg4[%dma_wait3A_128, %dma_wait3A_129] : memref<10240x32xf32, #tpu.memory_space<hbm>> -> memref<80x32xf32, #tpu.memory_space<hbm>>
      %dma_wait3A_131 = arith.constant 0 : i32
      %dma_wait3A_132 = arith.constant 0 : i32
      %dma_wait3A_133 = tpu.memref_slice %arg4[%dma_wait3A_131, %dma_wait3A_132] : memref<10240x32xf32, #tpu.memory_space<hbm>> -> memref<80x32xf32, #tpu.memory_space<hbm>>
      tpu.wait_dma2 semaphore(%arg17 : memref<!tpu.dma_semaphore, #tpu.memory_space<semaphore_mem>>) src(%dma_wait3A_133 : memref<80x32xf32, #tpu.memory_space<hbm>>) dst(%arg11 : memref<80x32xf32, #tpu.memory_space<vmem>>)
      %mul3A_134 = arith.constant 80 : i32
      %mul3A_135 = arith.muli %add3A_127, %mul3A_134 : i32
      %dma_start3A_136 = tpu.memref_slice %arg7[%mul3A_135] : memref<10000xi32, #tpu.memory_space<vmem>> -> memref<80xi32, #tpu.memory_space<vmem>>
      %dma_start3A_137 = arith.constant 0 : i32
      %dma_start3A_138 = arith.constant 0 : i32
      %dma_start3A_139 = tpu.memref_slice %arg13[%dma_start3A_137, %dma_start3A_138] : memref<10240x32xf32, #tpu.memory_space<vmem_shared>> -> memref<10240x32xf32, #tpu.memory_space<vmem_shared>>
      tpu.enqueue_indirect_dma source(%arg11 : memref<80x32xf32, #tpu.memory_space<vmem>>) target(%dma_start3A_139 : memref<10240x32xf32, #tpu.memory_space<vmem_shared>>) offsets(%dma_start3A_136 : memref<80xi32, #tpu.memory_space<vmem>>) semaphore(%arg22 : memref<!tpu.dma_semaphore, #tpu.memory_space<semaphore_mem>>) {add = true}
      %add3A_140 = arith.constant 4 : i32
      %add3A_141 = arith.addi %add3A_127, %add3A_140 : i32
      %lt3A_142 = arith.constant 125 : i32
      %lt3A_143 = arith.cmpi slt, %add3A_141, %lt3A_142 : i32
      %convert_element_type3A_144 = arith.extui %lt3A_143 : i1 to i32
      %cond3A_145 = arith.constant 0 : i32
      %cond3A_146 = arith.cmpi ne, %convert_element_type3A_144, %cond3A_145 : i32
      scf.if %cond3A_146 {
        %ge3A = arith.constant 1 : i32
        %ge3A_168 = arith.cmpi sge, %add3A_127, %ge3A : i32
        %convert_element_type3A_169 = arith.extui %ge3A_168 : i1 to i32
        %cond3A_170 = arith.constant 0 : i32
        %cond3A_171 = arith.cmpi ne, %convert_element_type3A_169, %cond3A_170 : i32
        scf.if %cond3A_171 {
          %dma_wait3A_180 = arith.constant 0 : i32
          %dma_wait3A_181 = arith.constant 0 : i32
          %dma_wait3A_182 = tpu.memref_slice %arg4[%dma_wait3A_180, %dma_wait3A_181] : memref<10240x32xf32, #tpu.memory_space<hbm>> -> memref<80x32xf32, #tpu.memory_space<hbm>>
          %dma_wait3A_183 = arith.constant 0 : i32
          %dma_wait3A_184 = arith.constant 0 : i32
          %dma_wait3A_185 = tpu.memref_slice %arg4[%dma_wait3A_183, %dma_wait3A_184] : memref<10240x32xf32, #tpu.memory_space<hbm>> -> memref<80x32xf32, #tpu.memory_space<hbm>>
          tpu.wait_dma2 semaphore(%arg21 : memref<!tpu.dma_semaphore, #tpu.memory_space<semaphore_mem>>) src(%dma_wait3A_185 : memref<80x32xf32, #tpu.memory_space<hbm>>) dst(%arg10 : memref<80x32xf32, #tpu.memory_space<vmem>>)
        } else {
        }
        %add3A_172 = arith.constant 4 : i32
        %add3A_173 = arith.addi %add3A_127, %add3A_172 : i32
        %mul3A_174 = arith.constant 80 : i32
        %mul3A_175 = arith.muli %add3A_173, %mul3A_174 : i32
        %dma_start3A_176 = tpu.memref_slice %arg6[%mul3A_175] : memref<10000xi32, #tpu.memory_space<vmem>> -> memref<80xi32, #tpu.memory_space<vmem>>
        %dma_start3A_177 = arith.constant 0 : i32
        %dma_start3A_178 = arith.constant 0 : i32
        %dma_start3A_179 = tpu.memref_slice %arg2[%dma_start3A_177, %dma_start3A_178] : memref<10000x32xf32, #tpu.memory_space<hbm>> -> memref<10000x32xf32, #tpu.memory_space<hbm>>
        tpu.enqueue_indirect_dma source(%dma_start3A_179 : memref<10000x32xf32, #tpu.memory_space<hbm>>) target(%arg10 : memref<80x32xf32, #tpu.memory_space<vmem>>) offsets(%dma_start3A_176 : memref<80xi32, #tpu.memory_space<vmem>>) semaphore(%arg16 : memref<!tpu.dma_semaphore, #tpu.memory_space<semaphore_mem>>)
      } else {
      }
      %add3A_147 = arith.constant 4 : i32
      %add3A_148 = arith.addi %add3A_65, %add3A_147 : i32
      %dma_wait3A_149 = arith.constant 0 : i32
      %dma_wait3A_150 = arith.constant 0 : i32
      %dma_wait3A_151 = tpu.memref_slice %arg4[%dma_wait3A_149, %dma_wait3A_150] : memref<10240x32xf32, #tpu.memory_space<hbm>> -> memref<80x32xf32, #tpu.memory_space<hbm>>
      %dma_wait3A_152 = arith.constant 0 : i32
      %dma_wait3A_153 = arith.constant 0 : i32
      %dma_wait3A_154 = tpu.memref_slice %arg4[%dma_wait3A_152, %dma_wait3A_153] : memref<10240x32xf32, #tpu.memory_space<hbm>> -> memref<80x32xf32, #tpu.memory_space<hbm>>
      tpu.wait_dma2 semaphore(%arg18 : memref<!tpu.dma_semaphore, #tpu.memory_space<semaphore_mem>>) src(%dma_wait3A_154 : memref<80x32xf32, #tpu.memory_space<hbm>>) dst(%arg12 : memref<80x32xf32, #tpu.memory_space<vmem>>)
      %mul3A_155 = arith.constant 80 : i32
      %mul3A_156 = arith.muli %add3A_148, %mul3A_155 : i32
      %dma_start3A_157 = tpu.memref_slice %arg7[%mul3A_156] : memref<10000xi32, #tpu.memory_space<vmem>> -> memref<80xi32, #tpu.memory_space<vmem>>
      %dma_start3A_158 = arith.constant 0 : i32
      %dma_start3A_159 = arith.constant 0 : i32
      %dma_start3A_160 = tpu.memref_slice %arg13[%dma_start3A_158, %dma_start3A_159] : memref<10240x32xf32, #tpu.memory_space<vmem_shared>> -> memref<10240x32xf32, #tpu.memory_space<vmem_shared>>
      tpu.enqueue_indirect_dma source(%arg12 : memref<80x32xf32, #tpu.memory_space<vmem>>) target(%dma_start3A_160 : memref<10240x32xf32, #tpu.memory_space<vmem_shared>>) offsets(%dma_start3A_157 : memref<80xi32, #tpu.memory_space<vmem>>) semaphore(%arg23 : memref<!tpu.dma_semaphore, #tpu.memory_space<semaphore_mem>>) {add = true}
      %add3A_161 = arith.constant 4 : i32
      %add3A_162 = arith.addi %add3A_148, %add3A_161 : i32
      %lt3A_163 = arith.constant 125 : i32
      %lt3A_164 = arith.cmpi slt, %add3A_162, %lt3A_163 : i32
      %convert_element_type3A_165 = arith.extui %lt3A_164 : i1 to i32
      %cond3A_166 = arith.constant 0 : i32
      %cond3A_167 = arith.cmpi ne, %convert_element_type3A_165, %cond3A_166 : i32
      scf.if %cond3A_167 {
        %ge3A = arith.constant 1 : i32
        %ge3A_168 = arith.cmpi sge, %add3A_148, %ge3A : i32
        %convert_element_type3A_169 = arith.extui %ge3A_168 : i1 to i32
        %cond3A_170 = arith.constant 0 : i32
        %cond3A_171 = arith.cmpi ne, %convert_element_type3A_169, %cond3A_170 : i32
        scf.if %cond3A_171 {
          %dma_wait3A_180 = arith.constant 0 : i32
          %dma_wait3A_181 = arith.constant 0 : i32
          %dma_wait3A_182 = tpu.memref_slice %arg4[%dma_wait3A_180, %dma_wait3A_181] : memref<10240x32xf32, #tpu.memory_space<hbm>> -> memref<80x32xf32, #tpu.memory_space<hbm>>
          %dma_wait3A_183 = arith.constant 0 : i32
          %dma_wait3A_184 = arith.constant 0 : i32
          %dma_wait3A_185 = tpu.memref_slice %arg4[%dma_wait3A_183, %dma_wait3A_184] : memref<10240x32xf32, #tpu.memory_space<hbm>> -> memref<80x32xf32, #tpu.memory_space<hbm>>
          tpu.wait_dma2 semaphore(%arg22 : memref<!tpu.dma_semaphore, #tpu.memory_space<semaphore_mem>>) src(%dma_wait3A_185 : memref<80x32xf32, #tpu.memory_space<hbm>>) dst(%arg11 : memref<80x32xf32, #tpu.memory_space<vmem>>)
        } else {
        }
        %add3A_172 = arith.constant 4 : i32
        %add3A_173 = arith.addi %add3A_148, %add3A_172 : i32
        %mul3A_174 = arith.constant 80 : i32
        %mul3A_175 = arith.muli %add3A_173, %mul3A_174 : i32
        %dma_start3A_176 = tpu.memref_slice %arg6[%mul3A_175] : memref<10000xi32, #tpu.memory_space<vmem>> -> memref<80xi32, #tpu.memory_space<vmem>>
        %dma_start3A_177 = arith.constant 0 : i32
        %dma_start3A_178 = arith.constant 0 : i32
        %dma_start3A_179 = tpu.memref_slice %arg2[%dma_start3A_177, %dma_start3A_178] : memref<10000x32xf32, #tpu.memory_space<hbm>> -> memref<10000x32xf32, #tpu.memory_space<hbm>>
        tpu.enqueue_indirect_dma source(%dma_start3A_179 : memref<10000x32xf32, #tpu.memory_space<hbm>>) target(%arg11 : memref<80x32xf32, #tpu.memory_space<vmem>>) offsets(%dma_start3A_176 : memref<80xi32, #tpu.memory_space<vmem>>) semaphore(%arg17 : memref<!tpu.dma_semaphore, #tpu.memory_space<semaphore_mem>>)
      } else {
      }
    }
    %scan3A_30 = arith.constant 25 : i32
    %dma_wait3A = arith.constant 0 : i32
    %dma_wait3A_31 = arith.constant 0 : i32
    %dma_wait3A_32 = tpu.memref_slice %arg4[%dma_wait3A, %dma_wait3A_31] : memref<10240x32xf32, #tpu.memory_space<hbm>> -> memref<80x32xf32, #tpu.memory_space<hbm>>
    %dma_wait3A_33 = arith.constant 0 : i32
    %dma_wait3A_34 = arith.constant 0 : i32
    %dma_wait3A_35 = tpu.memref_slice %arg4[%dma_wait3A_33, %dma_wait3A_34] : memref<10240x32xf32, #tpu.memory_space<hbm>> -> memref<80x32xf32, #tpu.memory_space<hbm>>
    tpu.wait_dma2 semaphore(%arg19 : memref<!tpu.dma_semaphore, #tpu.memory_space<semaphore_mem>>) src(%dma_wait3A_35 : memref<80x32xf32, #tpu.memory_space<hbm>>) dst(%arg8 : memref<80x32xf32, #tpu.memory_space<vmem>>)
    %dma_wait3A_36 = arith.constant 0 : i32
    %dma_wait3A_37 = arith.constant 0 : i32
    %dma_wait3A_38 = tpu.memref_slice %arg4[%dma_wait3A_36, %dma_wait3A_37] : memref<10240x32xf32, #tpu.memory_space<hbm>> -> memref<80x32xf32, #tpu.memory_space<hbm>>
    %dma_wait3A_39 = arith.constant 0 : i32
    %dma_wait3A_40 = arith.constant 0 : i32
    %dma_wait3A_41 = tpu.memref_slice %arg4[%dma_wait3A_39, %dma_wait3A_40] : memref<10240x32xf32, #tpu.memory_space<hbm>> -> memref<80x32xf32, #tpu.memory_space<hbm>>
    tpu.wait_dma2 semaphore(%arg20 : memref<!tpu.dma_semaphore, #tpu.memory_space<semaphore_mem>>) src(%dma_wait3A_41 : memref<80x32xf32, #tpu.memory_space<hbm>>) dst(%arg9 : memref<80x32xf32, #tpu.memory_space<vmem>>)
    %dma_wait3A_42 = arith.constant 0 : i32
    %dma_wait3A_43 = arith.constant 0 : i32
    %dma_wait3A_44 = tpu.memref_slice %arg4[%dma_wait3A_42, %dma_wait3A_43] : memref<10240x32xf32, #tpu.memory_space<hbm>> -> memref<80x32xf32, #tpu.memory_space<hbm>>
    %dma_wait3A_45 = arith.constant 0 : i32
    %dma_wait3A_46 = arith.constant 0 : i32
    %dma_wait3A_47 = tpu.memref_slice %arg4[%dma_wait3A_45, %dma_wait3A_46] : memref<10240x32xf32, #tpu.memory_space<hbm>> -> memref<80x32xf32, #tpu.memory_space<hbm>>
    tpu.wait_dma2 semaphore(%arg21 : memref<!tpu.dma_semaphore, #tpu.memory_space<semaphore_mem>>) src(%dma_wait3A_47 : memref<80x32xf32, #tpu.memory_space<hbm>>) dst(%arg10 : memref<80x32xf32, #tpu.memory_space<vmem>>)
    %dma_wait3A_48 = arith.constant 0 : i32
    %dma_wait3A_49 = arith.constant 0 : i32
    %dma_wait3A_50 = tpu.memref_slice %arg4[%dma_wait3A_48, %dma_wait3A_49] : memref<10240x32xf32, #tpu.memory_space<hbm>> -> memref<80x32xf32, #tpu.memory_space<hbm>>
    %dma_wait3A_51 = arith.constant 0 : i32
    %dma_wait3A_52 = arith.constant 0 : i32
    %dma_wait3A_53 = tpu.memref_slice %arg4[%dma_wait3A_51, %dma_wait3A_52] : memref<10240x32xf32, #tpu.memory_space<hbm>> -> memref<80x32xf32, #tpu.memory_space<hbm>>
    tpu.wait_dma2 semaphore(%arg22 : memref<!tpu.dma_semaphore, #tpu.memory_space<semaphore_mem>>) src(%dma_wait3A_53 : memref<80x32xf32, #tpu.memory_space<hbm>>) dst(%arg11 : memref<80x32xf32, #tpu.memory_space<vmem>>)
    %dma_wait3A_54 = arith.constant 0 : i32
    %dma_wait3A_55 = arith.constant 0 : i32
    %dma_wait3A_56 = tpu.memref_slice %arg4[%dma_wait3A_54, %dma_wait3A_55] : memref<10240x32xf32, #tpu.memory_space<hbm>> -> memref<80x32xf32, #tpu.memory_space<hbm>>
    %dma_wait3A_57 = arith.constant 0 : i32
    %dma_wait3A_58 = arith.constant 0 : i32
    %dma_wait3A_59 = tpu.memref_slice %arg4[%dma_wait3A_57, %dma_wait3A_58] : memref<10240x32xf32, #tpu.memory_space<hbm>> -> memref<80x32xf32, #tpu.memory_space<hbm>>
    tpu.wait_dma2 semaphore(%arg23 : memref<!tpu.dma_semaphore, #tpu.memory_space<semaphore_mem>>) src(%dma_wait3A_59 : memref<80x32xf32, #tpu.memory_space<hbm>>) dst(%arg12 : memref<80x32xf32, #tpu.memory_space<vmem>>)
    %barrier3A_60 = arith.constant 0 : index
    tpu.barrier barrier_id(%barrier3A_60)
    "tpu.region"() ({
      %run_scoped3A_61 = tpu.sem_alloc : memref<!tpu.dma_semaphore, #tpu.memory_space<semaphore_mem>>
      %dma_start3A_62 = arith.constant 0 : i32
      %dma_start3A_63 = tpu.memref_slice %arg5[%arg0, %mul3A_2, %dma_start3A_62] : memref<2x10240x32xf32, #tpu.memory_space<hbm>> -> memref<1x640x32xf32, #tpu.memory_space<hbm>>
      %dma_start3A_64 = tpu.memref_squeeze %dma_start3A_63 : memref<1x640x32xf32, #tpu.memory_space<hbm>> -> memref<640x32xf32, #tpu.memory_space<hbm>>
      %dma_start3A_65 = arith.constant 0 : i32
      %dma_start3A_66 = tpu.memref_slice %arg13[%mul3A_2, %dma_start3A_65] : memref<10240x32xf32, #tpu.memory_space<vmem_shared>> -> memref<640x32xf32, #tpu.memory_space<vmem_shared>>
      tpu.enqueue_dma source(%dma_start3A_66 : memref<640x32xf32, #tpu.memory_space<vmem_shared>>) target(%dma_start3A_64 : memref<640x32xf32, #tpu.memory_space<hbm>>) target_semaphore(%run_scoped3A_61 : memref<!tpu.dma_semaphore, #tpu.memory_space<semaphore_mem>>)
      %dma_wait3A_67 = arith.constant 0 : i32
      %dma_wait3A_68 = tpu.memref_slice %arg5[%arg0, %mul3A_2, %dma_wait3A_67] : memref<2x10240x32xf32, #tpu.memory_space<hbm>> -> memref<1x640x32xf32, #tpu.memory_space<hbm>>
      %dma_wait3A_69 = tpu.memref_squeeze %dma_wait3A_68 : memref<1x640x32xf32, #tpu.memory_space<hbm>> -> memref<640x32xf32, #tpu.memory_space<hbm>>
      %dma_wait3A_70 = arith.constant 0 : i32
      %dma_wait3A_71 = tpu.memref_slice %arg13[%mul3A_2, %dma_wait3A_70] : memref<10240x32xf32, #tpu.memory_space<vmem_shared>> -> memref<640x32xf32, #tpu.memory_space<vmem_shared>>
      tpu.wait_dma2 semaphore(%run_scoped3A_61 : memref<!tpu.dma_semaphore, #tpu.memory_space<semaphore_mem>>) src(%dma_wait3A_71 : memref<640x32xf32, #tpu.memory_space<vmem_shared>>) dst(%dma_wait3A_69 : memref<640x32xf32, #tpu.memory_space<hbm>>)
      tpu.yield
    }) : () -> ()
    return
  }
}

module attributes {stable_mosaic.version = 14 : i64} {
  func.func @_tc_first(%arg0: i32, %arg1: memref<2000x128xf32, #tpu.memory_space<vmem>>, %arg2: memref<128x64xf32, #tpu.memory_space<vmem>>, %arg3: memref<2x2000x16xf32, #tpu.memory_space<vmem>>, %arg4: memref<2000x64xf32, #tpu.memory_space<vmem>>, %arg5: memref<2000x1xf32, #tpu.memory_space<vmem>>) attributes {dimension_semantics = [#tpu.dimension_semantics<arbitrary>], iteration_bounds = array<i64: 5>, scalar_prefetch = 0 : i64, scratch_operands = 0 : i64, tpu.core_type = #tpu.core_type<tc>, window_params = [{transform_indices = @transform_0, window_bounds = array<i64: 2000, 128>}, {pipeline_mode = #tpu.pipeline_mode<synchronous>, transform_indices = @transform_1, window_bounds = array<i64: 128, 64>}, {transform_indices = @transform_2, window_bounds = array<i64: 2, 2000, 16>}, {transform_indices = @transform_3, window_bounds = array<i64: 2000, 64>}, {transform_indices = @transform_4, window_bounds = array<i64: 2000, 1>}]} {
    %get3A = arith.constant 0 : index
    %get3A_0 = arith.constant 0 : index
    %get3A_1 = arith.constant 0 : index
    %get3A_2 = vector.load %arg3[%get3A, %get3A_0, %get3A_1] : memref<2x2000x16xf32, #tpu.memory_space<vmem>>, vector<1x2000x1xf32>
    %get3A_3 = vector.shape_cast %get3A_2 : vector<1x2000x1xf32> to vector<2000xf32>
    %get3A_4 = arith.constant 1 : index
    %get3A_5 = arith.constant 0 : index
    %get3A_6 = arith.constant 0 : index
    %get3A_7 = vector.load %arg3[%get3A_4, %get3A_5, %get3A_6] : memref<2x2000x16xf32, #tpu.memory_space<vmem>>, vector<1x2000x1xf32>
    %get3A_8 = vector.shape_cast %get3A_7 : vector<1x2000x1xf32> to vector<2000xf32>
    %add3A = arith.addf %get3A_3, %get3A_8 : vector<2000xf32>
    %add3A_9 = arith.constant 1.000000e+00 : f32
    %add3A_10 = vector.broadcast %add3A_9 : f32 to vector<2000xf32>
    %add3A_11 = arith.addf %add3A, %add3A_10 : vector<2000xf32>
    %max3A = arith.constant 1.000000e+00 : f32
    %max3A_12 = vector.broadcast %max3A : f32 to vector<2000xf32>
    %max3A_13 = arith.maximumf %add3A_11, %max3A_12 : vector<2000xf32>
    %sqrt3A = math.sqrt %max3A_13 : vector<2000xf32>
    %div3A = arith.constant 1.000000e+00 : f32
    %div3A_14 = vector.broadcast %div3A : f32 to vector<2000xf32>
    %div3A_15 = arith.divf %div3A_14, %sqrt3A : vector<2000xf32>
    %get3A_16 = arith.constant 0 : index
    %get3A_17 = arith.constant 0 : index
    %get3A_18 = vector.load %arg1[%get3A_16, %get3A_17] : memref<2000x128xf32, #tpu.memory_space<vmem>>, vector<2000x128xf32>
    %get3A_19 = arith.constant 0 : index
    %get3A_20 = arith.constant 0 : index
    %get3A_21 = vector.load %arg2[%get3A_19, %get3A_20] : memref<128x64xf32, #tpu.memory_space<vmem>>, vector<128x64xf32>
    %dot_general3A = arith.constant dense<0.000000e+00> : vector<2000x64xf32>
    %dot_general3A_22 = tpu.matmul %get3A_18, %get3A_21, %dot_general3A {dimension_numbers = #tpu.dot_dimension_numbers<[1], [0], [0], [1], [0, 0, 1, 1], [], []>, transpose_lhs_hint = false} : vector<2000x128xf32>, vector<128x64xf32>, vector<2000x64xf32> -> vector<2000x64xf32>
    %broadcast_in_dim3A = vector.shape_cast %div3A_15 : vector<2000xf32> to vector<2000x1xf32>
    %mul3A = vector.broadcast %broadcast_in_dim3A : vector<2000x1xf32> to vector<2000x64xf32>
    %mul3A_23 = arith.mulf %dot_general3A_22, %mul3A : vector<2000x64xf32>
    %swap3A = arith.constant 0 : index
    %swap3A_24 = arith.constant 0 : index
    %swap3A_25 = vector.load %arg4[%swap3A, %swap3A_24] : memref<2000x64xf32, #tpu.memory_space<vmem>>, vector<2000x64xf32>
    tpu.vector_store %arg4[%swap3A, %swap3A_24], %mul3A_23 {strides = array<i32>} : memref<2000x64xf32, #tpu.memory_space<vmem>>, vector<2000x64xf32>,
    %broadcast_in_dim3A_26 = vector.shape_cast %div3A_15 : vector<2000xf32> to vector<2000x1xf32>
    %swap3A_27 = arith.constant 0 : index
    %swap3A_28 = arith.constant 0 : index
    %swap3A_29 = vector.load %arg5[%swap3A_27, %swap3A_28] : memref<2000x1xf32, #tpu.memory_space<vmem>>, vector<2000x1xf32>
    tpu.vector_store %arg5[%swap3A_27, %swap3A_28], %broadcast_in_dim3A_26 {strides = array<i32>} : memref<2000x1xf32, #tpu.memory_space<vmem>>, vector<2000x1xf32>,
    return
  }
  func.func @transform_0(%arg0: i32) -> (i32, i32) {
    %c0_i32 = arith.constant 0 : i32
    %c0_i32_0 = arith.constant 0 : i32
    return %arg0, %c0_i32 : i32, i32
  }
  func.func @transform_1(%arg0: i32) -> (i32, i32) {
    %c0_i32 = arith.constant 0 : i32
    %c0_i32_0 = arith.constant 0 : i32
    %c0_i32_1 = arith.constant 0 : i32
    return %c0_i32, %c0_i32_0 : i32, i32
  }
  func.func @transform_2(%arg0: i32) -> (i32, i32, i32) {
    %c0_i32 = arith.constant 0 : i32
    %c0_i32_0 = arith.constant 0 : i32
    %c0_i32_1 = arith.constant 0 : i32
    return %c0_i32, %arg0, %c0_i32_0 : i32, i32, i32
  }
  func.func @transform_3(%arg0: i32) -> (i32, i32) {
    %c0_i32 = arith.constant 0 : i32
    %c0_i32_0 = arith.constant 0 : i32
    return %arg0, %c0_i32 : i32, i32
  }
  func.func @transform_4(%arg0: i32) -> (i32, i32) {
    %c0_i32 = arith.constant 0 : i32
    %c0_i32_0 = arith.constant 0 : i32
    return %arg0, %c0_i32 : i32, i32
  }
}

module attributes {stable_mosaic.version = 14 : i64} {
  func.func @_tc_combine(%arg0: i32, %arg1: memref<2x2000x64xf32, #tpu.memory_space<vmem>>, %arg2: memref<2000x64xf32, #tpu.memory_space<vmem>>, %arg3: memref<2000x1xf32, #tpu.memory_space<vmem>>, %arg4: memref<1x64xf32, #tpu.memory_space<vmem>>, %arg5: memref<64x32xf32, #tpu.memory_space<vmem>>, %arg6: memref<2000x32xf32, #tpu.memory_space<vmem>>) attributes {dimension_semantics = [#tpu.dimension_semantics<arbitrary>], iteration_bounds = array<i64: 5>, scalar_prefetch = 0 : i64, scratch_operands = 0 : i64, tpu.core_type = #tpu.core_type<tc>, window_params = [{transform_indices = @transform_0, window_bounds = array<i64: 2, 2000, 64>}, {transform_indices = @transform_1, window_bounds = array<i64: 2000, 64>}, {transform_indices = @transform_2, window_bounds = array<i64: 2000, 1>}, {pipeline_mode = #tpu.pipeline_mode<synchronous>, transform_indices = @transform_3, window_bounds = array<i64: 1, 64>}, {pipeline_mode = #tpu.pipeline_mode<synchronous>, transform_indices = @transform_4, window_bounds = array<i64: 64, 32>}, {transform_indices = @transform_5, window_bounds = array<i64: 2000, 32>}]} {
    %get3A = arith.constant 0 : index
    %get3A_0 = arith.constant 0 : index
    %get3A_1 = vector.load %arg3[%get3A, %get3A_0] : memref<2000x1xf32, #tpu.memory_space<vmem>>, vector<2000x1xf32>
    %get3A_2 = arith.constant 0 : index
    %get3A_3 = arith.constant 0 : index
    %get3A_4 = arith.constant 0 : index
    %get3A_5 = vector.load %arg1[%get3A_2, %get3A_3, %get3A_4] : memref<2x2000x64xf32, #tpu.memory_space<vmem>>, vector<1x2000x64xf32>
    %get3A_6 = vector.shape_cast %get3A_5 : vector<1x2000x64xf32> to vector<2000x64xf32>
    %get3A_7 = arith.constant 1 : index
    %get3A_8 = arith.constant 0 : index
    %get3A_9 = arith.constant 0 : index
    %get3A_10 = vector.load %arg1[%get3A_7, %get3A_8, %get3A_9] : memref<2x2000x64xf32, #tpu.memory_space<vmem>>, vector<1x2000x64xf32>
    %get3A_11 = vector.shape_cast %get3A_10 : vector<1x2000x64xf32> to vector<2000x64xf32>
    %add3A = arith.addf %get3A_6, %get3A_11 : vector<2000x64xf32>
    %get3A_12 = arith.constant 0 : index
    %get3A_13 = arith.constant 0 : index
    %get3A_14 = vector.load %arg2[%get3A_12, %get3A_13] : memref<2000x64xf32, #tpu.memory_space<vmem>>, vector<2000x64xf32>
    %add3A_15 = arith.addf %add3A, %get3A_14 : vector<2000x64xf32>
    %mul3A = vector.broadcast %get3A_1 : vector<2000x1xf32> to vector<2000x64xf32>
    %mul3A_16 = arith.mulf %add3A_15, %mul3A : vector<2000x64xf32>
    %get3A_17 = arith.constant 0 : index
    %get3A_18 = arith.constant 0 : index
    %get3A_19 = vector.load %arg4[%get3A_17, %get3A_18] : memref<1x64xf32, #tpu.memory_space<vmem>>, vector<1x64xf32>
    %add3A_20 = vector.broadcast %get3A_19 : vector<1x64xf32> to vector<2000x64xf32>
    %add3A_21 = arith.addf %mul3A_16, %add3A_20 : vector<2000x64xf32>
    %max3A = arith.constant 0.000000e+00 : f32
    %max3A_22 = vector.broadcast %max3A : f32 to vector<2000x64xf32>
    %max3A_23 = arith.maximumf %add3A_21, %max3A_22 : vector<2000x64xf32>
    %get3A_24 = arith.constant 0 : index
    %get3A_25 = arith.constant 0 : index
    %get3A_26 = vector.load %arg5[%get3A_24, %get3A_25] : memref<64x32xf32, #tpu.memory_space<vmem>>, vector<64x32xf32>
    %dot_general3A = arith.constant dense<0.000000e+00> : vector<2000x32xf32>
    %dot_general3A_27 = tpu.matmul %max3A_23, %get3A_26, %dot_general3A {dimension_numbers = #tpu.dot_dimension_numbers<[1], [0], [0], [1], [0, 0, 1, 1], [], []>, transpose_lhs_hint = false} : vector<2000x64xf32>, vector<64x32xf32>, vector<2000x32xf32> -> vector<2000x32xf32>
    %mul3A_28 = vector.broadcast %get3A_1 : vector<2000x1xf32> to vector<2000x32xf32>
    %mul3A_29 = arith.mulf %dot_general3A_27, %mul3A_28 : vector<2000x32xf32>
    %swap3A = arith.constant 0 : index
    %swap3A_30 = arith.constant 0 : index
    %swap3A_31 = vector.load %arg6[%swap3A, %swap3A_30] : memref<2000x32xf32, #tpu.memory_space<vmem>>, vector<2000x32xf32>
    tpu.vector_store %arg6[%swap3A, %swap3A_30], %mul3A_29 {strides = array<i32>} : memref<2000x32xf32, #tpu.memory_space<vmem>>, vector<2000x32xf32>,
    return
  }
  func.func @transform_0(%arg0: i32) -> (i32, i32, i32) {
    %c0_i32 = arith.constant 0 : i32
    %c0_i32_0 = arith.constant 0 : i32
    %c0_i32_1 = arith.constant 0 : i32
    return %c0_i32, %arg0, %c0_i32_0 : i32, i32, i32
  }
  func.func @transform_1(%arg0: i32) -> (i32, i32) {
    %c0_i32 = arith.constant 0 : i32
    %c0_i32_0 = arith.constant 0 : i32
    return %arg0, %c0_i32 : i32, i32
  }
  func.func @transform_2(%arg0: i32) -> (i32, i32) {
    %c0_i32 = arith.constant 0 : i32
    %c0_i32_0 = arith.constant 0 : i32
    return %arg0, %c0_i32 : i32, i32
  }
  func.func @transform_3(%arg0: i32) -> (i32, i32) {
    %c0_i32 = arith.constant 0 : i32
    %c0_i32_0 = arith.constant 0 : i32
    %c0_i32_1 = arith.constant 0 : i32
    return %c0_i32, %c0_i32_0 : i32, i32
  }
  func.func @transform_4(%arg0: i32) -> (i32, i32) {
    %c0_i32 = arith.constant 0 : i32
    %c0_i32_0 = arith.constant 0 : i32
    %c0_i32_1 = arith.constant 0 : i32
    return %c0_i32, %c0_i32_0 : i32, i32
  }
  func.func @transform_5(%arg0: i32) -> (i32, i32) {
    %c0_i32 = arith.constant 0 : i32
    %c0_i32_0 = arith.constant 0 : i32
    return %arg0, %c0_i32 : i32, i32
  }
}

module attributes {stable_mosaic.version = 14 : i64} {
  func.func @_tc_combine(%arg0: i32, %arg1: memref<2x2000x32xf32, #tpu.memory_space<vmem>>, %arg2: memref<2000x32xf32, #tpu.memory_space<vmem>>, %arg3: memref<2000x1xf32, #tpu.memory_space<vmem>>, %arg4: memref<1x32xf32, #tpu.memory_space<vmem>>, %arg5: memref<32x32xf32, #tpu.memory_space<vmem>>, %arg6: memref<2000x32xf32, #tpu.memory_space<vmem>>) attributes {dimension_semantics = [#tpu.dimension_semantics<arbitrary>], iteration_bounds = array<i64: 5>, scalar_prefetch = 0 : i64, scratch_operands = 0 : i64, tpu.core_type = #tpu.core_type<tc>, window_params = [{transform_indices = @transform_0, window_bounds = array<i64: 2, 2000, 32>}, {transform_indices = @transform_1, window_bounds = array<i64: 2000, 32>}, {transform_indices = @transform_2, window_bounds = array<i64: 2000, 1>}, {pipeline_mode = #tpu.pipeline_mode<synchronous>, transform_indices = @transform_3, window_bounds = array<i64: 1, 32>}, {pipeline_mode = #tpu.pipeline_mode<synchronous>, transform_indices = @transform_4, window_bounds = array<i64: 32, 32>}, {transform_indices = @transform_5, window_bounds = array<i64: 2000, 32>}]} {
    %get3A = arith.constant 0 : index
    %get3A_0 = arith.constant 0 : index
    %get3A_1 = vector.load %arg3[%get3A, %get3A_0] : memref<2000x1xf32, #tpu.memory_space<vmem>>, vector<2000x1xf32>
    %get3A_2 = arith.constant 0 : index
    %get3A_3 = arith.constant 0 : index
    %get3A_4 = arith.constant 0 : index
    %get3A_5 = vector.load %arg1[%get3A_2, %get3A_3, %get3A_4] : memref<2x2000x32xf32, #tpu.memory_space<vmem>>, vector<1x2000x32xf32>
    %get3A_6 = vector.shape_cast %get3A_5 : vector<1x2000x32xf32> to vector<2000x32xf32>
    %get3A_7 = arith.constant 1 : index
    %get3A_8 = arith.constant 0 : index
    %get3A_9 = arith.constant 0 : index
    %get3A_10 = vector.load %arg1[%get3A_7, %get3A_8, %get3A_9] : memref<2x2000x32xf32, #tpu.memory_space<vmem>>, vector<1x2000x32xf32>
    %get3A_11 = vector.shape_cast %get3A_10 : vector<1x2000x32xf32> to vector<2000x32xf32>
    %add3A = arith.addf %get3A_6, %get3A_11 : vector<2000x32xf32>
    %get3A_12 = arith.constant 0 : index
    %get3A_13 = arith.constant 0 : index
    %get3A_14 = vector.load %arg2[%get3A_12, %get3A_13] : memref<2000x32xf32, #tpu.memory_space<vmem>>, vector<2000x32xf32>
    %add3A_15 = arith.addf %add3A, %get3A_14 : vector<2000x32xf32>
    %mul3A = vector.broadcast %get3A_1 : vector<2000x1xf32> to vector<2000x32xf32>
    %mul3A_16 = arith.mulf %add3A_15, %mul3A : vector<2000x32xf32>
    %get3A_17 = arith.constant 0 : index
    %get3A_18 = arith.constant 0 : index
    %get3A_19 = vector.load %arg4[%get3A_17, %get3A_18] : memref<1x32xf32, #tpu.memory_space<vmem>>, vector<1x32xf32>
    %add3A_20 = vector.broadcast %get3A_19 : vector<1x32xf32> to vector<2000x32xf32>
    %add3A_21 = arith.addf %mul3A_16, %add3A_20 : vector<2000x32xf32>
    %max3A = arith.constant 0.000000e+00 : f32
    %max3A_22 = vector.broadcast %max3A : f32 to vector<2000x32xf32>
    %max3A_23 = arith.maximumf %add3A_21, %max3A_22 : vector<2000x32xf32>
    %get3A_24 = arith.constant 0 : index
    %get3A_25 = arith.constant 0 : index
    %get3A_26 = vector.load %arg5[%get3A_24, %get3A_25] : memref<32x32xf32, #tpu.memory_space<vmem>>, vector<32x32xf32>
    %dot_general3A = arith.constant dense<0.000000e+00> : vector<2000x32xf32>
    %dot_general3A_27 = tpu.matmul %max3A_23, %get3A_26, %dot_general3A {dimension_numbers = #tpu.dot_dimension_numbers<[1], [0], [0], [1], [0, 0, 1, 1], [], []>, transpose_lhs_hint = false} : vector<2000x32xf32>, vector<32x32xf32>, vector<2000x32xf32> -> vector<2000x32xf32>
    %mul3A_28 = vector.broadcast %get3A_1 : vector<2000x1xf32> to vector<2000x32xf32>
    %mul3A_29 = arith.mulf %dot_general3A_27, %mul3A_28 : vector<2000x32xf32>
    %swap3A = arith.constant 0 : index
    %swap3A_30 = arith.constant 0 : index
    %swap3A_31 = vector.load %arg6[%swap3A, %swap3A_30] : memref<2000x32xf32, #tpu.memory_space<vmem>>, vector<2000x32xf32>
    tpu.vector_store %arg6[%swap3A, %swap3A_30], %mul3A_29 {strides = array<i32>} : memref<2000x32xf32, #tpu.memory_space<vmem>>, vector<2000x32xf32>,
    return
  }
  func.func @transform_0(%arg0: i32) -> (i32, i32, i32) {
    %c0_i32 = arith.constant 0 : i32
    %c0_i32_0 = arith.constant 0 : i32
    %c0_i32_1 = arith.constant 0 : i32
    return %c0_i32, %arg0, %c0_i32_0 : i32, i32, i32
  }
  func.func @transform_1(%arg0: i32) -> (i32, i32) {
    %c0_i32 = arith.constant 0 : i32
    %c0_i32_0 = arith.constant 0 : i32
    return %arg0, %c0_i32 : i32, i32
  }
  func.func @transform_2(%arg0: i32) -> (i32, i32) {
    %c0_i32 = arith.constant 0 : i32
    %c0_i32_0 = arith.constant 0 : i32
    return %arg0, %c0_i32 : i32, i32
  }
  func.func @transform_3(%arg0: i32) -> (i32, i32) {
    %c0_i32 = arith.constant 0 : i32
    %c0_i32_0 = arith.constant 0 : i32
    %c0_i32_1 = arith.constant 0 : i32
    return %c0_i32, %c0_i32_0 : i32, i32
  }
  func.func @transform_4(%arg0: i32) -> (i32, i32) {
    %c0_i32 = arith.constant 0 : i32
    %c0_i32_0 = arith.constant 0 : i32
    %c0_i32_1 = arith.constant 0 : i32
    return %c0_i32, %c0_i32_0 : i32, i32
  }
  func.func @transform_5(%arg0: i32) -> (i32, i32) {
    %c0_i32 = arith.constant 0 : i32
    %c0_i32_0 = arith.constant 0 : i32
    return %arg0, %c0_i32 : i32, i32
  }
}

module attributes {stable_mosaic.version = 14 : i64} {
  func.func @_tc_final(%arg0: i32, %arg1: memref<2x2000x32xf32, #tpu.memory_space<vmem>>, %arg2: memref<2000x32xf32, #tpu.memory_space<vmem>>, %arg3: memref<2000x1xf32, #tpu.memory_space<vmem>>, %arg4: memref<1x32xf32, #tpu.memory_space<vmem>>, %arg5: memref<32x32xf32, #tpu.memory_space<vmem>>, %arg6: memref<1x32xf32, #tpu.memory_space<vmem>>, %arg7: memref<32x32xf32, #tpu.memory_space<vmem>>, %arg8: memref<1x32xf32, #tpu.memory_space<vmem>>, %arg9: memref<32x32xf32, #tpu.memory_space<vmem>>, %arg10: memref<1x32xf32, #tpu.memory_space<vmem>>, %arg11: memref<32x64xf32, #tpu.memory_space<vmem>>, %arg12: memref<1x64xf32, #tpu.memory_space<vmem>>, %arg13: memref<64x128xf32, #tpu.memory_space<vmem>>, %arg14: memref<1x128xf32, #tpu.memory_space<vmem>>, %arg15: memref<16x32xf32, #tpu.memory_space<vmem>>, %arg16: memref<2000x32xf32, #tpu.memory_space<vmem>>, %arg17: memref<2000x32xf32, #tpu.memory_space<vmem>>, %arg18: memref<2000x32xf32, #tpu.memory_space<vmem>>, %arg19: memref<2000x128xf32, #tpu.memory_space<vmem>>, %arg20: memref<2000x16xf32, #tpu.memory_space<vmem>>) attributes {dimension_semantics = [#tpu.dimension_semantics<arbitrary>], iteration_bounds = array<i64: 5>, scalar_prefetch = 0 : i64, scratch_operands = 0 : i64, tpu.core_type = #tpu.core_type<tc>, window_params = [{transform_indices = @transform_0, window_bounds = array<i64: 2, 2000, 32>}, {transform_indices = @transform_1, window_bounds = array<i64: 2000, 32>}, {transform_indices = @transform_2, window_bounds = array<i64: 2000, 1>}, {pipeline_mode = #tpu.pipeline_mode<synchronous>, transform_indices = @transform_3, window_bounds = array<i64: 1, 32>}, {pipeline_mode = #tpu.pipeline_mode<synchronous>, transform_indices = @transform_4, window_bounds = array<i64: 32, 32>}, {pipeline_mode = #tpu.pipeline_mode<synchronous>, transform_indices = @transform_5, window_bounds = array<i64: 1, 32>}, {pipeline_mode = #tpu.pipeline_mode<synchronous>, transform_indices = @transform_6, window_bounds = array<i64: 32, 32>}, {pipeline_mode = #tpu.pipeline_mode<synchronous>, transform_indices = @transform_7, window_bounds = array<i64: 1, 32>}, {pipeline_mode = #tpu.pipeline_mode<synchronous>, transform_indices = @transform_8, window_bounds = array<i64: 32, 32>}, {pipeline_mode = #tpu.pipeline_mode<synchronous>, transform_indices = @transform_9, window_bounds = array<i64: 1, 32>}, {pipeline_mode = #tpu.pipeline_mode<synchronous>, transform_indices = @transform_10, window_bounds = array<i64: 32, 64>}, {pipeline_mode = #tpu.pipeline_mode<synchronous>, transform_indices = @transform_11, window_bounds = array<i64: 1, 64>}, {pipeline_mode = #tpu.pipeline_mode<synchronous>, transform_indices = @transform_12, window_bounds = array<i64: 64, 128>}, {pipeline_mode = #tpu.pipeline_mode<synchronous>, transform_indices = @transform_13, window_bounds = array<i64: 1, 128>}, {pipeline_mode = #tpu.pipeline_mode<synchronous>, transform_indices = @transform_14, window_bounds = array<i64: 16, 32>}, {transform_indices = @transform_15, window_bounds = array<i64: 2000, 32>}, {transform_indices = @transform_16, window_bounds = array<i64: 2000, 32>}, {transform_indices = @transform_17, window_bounds = array<i64: 2000, 32>}, {transform_indices = @transform_18, window_bounds = array<i64: 2000, 128>}, {transform_indices = @transform_19, window_bounds = array<i64: 2000, 16>}]} {
    %get3A = arith.constant 0 : index
    %get3A_0 = arith.constant 0 : index
    %get3A_1 = arith.constant 0 : index
    %get3A_2 = vector.load %arg1[%get3A, %get3A_0, %get3A_1] : memref<2x2000x32xf32, #tpu.memory_space<vmem>>, vector<1x2000x32xf32>
    %get3A_3 = vector.shape_cast %get3A_2 : vector<1x2000x32xf32> to vector<2000x32xf32>
    %get3A_4 = arith.constant 1 : index
    %get3A_5 = arith.constant 0 : index
    %get3A_6 = arith.constant 0 : index
    %get3A_7 = vector.load %arg1[%get3A_4, %get3A_5, %get3A_6] : memref<2x2000x32xf32, #tpu.memory_space<vmem>>, vector<1x2000x32xf32>
    %get3A_8 = vector.shape_cast %get3A_7 : vector<1x2000x32xf32> to vector<2000x32xf32>
    %add3A = arith.addf %get3A_3, %get3A_8 : vector<2000x32xf32>
    %get3A_9 = arith.constant 0 : index
    %get3A_10 = arith.constant 0 : index
    %get3A_11 = vector.load %arg2[%get3A_9, %get3A_10] : memref<2000x32xf32, #tpu.memory_space<vmem>>, vector<2000x32xf32>
    %add3A_12 = arith.addf %add3A, %get3A_11 : vector<2000x32xf32>
    %get3A_13 = arith.constant 0 : index
    %get3A_14 = arith.constant 0 : index
    %get3A_15 = vector.load %arg3[%get3A_13, %get3A_14] : memref<2000x1xf32, #tpu.memory_space<vmem>>, vector<2000x1xf32>
    %mul3A = vector.broadcast %get3A_15 : vector<2000x1xf32> to vector<2000x32xf32>
    %mul3A_16 = arith.mulf %add3A_12, %mul3A : vector<2000x32xf32>
    %get3A_17 = arith.constant 0 : index
    %get3A_18 = arith.constant 0 : index
    %get3A_19 = vector.load %arg4[%get3A_17, %get3A_18] : memref<1x32xf32, #tpu.memory_space<vmem>>, vector<1x32xf32>
    %add3A_20 = vector.broadcast %get3A_19 : vector<1x32xf32> to vector<2000x32xf32>
    %add3A_21 = arith.addf %mul3A_16, %add3A_20 : vector<2000x32xf32>
    %get3A_22 = arith.constant 0 : index
    %get3A_23 = arith.constant 0 : index
    %get3A_24 = vector.load %arg5[%get3A_22, %get3A_23] : memref<32x32xf32, #tpu.memory_space<vmem>>, vector<32x32xf32>
    %dot_general3A = arith.constant dense<0.000000e+00> : vector<2000x32xf32>
    %dot_general3A_25 = tpu.matmul %add3A_21, %get3A_24, %dot_general3A {dimension_numbers = #tpu.dot_dimension_numbers<[1], [0], [0], [1], [0, 0, 1, 1], [], []>, transpose_lhs_hint = false} : vector<2000x32xf32>, vector<32x32xf32>, vector<2000x32xf32> -> vector<2000x32xf32>
    %get3A_26 = arith.constant 0 : index
    %get3A_27 = arith.constant 0 : index
    %get3A_28 = vector.load %arg6[%get3A_26, %get3A_27] : memref<1x32xf32, #tpu.memory_space<vmem>>, vector<1x32xf32>
    %add3A_29 = vector.broadcast %get3A_28 : vector<1x32xf32> to vector<2000x32xf32>
    %add3A_30 = arith.addf %dot_general3A_25, %add3A_29 : vector<2000x32xf32>
    %mul3A_31 = arith.constant 0.999994993 : f32
    %mul3A_32 = vector.broadcast %mul3A_31 : f32 to vector<2000x32xf32>
    %mul3A_33 = arith.mulf %add3A_30, %mul3A_32 : vector<2000x32xf32>
    %get3A_34 = arith.constant 0 : index
    %get3A_35 = arith.constant 0 : index
    %get3A_36 = vector.load %arg7[%get3A_34, %get3A_35] : memref<32x32xf32, #tpu.memory_space<vmem>>, vector<32x32xf32>
    %dot_general3A_37 = arith.constant dense<0.000000e+00> : vector<2000x32xf32>
    %dot_general3A_38 = tpu.matmul %add3A_21, %get3A_36, %dot_general3A_37 {dimension_numbers = #tpu.dot_dimension_numbers<[1], [0], [0], [1], [0, 0, 1, 1], [], []>, transpose_lhs_hint = false} : vector<2000x32xf32>, vector<32x32xf32>, vector<2000x32xf32> -> vector<2000x32xf32>
    %get3A_39 = arith.constant 0 : index
    %get3A_40 = arith.constant 0 : index
    %get3A_41 = vector.load %arg8[%get3A_39, %get3A_40] : memref<1x32xf32, #tpu.memory_space<vmem>>, vector<1x32xf32>
    %add3A_42 = vector.broadcast %get3A_41 : vector<1x32xf32> to vector<2000x32xf32>
    %add3A_43 = arith.addf %dot_general3A_38, %add3A_42 : vector<2000x32xf32>
    %mul3A_44 = arith.constant 0.999994993 : f32
    %mul3A_45 = vector.broadcast %mul3A_44 : f32 to vector<2000x32xf32>
    %mul3A_46 = arith.mulf %add3A_43, %mul3A_45 : vector<2000x32xf32>
    %swap3A = arith.constant 0 : index
    %swap3A_47 = arith.constant 0 : index
    %swap3A_48 = vector.load %arg16[%swap3A, %swap3A_47] : memref<2000x32xf32, #tpu.memory_space<vmem>>, vector<2000x32xf32>
    tpu.vector_store %arg16[%swap3A, %swap3A_47], %mul3A_33 {strides = array<i32>} : memref<2000x32xf32, #tpu.memory_space<vmem>>, vector<2000x32xf32>,
    %swap3A_49 = arith.constant 0 : index
    %swap3A_50 = arith.constant 0 : index
    %swap3A_51 = vector.load %arg17[%swap3A_49, %swap3A_50] : memref<2000x32xf32, #tpu.memory_space<vmem>>, vector<2000x32xf32>
    tpu.vector_store %arg17[%swap3A_49, %swap3A_50], %mul3A_33 {strides = array<i32>} : memref<2000x32xf32, #tpu.memory_space<vmem>>, vector<2000x32xf32>,
    %swap3A_52 = arith.constant 0 : index
    %swap3A_53 = arith.constant 0 : index
    %swap3A_54 = vector.load %arg18[%swap3A_52, %swap3A_53] : memref<2000x32xf32, #tpu.memory_space<vmem>>, vector<2000x32xf32>
    tpu.vector_store %arg18[%swap3A_52, %swap3A_53], %mul3A_46 {strides = array<i32>} : memref<2000x32xf32, #tpu.memory_space<vmem>>, vector<2000x32xf32>,
    %get3A_55 = arith.constant 0 : index
    %get3A_56 = arith.constant 0 : index
    %get3A_57 = vector.load %arg9[%get3A_55, %get3A_56] : memref<32x32xf32, #tpu.memory_space<vmem>>, vector<32x32xf32>
    %dot_general3A_58 = arith.constant dense<0.000000e+00> : vector<2000x32xf32>
    %dot_general3A_59 = tpu.matmul %mul3A_33, %get3A_57, %dot_general3A_58 {dimension_numbers = #tpu.dot_dimension_numbers<[1], [0], [0], [1], [0, 0, 1, 1], [], []>, transpose_lhs_hint = false} : vector<2000x32xf32>, vector<32x32xf32>, vector<2000x32xf32> -> vector<2000x32xf32>
    %get3A_60 = arith.constant 0 : index
    %get3A_61 = arith.constant 0 : index
    %get3A_62 = vector.load %arg10[%get3A_60, %get3A_61] : memref<1x32xf32, #tpu.memory_space<vmem>>, vector<1x32xf32>
    %add3A_63 = vector.broadcast %get3A_62 : vector<1x32xf32> to vector<2000x32xf32>
    %add3A_64 = arith.addf %dot_general3A_59, %add3A_63 : vector<2000x32xf32>
    %max3A = arith.constant 0.000000e+00 : f32
    %max3A_65 = vector.broadcast %max3A : f32 to vector<2000x32xf32>
    %max3A_66 = arith.maximumf %add3A_64, %max3A_65 : vector<2000x32xf32>
    %mul3A_67 = arith.constant 0.999994993 : f32
    %mul3A_68 = vector.broadcast %mul3A_67 : f32 to vector<2000x32xf32>
    %mul3A_69 = arith.mulf %max3A_66, %mul3A_68 : vector<2000x32xf32>
    %get3A_70 = arith.constant 0 : index
    %get3A_71 = arith.constant 0 : index
    %get3A_72 = vector.load %arg11[%get3A_70, %get3A_71] : memref<32x64xf32, #tpu.memory_space<vmem>>, vector<32x64xf32>
    %dot_general3A_73 = arith.constant dense<0.000000e+00> : vector<2000x64xf32>
    %dot_general3A_74 = tpu.matmul %mul3A_69, %get3A_72, %dot_general3A_73 {dimension_numbers = #tpu.dot_dimension_numbers<[1], [0], [0], [1], [0, 0, 1, 1], [], []>, transpose_lhs_hint = false} : vector<2000x32xf32>, vector<32x64xf32>, vector<2000x64xf32> -> vector<2000x64xf32>
    %get3A_75 = arith.constant 0 : index
    %get3A_76 = arith.constant 0 : index
    %get3A_77 = vector.load %arg12[%get3A_75, %get3A_76] : memref<1x64xf32, #tpu.memory_space<vmem>>, vector<1x64xf32>
    %add3A_78 = vector.broadcast %get3A_77 : vector<1x64xf32> to vector<2000x64xf32>
    %add3A_79 = arith.addf %dot_general3A_74, %add3A_78 : vector<2000x64xf32>
    %max3A_80 = arith.constant 0.000000e+00 : f32
    %max3A_81 = vector.broadcast %max3A_80 : f32 to vector<2000x64xf32>
    %max3A_82 = arith.maximumf %add3A_79, %max3A_81 : vector<2000x64xf32>
    %mul3A_83 = arith.constant 0.999994993 : f32
    %mul3A_84 = vector.broadcast %mul3A_83 : f32 to vector<2000x64xf32>
    %mul3A_85 = arith.mulf %max3A_82, %mul3A_84 : vector<2000x64xf32>
    %get3A_86 = arith.constant 0 : index
    %get3A_87 = arith.constant 0 : index
    %get3A_88 = vector.load %arg13[%get3A_86, %get3A_87] : memref<64x128xf32, #tpu.memory_space<vmem>>, vector<64x128xf32>
    %dot_general3A_89 = arith.constant dense<0.000000e+00> : vector<2000x128xf32>
    %dot_general3A_90 = tpu.matmul %mul3A_85, %get3A_88, %dot_general3A_89 {dimension_numbers = #tpu.dot_dimension_numbers<[1], [0], [0], [1], [0, 0, 1, 1], [], []>, transpose_lhs_hint = false} : vector<2000x64xf32>, vector<64x128xf32>, vector<2000x128xf32> -> vector<2000x128xf32>
    %get3A_91 = arith.constant 0 : index
    %get3A_92 = arith.constant 0 : index
    %get3A_93 = vector.load %arg14[%get3A_91, %get3A_92] : memref<1x128xf32, #tpu.memory_space<vmem>>, vector<1x128xf32>
    %add3A_94 = vector.broadcast %get3A_93 : vector<1x128xf32> to vector<2000x128xf32>
    %add3A_95 = arith.addf %dot_general3A_90, %add3A_94 : vector<2000x128xf32>
    %swap3A_96 = arith.constant 0 : index
    %swap3A_97 = arith.constant 0 : index
    %swap3A_98 = vector.load %arg19[%swap3A_96, %swap3A_97] : memref<2000x128xf32, #tpu.memory_space<vmem>>, vector<2000x128xf32>
    tpu.vector_store %arg19[%swap3A_96, %swap3A_97], %add3A_95 {strides = array<i32>} : memref<2000x128xf32, #tpu.memory_space<vmem>>, vector<2000x128xf32>,
    %get3A_99 = arith.constant 0 : index
    %get3A_100 = arith.constant 0 : index
    %get3A_101 = vector.load %arg15[%get3A_99, %get3A_100] : memref<16x32xf32, #tpu.memory_space<vmem>>, vector<16x32xf32>
    %dot_general3A_102 = arith.constant dense<0.000000e+00> : vector<2000x16xf32>
    %dot_general3A_103 = tpu.matmul %mul3A_33, %get3A_101, %dot_general3A_102 {dimension_numbers = #tpu.dot_dimension_numbers<[1], [1], [0], [0], [0, 0, 1, 0], [], []>, transpose_lhs_hint = false} : vector<2000x32xf32>, vector<16x32xf32>, vector<2000x16xf32> -> vector<2000x16xf32>
    %mul3A_104 = arith.mulf %mul3A_33, %mul3A_33 : vector<2000x32xf32>
    %reduce_sum3A = arith.constant dense<0.000000e+00> : vector<2000xf32>
    %reduce_sum3A_105 = vector.multi_reduction <add>, %mul3A_104, %reduce_sum3A [1] : vector<2000x32xf32> to vector<2000xf32>
    %broadcast_in_dim3A = vector.shape_cast %reduce_sum3A_105 : vector<2000xf32> to vector<2000x1xf32>
    %mul3A_106 = arith.mulf %get3A_101, %get3A_101 : vector<16x32xf32>
    %reduce_sum3A_107 = arith.constant dense<0.000000e+00> : vector<16xf32>
    %reduce_sum3A_108 = vector.multi_reduction <add>, %mul3A_106, %reduce_sum3A_107 [1] : vector<16x32xf32> to vector<16xf32>
    %broadcast_in_dim3A_109 = vector.shape_cast %reduce_sum3A_108 : vector<16xf32> to vector<1x16xf32>
    %add3A_110 = vector.broadcast %broadcast_in_dim3A : vector<2000x1xf32> to vector<2000x16xf32>
    %add3A_111 = vector.broadcast %broadcast_in_dim3A_109 : vector<1x16xf32> to vector<2000x16xf32>
    %add3A_112 = arith.addf %add3A_110, %add3A_111 : vector<2000x16xf32>
    %mul3A_113 = arith.constant 2.000000e+00 : f32
    %mul3A_114 = vector.broadcast %mul3A_113 : f32 to vector<2000x16xf32>
    %mul3A_115 = arith.mulf %mul3A_114, %dot_general3A_103 : vector<2000x16xf32>
    %sub3A = arith.subf %add3A_112, %mul3A_115 : vector<2000x16xf32>
    %max3A_116 = arith.constant 0.000000e+00 : f32
    %max3A_117 = vector.broadcast %max3A_116 : f32 to vector<2000x16xf32>
    %max3A_118 = arith.maximumf %sub3A, %max3A_117 : vector<2000x16xf32>
    %add3A_119 = arith.constant 1.000000e+00 : f32
    %add3A_120 = vector.broadcast %add3A_119 : f32 to vector<2000x16xf32>
    %add3A_121 = arith.addf %add3A_120, %max3A_118 : vector<2000x16xf32>
    %div3A = arith.constant 1.000000e+00 : f32
    %div3A_122 = vector.broadcast %div3A : f32 to vector<2000x16xf32>
    %div3A_123 = arith.divf %div3A_122, %add3A_121 : vector<2000x16xf32>
    %reduce_sum3A_124 = arith.constant dense<0.000000e+00> : vector<2000xf32>
    %reduce_sum3A_125 = vector.multi_reduction <add>, %div3A_123, %reduce_sum3A_124 [1] : vector<2000x16xf32> to vector<2000xf32>
    %broadcast_in_dim3A_126 = vector.shape_cast %reduce_sum3A_125 : vector<2000xf32> to vector<2000x1xf32>
    %div3A_127 = vector.broadcast %broadcast_in_dim3A_126 : vector<2000x1xf32> to vector<2000x16xf32>
    %div3A_128 = arith.divf %div3A_123, %div3A_127 : vector<2000x16xf32>
    %swap3A_129 = arith.constant 0 : index
    %swap3A_130 = arith.constant 0 : index
    %swap3A_131 = vector.load %arg20[%swap3A_129, %swap3A_130] : memref<2000x16xf32, #tpu.memory_space<vmem>>, vector<2000x16xf32>
    tpu.vector_store %arg20[%swap3A_129, %swap3A_130], %div3A_128 {strides = array<i32>} : memref<2000x16xf32, #tpu.memory_space<vmem>>, vector<2000x16xf32>,
    return
  }
  func.func @transform_0(%arg0: i32) -> (i32, i32, i32) {
    %c0_i32 = arith.constant 0 : i32
    %c0_i32_0 = arith.constant 0 : i32
    %c0_i32_1 = arith.constant 0 : i32
    return %c0_i32, %arg0, %c0_i32_0 : i32, i32, i32
  }
  func.func @transform_1(%arg0: i32) -> (i32, i32) {
    %c0_i32 = arith.constant 0 : i32
    %c0_i32_0 = arith.constant 0 : i32
    return %arg0, %c0_i32 : i32, i32
  }
  func.func @transform_2(%arg0: i32) -> (i32, i32) {
    %c0_i32 = arith.constant 0 : i32
    %c0_i32_0 = arith.constant 0 : i32
    return %arg0, %c0_i32 : i32, i32
  }
  func.func @transform_3(%arg0: i32) -> (i32, i32) {
    %c0_i32 = arith.constant 0 : i32
    %c0_i32_0 = arith.constant 0 : i32
    %c0_i32_1 = arith.constant 0 : i32
    return %c0_i32, %c0_i32_0 : i32, i32
  }
  func.func @transform_4(%arg0: i32) -> (i32, i32) {
    %c0_i32 = arith.constant 0 : i32
    %c0_i32_0 = arith.constant 0 : i32
    %c0_i32_1 = arith.constant 0 : i32
    return %c0_i32, %c0_i32_0 : i32, i32
  }
  func.func @transform_5(%arg0: i32) -> (i32, i32) {
    %c0_i32 = arith.constant 0 : i32
    %c0_i32_0 = arith.constant 0 : i32
    %c0_i32_1 = arith.constant 0 : i32
    return %c0_i32, %c0_i32_0 : i32, i32
  }
  func.func @transform_6(%arg0: i32) -> (i32, i32) {
    %c0_i32 = arith.constant 0 : i32
    %c0_i32_0 = arith.constant 0 : i32
    %c0_i32_1 = arith.constant 0 : i32
    return %c0_i32, %c0_i32_0 : i32, i32
  }
  func.func @transform_7(%arg0: i32) -> (i32, i32) {
    %c0_i32 = arith.constant 0 : i32
    %c0_i32_0 = arith.constant 0 : i32
    %c0_i32_1 = arith.constant 0 : i32
    return %c0_i32, %c0_i32_0 : i32, i32
  }
  func.func @transform_8(%arg0: i32) -> (i32, i32) {
    %c0_i32 = arith.constant 0 : i32
    %c0_i32_0 = arith.constant 0 : i32
    %c0_i32_1 = arith.constant 0 : i32
    return %c0_i32, %c0_i32_0 : i32, i32
  }
  func.func @transform_9(%arg0: i32) -> (i32, i32) {
    %c0_i32 = arith.constant 0 : i32
    %c0_i32_0 = arith.constant 0 : i32
    %c0_i32_1 = arith.constant 0 : i32
    return %c0_i32, %c0_i32_0 : i32, i32
  }
  func.func @transform_10(%arg0: i32) -> (i32, i32) {
    %c0_i32 = arith.constant 0 : i32
    %c0_i32_0 = arith.constant 0 : i32
    %c0_i32_1 = arith.constant 0 : i32
    return %c0_i32, %c0_i32_0 : i32, i32
  }
  func.func @transform_11(%arg0: i32) -> (i32, i32) {
    %c0_i32 = arith.constant 0 : i32
    %c0_i32_0 = arith.constant 0 : i32
    %c0_i32_1 = arith.constant 0 : i32
    return %c0_i32, %c0_i32_0 : i32, i32
  }
  func.func @transform_12(%arg0: i32) -> (i32, i32) {
    %c0_i32 = arith.constant 0 : i32
    %c0_i32_0 = arith.constant 0 : i32
    %c0_i32_1 = arith.constant 0 : i32
    return %c0_i32, %c0_i32_0 : i32, i32
  }
  func.func @transform_13(%arg0: i32) -> (i32, i32) {
    %c0_i32 = arith.constant 0 : i32
    %c0_i32_0 = arith.constant 0 : i32
    %c0_i32_1 = arith.constant 0 : i32
    return %c0_i32, %c0_i32_0 : i32, i32
  }
  func.func @transform_14(%arg0: i32) -> (i32, i32) {
    %c0_i32 = arith.constant 0 : i32
    %c0_i32_0 = arith.constant 0 : i32
    %c0_i32_1 = arith.constant 0 : i32
    return %c0_i32, %c0_i32_0 : i32, i32
  }
  func.func @transform_15(%arg0: i32) -> (i32, i32) {
    %c0_i32 = arith.constant 0 : i32
    %c0_i32_0 = arith.constant 0 : i32
    return %arg0, %c0_i32 : i32, i32
  }
  func.func @transform_16(%arg0: i32) -> (i32, i32) {
    %c0_i32 = arith.constant 0 : i32
    %c0_i32_0 = arith.constant 0 : i32
    return %arg0, %c0_i32 : i32, i32
  }
  func.func @transform_17(%arg0: i32) -> (i32, i32) {
    %c0_i32 = arith.constant 0 : i32
    %c0_i32_0 = arith.constant 0 : i32
    return %arg0, %c0_i32 : i32, i32
  }
  func.func @transform_18(%arg0: i32) -> (i32, i32) {
    %c0_i32 = arith.constant 0 : i32
    %c0_i32_0 = arith.constant 0 : i32
    return %arg0, %c0_i32 : i32, i32
  }
  func.func @transform_19(%arg0: i32) -> (i32, i32) {
    %c0_i32 = arith.constant 0 : i32
    %c0_i32_0 = arith.constant 0 : i32
    return %arg0, %c0_i32 : i32, i32
  }
}

</mosaic_0001>

<sc_bundles>
// kernel: kernel.10.cloned.1.call-start
scs
__scs_entry_jumppad:
0x0: {  	(pc) =	sbr.rel $0x88, $3  }
0x1: {  	(tag) =	ssettag $0x0;
	lr =	simm.s32 $0x1  }
0x2: {  	[smem:$0x3F8E] =	sst lr;
	_ =	strace $0xD0000000  }
0x3: {  	_ = 	snop  }
0x4: {  	_ = 	snop  }
0x5: {  	_ = 	snop  }
0x6: {  	_ = 	snop  }
0x7: {  	_ = 	snop  }
__scs_overlays_trampoline_lowered:
0x8: {  	[smem:$0x3F9D] =	sst s0  }
0x9: {  	[smem:$0x3F9E] =	sst s1  }
0xa: {  	[smem:$0x3F9F] =	sst s2  }
0xb: {  	[smem:$0x3FA0] =	sst s3  }
0xc: {  	[smem:$0x3FA1] =	sst s4  }
0xd: {  	[smem:$0x3FA2] =	sst s5  }
0xe: {  	[smem:$0x3FA3] =	sst s6  }
0xf: {  	[smem:$0x3FA4] =	sst s7  }
0x10: {  	[smem:$0x3FA5] =	sst s8  }
0x11: {  	[smem:$0x3FA6] =	sst s9;
	s0 =	simm.s32 @!p0 $0x0  }
0x12: {  	s1 =	sld [smem:$0x3F8C];
	s0 =	simm.s32 @p0 $0x1  }
0x13: {  	[smem:$0x3FA7] =	sst s0;
	s0 =	simm.s32 @!p1 $0x0  }
0x14: {  	s2 =	sld [smem:$0x3F8B];
	s0 =	simm.s32 @p1 $0x1  }
0x15: {  	[smem:$0x3FA8] =	sst s0;
	s0 =	simm.s32 @!p2 $0x0  }
0x16: {  	s3 =	sld [smem:$0x3FDB];
	s0 =	simm.s32 @p2 $0x1  }
0x17: {  	s4 =	simm.s32 $0x1BF5;
	[smem:$0x3FAA] =	sst s0  }
0x18: {  	s0 =	sld [smem:$0x3F8D];
	_ =	swait.ge [sflag:s4], $0x0  }
0x19: {  	s7 =	sld [smem:$0x3F8E]  }
0x1a: {  	s8 =	sadd.s32 $0xFFFFE003, lr  }
0x1b: {  	s9 =	sadd.s32 $0xFFFFFEF7, lr;
	s5 =	simm.s32 $0xFFFFFFFF;
	p2 =	slt.u32 s8, $0xFFFFF086  }
0x1c: {  	p1 =	slt.u32 s9, $0xF7A;
	s5 =	simm.s32 @!p2 $0x0  }
0x1d: {  	s5 =	simm.s32 @p1 $0x1;
	p0 =	seq.s32 s7, s2  }
0x1e: {  	s7 =	smul.u32 @!p0 $0xF7A, s2;
	p2 =	seq.s32 @!p0 s5, $0x0  }
0x1f: {  	s9 =	smul.u32 $0xF7A, s1;
	s8 =	simm.s32 @!p0 $0x1BF5;
	p2 =	por !p2, p0  }
0x20: {  	[sflag:s8] =	ssyncset.s32 @!p0 $0xFFFFF086;
	s6 =	sadd.s32 @!p0 s3, s7;
	s7 =	simm.s32 @!p0 $0x108  }
0x21: {  	s3 =	sadd.s32 s3, s9;
	s6 =	sadd.s32 @!p0 $0x88, s6;
	s7 =	simm.s32 @p2 $0x1082  }
0x22: {  	[simem:s7], [sflag:s8] =	dma.local @!p0 [hbm:s6], $0xF7A  }
0x23: {  	s9 =	sor.u32 $0xD0000000, s2;
	s6 =	simm.s32 $0x108;
	_ =	swait.ge @!p0 [sflag:s8], $0x0  }
0x24: {  	s3 =	sadd.s32 $0x88, s3;
	s6 =	simm.s32 @!p1 $0x1082;
	[sflag:s4] =	ssyncset.s32 $0xFFFFF086  }
0x25: {  	[simem:s6], [sflag:s4] =	dma.local [hbm:s3], $0xF7A  }
0x26: {  	[smem:$0x3F8E] =	sst s1;
	(tag) =	ssettag s2;
	_ =	strace s9  }
0x27: {  	s1 =	sld [smem:$0x3F9E]  }
0x28: {  	s2 =	sld [smem:$0x3F9F]  }
0x29: {  	s4 =	sld [smem:$0x3FA1]  }
0x2a: {  	p0 =	seq.s32 s5, $0x0;
	s5 =	sld [smem:$0x3FA2]  }
0x2b: {  	s6 =	sld [smem:$0x3FA3]  }
0x2c: {  	s7 =	sld [smem:$0x3FA4]  }
0x2d: {  	s3 =	simm.s32 $0x108;
	s8 =	sld [smem:$0x3FA5]  }
0x2e: {  	s3 =	simm.s32 @!p0 $0x1082;
	s9 =	sld [smem:$0x3FA6]  }
0x2f: {  	lr =	sadd.s32 s0, s3;
	s0 =	sld [smem:$0x3F9D]  }
0x30: {  	s3 =	sld [smem:$0x3FA0]  }
0x31: {  	[smem:$0x3FA9] =	sst s10  }
0x32: {  	s10 =	sld [smem:$0x3FA7];
	_ =	sdelay $0x3  }
0x33: {  	p0 =	seq.s32 s10, $0x1;
	s10 =	sld [smem:$0x3FA9];
	_ =	sdelay $0x3  }
0x34: {  	[smem:$0x3FA9] =	sst s10  }
0x35: {  	s10 =	sld [smem:$0x3FA8];
	_ =	sdelay $0x3  }
0x36: {  	p1 =	seq.s32 s10, $0x1;
	s10 =	sld [smem:$0x3FA9];
	_ =	sdelay $0x3  }
0x37: {  	[smem:$0x3FA9] =	sst s10  }
0x38: {  	s10 =	sld [smem:$0x3FAA]  }
0x39: {  	_ = 	snop;
	(pc) =	sbr.ind lr, $3  }
0x3a: {  	_ = 	snop  }
0x3b: {  	_ = 	snop  }
0x3c: {  	p2 =	seq.s32 s10, $0x1;
	s10 =	sld [smem:$0x3FA9]  }
0x3d: {  	_ =	shalt  }
0x3e: {  	_ =	shalt  }
0x3f: {  	_ =	shalt  }
0x40: {  	_ =	shalt  }
0x41: {  	_ =	shalt  }
0x42: {  	_ =	shalt  }
0x43: {  	_ =	shalt  }
0x44: {  	_ =	shalt  }
0x45: {  	_ =	shalt  }
0x46: {  	_ =	shalt  }
0x47: {  	_ =	shalt  }
0x48: {  	_ =	shalt  }
0x49: {  	_ =	shalt  }
0x4a: {  	_ =	shalt  }
0x4b: {  	_ =	shalt  }
0x4c: {  	_ =	shalt  }
0x4d: {  	_ =	shalt  }
0x4e: {  	_ =	shalt  }
0x4f: {  	_ =	shalt  }
0x50: {  	_ =	shalt  }
0x51: {  	_ =	shalt  }
0x52: {  	_ =	shalt  }
0x53: {  	_ =	shalt  }
0x54: {  	_ =	shalt  }
0x55: {  	_ =	shalt  }
0x56: {  	_ =	shalt  }
0x57: {  	_ =	shalt  }
0x58: {  	_ =	shalt  }
0x59: {  	_ =	shalt  }
0x5a: {  	_ =	shalt  }
0x5b: {  	_ =	shalt  }
0x5c: {  	_ =	shalt  }
0x5d: {  	_ =	shalt  }
0x5e: {  	_ =	shalt  }
0x5f: {  	_ =	shalt  }
0x60: {  	_ =	shalt  }
0x61: {  	_ =	shalt  }
0x62: {  	_ =	shalt  }
0x63: {  	_ =	shalt  }
0x64: {  	_ =	shalt  }
0x65: {  	_ =	shalt  }
0x66: {  	_ =	shalt  }
0x67: {  	_ =	shalt  }
0x68: {  	_ =	shalt  }
0x69: {  	_ =	shalt  }
0x6a: {  	_ =	shalt  }
0x6b: {  	_ =	shalt  }
0x6c: {  	_ =	shalt  }
0x6d: {  	_ =	shalt  }
0x6e: {  	_ =	shalt  }
0x6f: {  	_ =	shalt  }
0x70: {  	_ =	shalt  }
0x71: {  	_ =	shalt  }
0x72: {  	_ =	shalt  }
0x73: {  	_ =	shalt  }
0x74: {  	_ =	shalt  }
0x75: {  	_ =	shalt  }
0x76: {  	_ =	shalt  }
0x77: {  	_ =	shalt  }
0x78: {  	_ =	shalt  }
0x79: {  	_ =	shalt  }
0x7a: {  	_ =	shalt  }
0x7b: {  	_ =	shalt  }
0x7c: {  	_ =	shalt  }
0x7d: {  	_ =	shalt  }
0x7e: {  	_ =	shalt  }
0x7f: {  	_ =	shalt  }
0x80: {  	_ =	shalt  }
0x81: {  	_ =	shalt  }
0x82: {  	_ =	shalt  }
0x83: {  	_ =	shalt  }
0x84: {  	_ =	shalt  }
0x85: {  	_ =	shalt  }
0x86: {  	_ =	shalt  }
0x87: {  	_ =	shalt  }
.Lfunc_end0:
.L_simem_size_0:
called_computation_lowered:
.L_overlay_start_0:
0x88: {  	s2 =	sld [smem:$0x3FD9]  }
0x89: {  	s3 =	sld [smem:$0x3FFE];
	_ =	sdelay $0x1  }
0x8a: {  	s1 =	srdreg.scid  }
0x8b: {  	s0 =	sand.u32 $0x1, s1  }
0x8c: {  	s14 =	sshll.u32 s0, $0xA;
	s2 =	sadd.s32 s3, s2  }
0x8d: {  	s2 =	sadd.s32 s2, s14  }
0x8e: {  	[smem:$0x3FB5] =	sst s2  }
0x8f: {  	_ = 	snop  }
0x90: {  	s2 =	sld [smem:$0x3FD0];
	_ =	sdelay $0x2  }
0x91: {  	s15 =	simm.s32 $0xA;
	s4 =	simm.s32 $0x10  }
0x92: {  	[smem:s4], [sflag:s15] =	dma.local [hbm:s2], $0x1  }
0x93: {  	_ =	swait.eq [sflag:s15], $0x1  }
0x94: {  	s16 =	sld [smem:$0x12];
	[sflag:s15] =	ssyncset.done $0x0  }
0x95: {  	s17 =	sld [smem:$0x13];
	[sflag:s15] =	ssyncadd.s32 $0xFFFFFFFF  }
0x96: {  	s18 =	sld [smem:$0x14];
	(tm) =	ssettm $0x1  }
0x97: {  	s5 =	sld [smem:$0x3FFB];
	_ =	sdelay $0x3  }
0x98: {  	_ =	strace s5  }
0x99: {  	s5 =	sld [smem:$0x3FFC];
	_ =	sdelay $0x3  }
0x9a: {  	_ =	strace s5  }
0x9b: {  	s5 =	sld [smem:$0x3FFD];
	_ =	sdelay $0x3  }
0x9c: {  	_ =	strace s5  }
0x9d: {  	_ =	strace $0x8FFFFFFF  }
0x9e: {  	s19 =	sld [smem:$0x3FDB];
	_ =	sdelay $0x1  }
0x9f: {  	s6 =	simm.s32 $_scs_section_size  }
0xa0: {  	s7 =	simm.s32 $_size__tile_overlayer_lowered;
	s8 =	simm.s32 $_tile_overlayer_lowered  }
0xa1: {  	s22 =	simm.s32 $0x1BFF;
	s21 =	sshll.u32 s8, $0x1;
	s5 =	sadd.s32 s6, s19  }
0xa2: {  	s9 =	simm.s32 $0x0;
	s20 =	sshll.u32 s7, $0x1;
	s7 =	sadd.s32 s21, s5  }
0xa3: {  	[timem:s9], [sflag:s22] =	dma.local [hbm:s7], s20  }
0xa4: {  	_ =	swait.ge [sflag:s22], s20  }
0xa5: {  	s6 =	ssub.s32 $0x0, s20;
	[sflag:s22] =	ssyncset.done $0x0  }
0xa6: {  	[sflag:s22] =	ssyncadd.s32 s6;
	_ =	sdelay $0x1  }
0xa7: {  	s23 =	simm.s32 $0x1B8B  }
0xa8: {  	_ =	swait.ge [sflag:s23], $0x1  }
0xa9: {  	[sflag:s23] =	ssyncset.done $0x0  }
0xaa: {  	s25 =	simm.s32 $0x1B8E;
	s24 =	sld [smem:$0x3FFE];
	[sflag:s23] =	ssyncadd.s32 $0xFFFFFFFF  }
0xab: {  	s26 =	simm.s32 $execute0_lowered;
	[smem:$0x3FD2] =	sst s25  }
0xac: {  	s7 =	sshll.u32 s26, $0x1;
	_ =	strace $0x80000046;
	[dreg:$0x1] =	wrdreg $0xFFFFFFFF  }
0xad: {  	s28 =	simm.s32 $_size_execute0_lowered;
	s5 =	sadd.s32 s5, s7;
	[dreg:$0x0] =	wrdreg $0x0  }
0xae: {  	s7 =	sshll.u32 s28, $0x1;
	[dreg:$0x2] =	wrdreg s5  }
0xaf: {  	[dreg:$0x3] =	wrdreg s7  }
0xb0: {  	[dreg:$0x4] =	wrdreg $0xC0  }
0xb1: {  	_ =	task [dreg:s9], $0x5FFFF  }
0xb2: {  	[dreg:$0x1] =	wrdreg $0xFFFFFFFF  }
0xb3: {  	[dreg:$0x0] =	wrdreg $0x60  }
0xb4: {  	[dreg:$0x2] =	wrdreg s18  }
0xb5: {  	[dreg:$0x3] =	wrdreg s24  }
0xb6: {  	[dreg:$0x4] =	wrdreg s16  }
0xb7: {  	[dreg:$0x5] =	wrdreg s17  }
0xb8: {  	[dreg:$0x6] =	wrdreg $0x2C100  }
0xb9: {  	[dreg:$0x7] =	wrdreg $0x9  }
0xba: {  	_ =	task.clear_ibuf [dreg:s9], $0x8FFFF;
	_ =	strace $0x90000046  }
0xbb: {  	s29 =	simm.s32 $0x9;
	_ =	strace $0x80000048  }
0xbc: {  	_ =	swait.ge [sflag:s29], $0x1  }
0xbd: {  	[sflag:s29] =	ssyncadd.s32 $0xFFFFFFFF  }
0xbe: {  	_ =	strace $0x90000048  }
0xbf: {  	_ =	sfence  }
0xc0: {  	s30 =	sld [smem:$0x0];
	_ =	sdelay $0x2  }
0xc1: {  	s31 =	sshll.u32 s1, $0xD;
	s1 =	sshrl.u32 s1, $0x2  }
0xc2: {  	s3 =	sand.u32 $0x4000, s31;
	s1 =	sadd.s32 s1, s30  }
0xc3: {  	s0 =	sor.u32 s3, s0;
	s1 =	sshll.u32 s1, $0x11  }
0xc4: {  	s0 =	sor.u32 s1, s0  }
0xc5: {  	s0 =	sadd.s32 $0x8F2B, s0  }
0xc6: {  	[sflag:s0] =	ssyncadd.remote.s32 $0x1  }
0xc7: {  	_ =	sfence.sel $0xFFFF  }
0xc8: {  	[dreg:$0x0] =	wrdreg $0xFFFFFFFF;
	(pc) =	sbr.abs _section_cstart, $3  }
0xc9: {  	[dreg:$0x1] =	wrdreg $0xFFFFFFFF  }
0xca: {  	_ =	task.clear_ibuf [dreg:s9], $0x2FFFF;
	_ =	strace $0x9FFFFFFF  }
0xcb: {  	(tm) =	ssettm $0x7FFFFFFF  }
tec
execute0_lowered:
.L_overlay_start_1:
0x0: {  	(tag) =	ssettag $0x1  }
0x1: {  	s1 =	rddreg [dreg:$0x0]  }
0x2: {  	s7 =	rddreg [dreg:$0x1]  }
0x3: {  	s5 =	rddreg [dreg:$0x2]  }
0x4: {  	s8 =	rddreg [dreg:$0x3]  }
0x5: {  	s2 =	rddreg [dreg:$0x4]  }
0x6: {  	s3 =	srdreg.scid;
	s0 =	rddreg [dreg:$0x5];
	s4 =	simm.s32 $0x0  }
0x7: {  	s14 =	simm.s32 $0x1;
	s15 =	simm.s32 $0x0;
	s6 =	sand.u32 $0x1, s3  }
0x8: {  	s3 =	stileid.u32;
	[smem:$0x7FF] =	sst s4;
	s9 =	sshll.u32 s6, $0x4  }
0x9: {  	s10 =	smul.u32 $0x2800, s3;
	_ =	strace $0x80000047;
	s11 =	ssub.s32 $0x2, s6  }
0xa: {  	s6 =	smul.u32 $0x28000, s6;
	s30 =	sshll.u32 s3, $0x6;
	s9 =	sor.u32 s3, s9  }
0xb: {  	s12 =	sshrl.u32 s11, $0x1;
	s9 =	smul.u32 $0x2710, s9;
	s13 =	sshrl.u32 s10, $0x3  }
0xc: {  	s11 =	ssub.s32 s11, s12;
	s29 =	sadd.s32 s10, s2;
	s10 =	sadd.s32 s10, s6  }
0xd: {  	s6 =	sor.u32 $0x1C02, s30;
	s12 =	simm.s32 $0x2710;
	s5 =	sadd.s32 s5, s13  }
0xe: {  	s31 =	sshrl.u32 s10, $0x3;
	s10 =	sshrl.u32 s29, $0x3;
	s9 =	sshrl.u32 s9, $0x3  }
0xf: {  	s13 =	simm.s32 $0x50;
	s8 =	sadd.s32 s8, s31;
	s7 =	sadd.s32 s7, s9  }
0x10: {  	s9 =	smax.u32 s11, $0x1;
	s11 =	simm.s32 $0x2;
	s7 =	sadd.s32 $0xDE40, s7  }
.LBB2_1:
0x11: {  	[spmem:s10], [sflag:s6] =	dma.local [hbm:s5], $0x500  }
0x12: {  	_ =	swait.ge [sflag:s11], $0x500  }
0x13: {  	[sflag:s11] =	ssyncset.done $0x0  }
0x14: {  	[sflag:s11] =	ssyncadd.s32 $0xFFFFFB00  }
0x15: {  	[tilespmem:s12], [sflag:$0x2] =	stream.linear.gather [hbm4b:s1+s4], $0x500, $0x38;
	[tilespmem:$0x5410] =	vst v63  }
0x16: {  	_ =	swait.ge [sflag:s11], $0x500  }
0x17: {  	[sflag:s11] =	ssyncset.done $0x0  }
0x18: {  	[sflag:s11] =	ssyncadd.s32 $0xFFFFFB00  }
0x19: {  	[tilespmem:s4], [sflag:$0x2] =	stream.linear.gather [hbm4b:s7+s4], $0x2710, $0x38;
	[tilespmem:$0x5410] =	vst v63  }
0x1a: {  	_ =	swait.ge [sflag:s11], $0x2710  }
0x1b: {  	[sflag:s11] =	ssyncset.done $0x0  }
0x1c: {  	[sflag:s11] =	ssyncadd.s32 $0xFFFFD8F0  }
0x1d: {  	s16 =	simm.s32 $0x0;
	[bflag:$0x0] =	sbarrier.arrive $0xFFFF  }
.LBB2_2:
0x1e: {  	p0 =	sne.s32 s16, $0x9B00  }
.Ltmp0:
0x1f: {  	_ = 	snop;
	(pc) =	sbr.rel @p0 .LBB2_2-.Ltmp0, $3  }
0x20: {  	_ =	sdelay $0x1  }
0x21: {  	s17 =	sshra.s32 s16, $0x2;
	s16 =	sadd.s32 $0x140, s16  }
0x22: {  	[spmem:s2] =	stream.indirect.scatter.add.f32 [tilespmem:s12], [sflag:$0x1], $0x10, s17, s13, $0xb8;
	[tilespmem:$0x5410] =	vst v63  }
0x23: {  	_ =	swait.ge [sflag:s14], $0x500  }
0x24: {  	s16 =	simm.s32 $0x7C;
	[sflag:s14] =	ssyncset.done $0x0  }
.LBB2_4:
0x25: {  	p0 =	sne.s32 s16, $0x1;
	s16 =	sadd.s32 $0xFFFFFFFF, s16;
	[sflag:s14] =	ssyncadd.s32 $0xFFFFFB00  }
.Ltmp1:
0x26: {  	(pc) =	sbr.rel @p0 .LBB2_4-.Ltmp1, $3  }
0x27: {  	_ =	sdelay $0x1  }
0x28: {  	_ =	swait.ge [sflag:s14], $0x500  }
0x29: {  	[sflag:s14] =	ssyncset.done $0x0  }
0x2a: {  	s15 =	sadd.s32 $0x1, s15  }
0x2b: {  	[sflag:s14] =	ssyncadd.s32 $0xFFFFFB00;
	p0 =	sne.s32 s15, s9  }
.Ltmp2:
0x2c: {  	[bflag:$0x0] =	sbarrier.arrive $0xFFFF;
	(pc) =	sbr.rel @p0 .LBB2_1-.Ltmp2, $4  }
0x2d: {  	[hbm:s8], [sflag:s6] =	dma.local [spmem:s10], $0x500  }
0x2e: {  	_ =	swait.ge [sflag:s11], $0x500  }
0x2f: {  	[sflag:s11] =	ssyncset.done $0x0  }
0x30: {  	[sflag:s11] =	ssyncadd.s32 $0xFFFFFB00  }
0x31: {  	_ =	sfence.sel $0x180000  }
0x32: {  	[bflag:$0x0] =	sbarrier.arrive $0xFFFF  }
0x33: {  	p0 =	sne.s32 s3, $0x0;
	_ =	strace $0x90000047  }
0x34: {  	s0 =	sadd.s32 @!p0 $0x100000, s0;
	[bflag:$0x2] =	sbarrier.arrive $0xFFFF  }
0x35: {  	[sflag:s0] =	ssyncadd.tile.s32 @!p0 $0x1;
	_ =	shalt  }
.Lfunc_end2:
_tile_overlayer_lowered:
.L_overlay_start_2:
0x36: {  	(tag) =	ssettag $0x2  }
0x37: {  	s0 =	rddreg [dreg:$0x0];
	s2 =	stileid.u32  }
0x38: {  	s1 =	rddreg [dreg:$0x1];
	p0 =	sne.s32 s2, $0x0  }
0x39: {  	s3 =	rddreg [dreg:$0x2];
	[bflag:$0x3] =	sbarrier.arrive $0xFFFF;
	s2 =	simm.s32 @!p0 $0x1C02  }
0x3a: {  	[timem:s3], [sflag:s2] =	dma.local @!p0 [hbm:s0], s1  }
0x3b: {  	s0 =	simm.s32 @!p0 $0x2  }
0x3c: {  	_ =	swait.ge @!p0 [sflag:s0], s1  }
0x3d: {  	s1 =	ssub.s32 @!p0 $0x0, s1;
	[sflag:s0] =	ssyncset.done @!p0 $0x0  }
0x3e: {  	[sflag:s0] =	ssyncadd.s32 @!p0 s1  }
0x3f: {  	[bflag:$0x3] =	sbarrier.arrive $0xFFFF  }
0x40: {  	_ =	shalt  }

// kernel: kernel.13.cloned.1.call-start
scs
__scs_entry_jumppad:
0x0: {  	(pc) =	sbr.rel $0x88, $3  }
0x1: {  	(tag) =	ssettag $0x0;
	lr =	simm.s32 $0x1  }
0x2: {  	[smem:$0x3F8E] =	sst lr;
	_ =	strace $0xD0000000  }
0x3: {  	_ = 	snop  }
0x4: {  	_ = 	snop  }
0x5: {  	_ = 	snop  }
0x6: {  	_ = 	snop  }
0x7: {  	_ = 	snop  }
__scs_overlays_trampoline_lowered:
0x8: {  	[smem:$0x3F9D] =	sst s0  }
0x9: {  	[smem:$0x3F9E] =	sst s1  }
0xa: {  	[smem:$0x3F9F] =	sst s2  }
0xb: {  	[smem:$0x3FA0] =	sst s3  }
0xc: {  	[smem:$0x3FA1] =	sst s4  }
0xd: {  	[smem:$0x3FA2] =	sst s5  }
0xe: {  	[smem:$0x3FA3] =	sst s6  }
0xf: {  	[smem:$0x3FA4] =	sst s7  }
0x10: {  	[smem:$0x3FA5] =	sst s8  }
0x11: {  	[smem:$0x3FA6] =	sst s9;
	s0 =	simm.s32 @!p0 $0x0  }
0x12: {  	s1 =	sld [smem:$0x3F8C];
	s0 =	simm.s32 @p0 $0x1  }
0x13: {  	[smem:$0x3FA7] =	sst s0;
	s0 =	simm.s32 @!p1 $0x0  }
0x14: {  	s2 =	sld [smem:$0x3F8B];
	s0 =	simm.s32 @p1 $0x1  }
0x15: {  	[smem:$0x3FA8] =	sst s0;
	s0 =	simm.s32 @!p2 $0x0  }
0x16: {  	s3 =	sld [smem:$0x3FDB];
	s0 =	simm.s32 @p2 $0x1  }
0x17: {  	s4 =	simm.s32 $0x1BF5;
	[smem:$0x3FAA] =	sst s0  }
0x18: {  	s0 =	sld [smem:$0x3F8D];
	_ =	swait.ge [sflag:s4], $0x0  }
0x19: {  	s7 =	sld [smem:$0x3F8E]  }
0x1a: {  	s8 =	sadd.s32 $0xFFFFE003, lr  }
0x1b: {  	s9 =	sadd.s32 $0xFFFFFEF7, lr;
	s5 =	simm.s32 $0xFFFFFFFF;
	p2 =	slt.u32 s8, $0xFFFFF086  }
0x1c: {  	p1 =	slt.u32 s9, $0xF7A;
	s5 =	simm.s32 @!p2 $0x0  }
0x1d: {  	s5 =	simm.s32 @p1 $0x1;
	p0 =	seq.s32 s7, s2  }
0x1e: {  	s7 =	smul.u32 @!p0 $0xF7A, s2;
	p2 =	seq.s32 @!p0 s5, $0x0  }
0x1f: {  	s9 =	smul.u32 $0xF7A, s1;
	s8 =	simm.s32 @!p0 $0x1BF5;
	p2 =	por !p2, p0  }
0x20: {  	[sflag:s8] =	ssyncset.s32 @!p0 $0xFFFFF086;
	s6 =	sadd.s32 @!p0 s3, s7;
	s7 =	simm.s32 @!p0 $0x108  }
0x21: {  	s3 =	sadd.s32 s3, s9;
	s6 =	sadd.s32 @!p0 $0x88, s6;
	s7 =	simm.s32 @p2 $0x1082  }
0x22: {  	[simem:s7], [sflag:s8] =	dma.local @!p0 [hbm:s6], $0xF7A  }
0x23: {  	s9 =	sor.u32 $0xD0000000, s2;
	s6 =	simm.s32 $0x108;
	_ =	swait.ge @!p0 [sflag:s8], $0x0  }
0x24: {  	s3 =	sadd.s32 $0x88, s3;
	s6 =	simm.s32 @!p1 $0x1082;
	[sflag:s4] =	ssyncset.s32 $0xFFFFF086  }
0x25: {  	[simem:s6], [sflag:s4] =	dma.local [hbm:s3], $0xF7A  }
0x26: {  	[smem:$0x3F8E] =	sst s1;
	(tag) =	ssettag s2;
	_ =	strace s9  }
0x27: {  	s1 =	sld [smem:$0x3F9E]  }
0x28: {  	s2 =	sld [smem:$0x3F9F]  }
0x29: {  	s4 =	sld [smem:$0x3FA1]  }
0x2a: {  	p0 =	seq.s32 s5, $0x0;
	s5 =	sld [smem:$0x3FA2]  }
0x2b: {  	s6 =	sld [smem:$0x3FA3]  }
0x2c: {  	s7 =	sld [smem:$0x3FA4]  }
0x2d: {  	s3 =	simm.s32 $0x108;
	s8 =	sld [smem:$0x3FA5]  }
0x2e: {  	s3 =	simm.s32 @!p0 $0x1082;
	s9 =	sld [smem:$0x3FA6]  }
0x2f: {  	lr =	sadd.s32 s0, s3;
	s0 =	sld [smem:$0x3F9D]  }
0x30: {  	s3 =	sld [smem:$0x3FA0]  }
0x31: {  	[smem:$0x3FA9] =	sst s10  }
0x32: {  	s10 =	sld [smem:$0x3FA7];
	_ =	sdelay $0x3  }
0x33: {  	p0 =	seq.s32 s10, $0x1;
	s10 =	sld [smem:$0x3FA9];
	_ =	sdelay $0x3  }
0x34: {  	[smem:$0x3FA9] =	sst s10  }
0x35: {  	s10 =	sld [smem:$0x3FA8];
	_ =	sdelay $0x3  }
0x36: {  	p1 =	seq.s32 s10, $0x1;
	s10 =	sld [smem:$0x3FA9];
	_ =	sdelay $0x3  }
0x37: {  	[smem:$0x3FA9] =	sst s10  }
0x38: {  	s10 =	sld [smem:$0x3FAA]  }
0x39: {  	_ = 	snop;
	(pc) =	sbr.ind lr, $3  }
0x3a: {  	_ = 	snop  }
0x3b: {  	_ = 	snop  }
0x3c: {  	p2 =	seq.s32 s10, $0x1;
	s10 =	sld [smem:$0x3FA9]  }
0x3d: {  	_ =	shalt  }
0x3e: {  	_ =	shalt  }
0x3f: {  	_ =	shalt  }
0x40: {  	_ =	shalt  }
0x41: {  	_ =	shalt  }
0x42: {  	_ =	shalt  }
0x43: {  	_ =	shalt  }
0x44: {  	_ =	shalt  }
0x45: {  	_ =	shalt  }
0x46: {  	_ =	shalt  }
0x47: {  	_ =	shalt  }
0x48: {  	_ =	shalt  }
0x49: {  	_ =	shalt  }
0x4a: {  	_ =	shalt  }
0x4b: {  	_ =	shalt  }
0x4c: {  	_ =	shalt  }
0x4d: {  	_ =	shalt  }
0x4e: {  	_ =	shalt  }
0x4f: {  	_ =	shalt  }
0x50: {  	_ =	shalt  }
0x51: {  	_ =	shalt  }
0x52: {  	_ =	shalt  }
0x53: {  	_ =	shalt  }
0x54: {  	_ =	shalt  }
0x55: {  	_ =	shalt  }
0x56: {  	_ =	shalt  }
0x57: {  	_ =	shalt  }
0x58: {  	_ =	shalt  }
0x59: {  	_ =	shalt  }
0x5a: {  	_ =	shalt  }
0x5b: {  	_ =	shalt  }
0x5c: {  	_ =	shalt  }
0x5d: {  	_ =	shalt  }
0x5e: {  	_ =	shalt  }
0x5f: {  	_ =	shalt  }
0x60: {  	_ =	shalt  }
0x61: {  	_ =	shalt  }
0x62: {  	_ =	shalt  }
0x63: {  	_ =	shalt  }
0x64: {  	_ =	shalt  }
0x65: {  	_ =	shalt  }
0x66: {  	_ =	shalt  }
0x67: {  	_ =	shalt  }
0x68: {  	_ =	shalt  }
0x69: {  	_ =	shalt  }
0x6a: {  	_ =	shalt  }
0x6b: {  	_ =	shalt  }
0x6c: {  	_ =	shalt  }
0x6d: {  	_ =	shalt  }
0x6e: {  	_ =	shalt  }
0x6f: {  	_ =	shalt  }
0x70: {  	_ =	shalt  }
0x71: {  	_ =	shalt  }
0x72: {  	_ =	shalt  }
0x73: {  	_ =	shalt  }
0x74: {  	_ =	shalt  }
0x75: {  	_ =	shalt  }
0x76: {  	_ =	shalt  }
0x77: {  	_ =	shalt  }
0x78: {  	_ =	shalt  }
0x79: {  	_ =	shalt  }
0x7a: {  	_ =	shalt  }
0x7b: {  	_ =	shalt  }
0x7c: {  	_ =	shalt  }
0x7d: {  	_ =	shalt  }
0x7e: {  	_ =	shalt  }
0x7f: {  	_ =	shalt  }
0x80: {  	_ =	shalt  }
0x81: {  	_ =	shalt  }
0x82: {  	_ =	shalt  }
0x83: {  	_ =	shalt  }
0x84: {  	_ =	shalt  }
0x85: {  	_ =	shalt  }
0x86: {  	_ =	shalt  }
0x87: {  	_ =	shalt  }
.Lfunc_end0:
.L_simem_size_0:
called_computation.1_lowered:
.L_overlay_start_0:
0x88: {  	s2 =	sld [smem:$0x3FD9]  }
0x89: {  	s3 =	sld [smem:$0x3FFE];
	_ =	sdelay $0x1  }
0x8a: {  	s1 =	srdreg.scid  }
0x8b: {  	s0 =	sand.u32 $0x1, s1  }
0x8c: {  	s14 =	sshll.u32 s0, $0xA;
	s2 =	sadd.s32 s3, s2  }
0x8d: {  	s2 =	sadd.s32 s2, s14  }
0x8e: {  	[smem:$0x3FB5] =	sst s2  }
0x8f: {  	_ = 	snop  }
0x90: {  	s2 =	sld [smem:$0x3FD0];
	_ =	sdelay $0x2  }
0x91: {  	s15 =	simm.s32 $0xA;
	s4 =	simm.s32 $0x10  }
0x92: {  	[smem:s4], [sflag:s15] =	dma.local [hbm:s2], $0x1  }
0x93: {  	_ =	swait.eq [sflag:s15], $0x1  }
0x94: {  	[sflag:s15] =	ssyncset.done $0x0  }
0x95: {  	[sflag:s15] =	ssyncadd.s32 $0xFFFFFFFF  }
0x96: {  	s16 =	sld [smem:$0x13];
	(tm) =	ssettm $0x1  }
0x97: {  	s17 =	sld [smem:$0x3FFB];
	_ =	sdelay $0x3  }
0x98: {  	_ =	strace s17  }
0x99: {  	s3 =	sld [smem:$0x3FFC];
	_ =	sdelay $0x3  }
0x9a: {  	_ =	strace s3  }
0x9b: {  	s3 =	sld [smem:$0x3FFD];
	_ =	sdelay $0x3  }
0x9c: {  	_ =	strace s3  }
0x9d: {  	_ =	strace $0x8FFFFFFF  }
0x9e: {  	s18 =	sld [smem:$0x3FDB];
	_ =	sdelay $0x1  }
0x9f: {  	s19 =	simm.s32 $_scs_section_size  }
0xa0: {  	s5 =	simm.s32 $_size__tile_overlayer_lowered;
	s6 =	simm.s32 $_tile_overlayer_lowered  }
0xa1: {  	s22 =	simm.s32 $0x1BFF;
	s21 =	sshll.u32 s6, $0x1;
	s3 =	sadd.s32 s19, s18  }
0xa2: {  	s7 =	simm.s32 $0x0;
	s20 =	sshll.u32 s5, $0x1;
	s5 =	sadd.s32 s21, s3  }
0xa3: {  	[timem:s7], [sflag:s22] =	dma.local [hbm:s5], s20  }
0xa4: {  	_ =	swait.ge [sflag:s22], s20  }
0xa5: {  	s4 =	ssub.s32 $0x0, s20;
	[sflag:s22] =	ssyncset.done $0x0  }
0xa6: {  	[sflag:s22] =	ssyncadd.s32 s4;
	_ =	sdelay $0x1  }
0xa7: {  	s23 =	simm.s32 $0x1B8B  }
0xa8: {  	_ =	swait.ge [sflag:s23], $0x1  }
0xa9: {  	[sflag:s23] =	ssyncset.done $0x0  }
0xaa: {  	s25 =	simm.s32 $0x1B8E;
	s24 =	sld [smem:$0x3FFE];
	[sflag:s23] =	ssyncadd.s32 $0xFFFFFFFF  }
0xab: {  	s26 =	simm.s32 $execute0_lowered;
	[smem:$0x3FD2] =	sst s25  }
0xac: {  	s5 =	sshll.u32 s26, $0x1;
	_ =	strace $0x80000049;
	[dreg:$0x1] =	wrdreg $0xFFFFFFFF  }
0xad: {  	s28 =	simm.s32 $_size_execute0_lowered;
	s3 =	sadd.s32 s3, s5;
	[dreg:$0x0] =	wrdreg $0x0  }
0xae: {  	s5 =	sshll.u32 s28, $0x1;
	[dreg:$0x2] =	wrdreg s3  }
0xaf: {  	[dreg:$0x3] =	wrdreg s5  }
0xb0: {  	[dreg:$0x4] =	wrdreg $0xC0  }
0xb1: {  	_ =	task [dreg:s7], $0x5FFFF  }
0xb2: {  	[dreg:$0x1] =	wrdreg $0xFFFFFFFF  }
0xb3: {  	[dreg:$0x0] =	wrdreg $0x60  }
0xb4: {  	[dreg:$0x2] =	wrdreg s24  }
0xb5: {  	[dreg:$0x3] =	wrdreg s16  }
0xb6: {  	[dreg:$0x4] =	wrdreg $0xB2200  }
0xb7: {  	[dreg:$0x5] =	wrdreg $0x9  }
0xb8: {  	_ =	task.clear_ibuf [dreg:s7], $0x6FFFF;
	_ =	strace $0x90000049  }
0xb9: {  	s29 =	simm.s32 $0x9;
	_ =	strace $0x8000004B  }
0xba: {  	_ =	swait.ge [sflag:s29], $0x1  }
0xbb: {  	[sflag:s29] =	ssyncadd.s32 $0xFFFFFFFF  }
0xbc: {  	_ =	strace $0x9000004B  }
0xbd: {  	_ =	sfence  }
0xbe: {  	s30 =	sld [smem:$0x0];
	_ =	sdelay $0x2  }
0xbf: {  	s31 =	sshll.u32 s1, $0xD;
	s1 =	sshrl.u32 s1, $0x2  }
0xc0: {  	s3 =	sand.u32 $0x4000, s31;
	s1 =	sadd.s32 s1, s30  }
0xc1: {  	s0 =	sor.u32 s3, s0;
	s1 =	sshll.u32 s1, $0x11  }
0xc2: {  	s0 =	sor.u32 s1, s0  }
0xc3: {  	s0 =	sadd.s32 $0x8F2B, s0  }
0xc4: {  	[sflag:s0] =	ssyncadd.remote.s32 $0x1  }
0xc5: {  	_ =	sfence.sel $0xFFFF  }
0xc6: {  	[dreg:$0x0] =	wrdreg $0xFFFFFFFF;
	(pc) =	sbr.abs _section_cstart, $3  }
0xc7: {  	[dreg:$0x1] =	wrdreg $0xFFFFFFFF  }
0xc8: {  	_ =	task.clear_ibuf [dreg:s7], $0x2FFFF;
	_ =	strace $0x9FFFFFFF  }
0xc9: {  	(tm) =	ssettm $0x7FFFFFFF  }
tec
execute0_lowered:
.L_overlay_start_1:
0x0: {  	(tag) =	ssettag $0x1  }
0x1: {  	s0 =	srdreg.scid  }
0x2: {  	s1 =	rddreg [dreg:$0x0];
	s10 =	stileid.u32  }
0x3: {  	s5 =	rddreg [dreg:$0x1];
	s12 =	simm.s32 $0xB;
	s13 =	simm.s32 $0x2710  }
0x4: {  	s14 =	simm.s32 $0x50;
	s15 =	simm.s32 $0x4E20;
	s16 =	simm.s32 $0x6220  }
0x5: {  	s18 =	simm.s32 $0x7620;
	s20 =	simm.s32 $0x8A20;
	s21 =	simm.s32 $0x1  }
0x6: {  	s29 =	simm.s32 $0x3;
	s31 =	simm.s32 $0x7;
	s19 =	simm.s32 $0x8  }
0x7: {  	s30 =	simm.s32 $0x9;
	s17 =	simm.s32 $0xA;
	s0 =	sand.u32 $0x1, s0  }
0x8: {  	s7 =	smul.u32 $0xA000, s10;
	s4 =	sadd.s32 $0x3EE00, s1;
	s25 =	sshll.u32 s10, $0x6  }
0x9: {  	s2 =	sshll.u32 s0, $0x4;
	s8 =	smul.u32 $0xA0000, s0;
	s0 =	ssub.s32 $0x2, s0  }
0xa: {  	s3 =	sor.u32 s10, s2;
	s2 =	rddreg [dreg:$0x2];
	s23 =	sshrl.u32 s0, $0x1  }
0xb: {  	s24 =	sshrl.u32 s7, $0x3;
	s6 =	smul.u32 $0x2710, s3;
	s3 =	simm.s32 $0x0  }
0xc: {  	s8 =	sadd.s32 s7, s8;
	s0 =	ssub.s32 s0, s23;
	s11 =	sadd.s32 s7, s2  }
0xd: {  	s5 =	sadd.s32 s5, s24;
	s23 =	simm.s32 $0x9E20;
	s24 =	simm.s32 $0x2  }
0xe: {  	[smem:$0x7FF] =	sst s3;
	s22 =	sshrl.u32 s8, $0x3;
	s10 =	smax.u32 s0, $0x1  }
0xf: {  	s11 =	sshrl.u32 s11, $0x3;
	s0 =	simm.s32 $0x4;
	s6 =	sshrl.u32 s6, $0x3  }
.Ltmp0:
0x10: {  	_ =	strace $0x8000004A;
	s9 =	sadd.s32 s6, s1;
	(pc) =	sbr.rel .LBB2_1-.Ltmp0, $4  }
0x11: {  	[dreg:$0x4] =	wrdreg s5;
	s1 =	sadd.s32 s22, s1;
	s26 =	sadd.s32 $0x4200, s9  }
0x12: {  	s6 =	sor.u32 $0x1C0B, s25;
	s28 =	sadd.s32 $0xDE40, s9;
	[dreg:$0x5] =	wrdreg s26  }
0x13: {  	s25 =	simm.s32 $0x5;
	s1 =	sadd.s32 $0x52800, s1;
	[dreg:$0x6] =	wrdreg s28  }
0x14: {  	s22 =	simm.s32 $0x0;
	[dreg:$0x7] =	wrdreg s1;
	s26 =	simm.s32 $0x6  }
.LBB2_4:
0x15: {  	_ =	swait.ge [sflag:s25], $0x1400  }
0x16: {  	[sflag:s25] =	ssyncset.done $0x0  }
0x17: {  	[sflag:s25] =	ssyncadd.s32 $0xFFFFEC00  }
0x18: {  	[spmem:s2] =	stream.indirect.scatter.add.f32 [tilespmem:s23], [sflag:$0xA], $0x40, s5, s14, $0xb8;
	[tilespmem:$0x15220] =	vst v63  }
0x19: {  	_ =	swait.ge [sflag:s26], $0x1400  }
0x1a: {  	[sflag:s26] =	ssyncset.done $0x0  }
0x1b: {  	[sflag:s26] =	ssyncadd.s32 $0xFFFFEC00  }
0x1c: {  	_ =	swait.ge [sflag:s31], $0x1400  }
0x1d: {  	[sflag:s31] =	ssyncset.done $0x0  }
0x1e: {  	[sflag:s31] =	ssyncadd.s32 $0xFFFFEC00  }
0x1f: {  	_ =	swait.ge [sflag:s19], $0x1400  }
0x20: {  	[sflag:s19] =	ssyncset.done $0x0  }
0x21: {  	[sflag:s19] =	ssyncadd.s32 $0xFFFFEC00  }
0x22: {  	_ =	swait.ge [sflag:s30], $0x1400  }
0x23: {  	[sflag:s30] =	ssyncset.done $0x0  }
0x24: {  	[sflag:s30] =	ssyncadd.s32 $0xFFFFEC00  }
0x25: {  	_ =	swait.ge [sflag:s17], $0x1400  }
0x26: {  	[sflag:s17] =	ssyncset.done $0x0  }
0x27: {  	s22 =	sadd.s32 $0x1, s22;
	[sflag:s17] =	ssyncadd.s32 $0xFFFFEC00  }
0x28: {  	p0 =	sne.s32 s22, s10;
	[bflag:$0x0] =	sbarrier.arrive $0xFFFF  }
.Ltmp1:
0x29: {  	s1 =	rddreg [dreg:$0x7];
	(pc) =	sbr.rel @!p0 .LBB2_5-.Ltmp1, $4  }
0x2a: {  	[hbm:s1], [sflag:s6] =	dma.local [spmem:s11], $0x1400  }
0x2b: {  	_ =	swait.ge [sflag:s12], $0x1400  }
0x2c: {  	[sflag:s12] =	ssyncset.done $0x0  }
0x2d: {  	[sflag:s12] =	ssyncadd.s32 $0xFFFFEC00  }
.LBB2_1:
0x2e: {  	s1 =	rddreg [dreg:$0x4]  }
0x2f: {  	[spmem:s11], [sflag:s6] =	dma.local [hbm:s1], $0x1400  }
0x30: {  	_ =	swait.ge [sflag:s12], $0x1400  }
0x31: {  	[sflag:s12] =	ssyncset.done $0x0  }
0x32: {  	s9 =	rddreg [dreg:$0x5];
	[sflag:s12] =	ssyncadd.s32 $0xFFFFEC00  }
0x33: {  	[tilespmem:s3], [sflag:$0xB] =	stream.linear.gather [hbm4b:s9+s3], $0x2710, $0x38;
	[tilespmem:$0x15220] =	vst v63  }
0x34: {  	_ =	swait.ge [sflag:s12], $0x2710  }
0x35: {  	[sflag:s12] =	ssyncset.done $0x0  }
0x36: {  	s5 =	rddreg [dreg:$0x6];
	[sflag:s12] =	ssyncadd.s32 $0xFFFFD8F0  }
0x37: {  	[tilespmem:s13], [sflag:$0xB] =	stream.linear.gather [hbm4b:s5+s3], $0x2710, $0x38;
	[tilespmem:$0x15220] =	vst v63  }
0x38: {  	_ =	swait.ge [sflag:s12], $0x2710  }
0x39: {  	[sflag:s12] =	ssyncset.done $0x0  }
0x3a: {  	[sflag:s12] =	ssyncadd.s32 $0xFFFFD8F0  }
0x3b: {  	[bflag:$0x0] =	sbarrier.arrive $0xFFFF  }
0x3c: {  	[tilespmem:s15], [sflag:$0x1] =	stream.indirect.gather [hbm4b:s4+s14], $0x40, s3, s14, $0xb8;
	[tilespmem:$0x15220] =	vst v63  }
0x3d: {  	_ = 	snop  }
0x3e: {  	[tilespmem:s16], [sflag:$0x2] =	stream.indirect.gather [hbm4b:s4+s14], $0x40, s14, s14, $0xb8;
	[tilespmem:$0x15220] =	vst v63  }
0x3f: {  	s7 =	simm.s32 $0xA0  }
0x40: {  	[tilespmem:s18], [sflag:$0x3] =	stream.indirect.gather [hbm4b:s4+s14], $0x40, s7, s14, $0xb8;
	[tilespmem:$0x15220] =	vst v63  }
0x41: {  	s8 =	simm.s32 $0xF0  }
0x42: {  	[tilespmem:s20], [sflag:$0x4] =	stream.indirect.gather [hbm4b:s4+s14], $0x40, s8, s14, $0xb8;
	[tilespmem:$0x15220] =	vst v63  }
0x43: {  	_ =	swait.ge [sflag:s21], $0x1400  }
0x44: {  	[sflag:s21] =	ssyncset.done $0x0  }
0x45: {  	[sflag:s21] =	ssyncadd.s32 $0xFFFFEC00  }
0x46: {  	[spmem:s2] =	stream.indirect.scatter.add.f32 [tilespmem:s15], [sflag:$0x6], $0x40, s13, s14, $0xb8;
	[tilespmem:$0x15220] =	vst v63  }
0x47: {  	s9 =	simm.s32 $0x140  }
0x48: {  	[tilespmem:s23], [sflag:$0x5] =	stream.indirect.gather [hbm4b:s4+s14], $0x40, s9, s14, $0xb8;
	[tilespmem:$0x15220] =	vst v63  }
0x49: {  	_ =	swait.ge [sflag:s24], $0x1400  }
0x4a: {  	[sflag:s24] =	ssyncset.done $0x0  }
0x4b: {  	s5 =	simm.s32 $0x2760;
	[sflag:s24] =	ssyncadd.s32 $0xFFFFEC00  }
0x4c: {  	[spmem:s2] =	stream.indirect.scatter.add.f32 [tilespmem:s16], [sflag:$0x7], $0x40, s5, s14, $0xb8;
	[tilespmem:$0x15220] =	vst v63  }
0x4d: {  	_ =	swait.ge [sflag:s26], $0x1400  }
0x4e: {  	[sflag:s26] =	ssyncset.done $0x0  }
0x4f: {  	s7 =	simm.s32 $0x190;
	[sflag:s26] =	ssyncadd.s32 $0xFFFFEC00  }
0x50: {  	[tilespmem:s15], [sflag:$0x1] =	stream.indirect.gather [hbm4b:s4+s14], $0x40, s7, s14, $0xb8;
	[tilespmem:$0x15220] =	vst v63  }
0x51: {  	_ =	swait.ge [sflag:s29], $0x1400  }
0x52: {  	[sflag:s29] =	ssyncset.done $0x0  }
0x53: {  	s8 =	simm.s32 $0x27B0;
	[sflag:s29] =	ssyncadd.s32 $0xFFFFEC00  }
0x54: {  	[spmem:s2] =	stream.indirect.scatter.add.f32 [tilespmem:s18], [sflag:$0x8], $0x40, s8, s14, $0xb8;
	[tilespmem:$0x15220] =	vst v63  }
0x55: {  	_ =	swait.ge [sflag:s31], $0x1400  }
0x56: {  	[sflag:s31] =	ssyncset.done $0x0  }
0x57: {  	s9 =	simm.s32 $0x1E0;
	[sflag:s31] =	ssyncadd.s32 $0xFFFFEC00  }
0x58: {  	[tilespmem:s16], [sflag:$0x2] =	stream.indirect.gather [hbm4b:s4+s14], $0x40, s9, s14, $0xb8;
	[tilespmem:$0x15220] =	vst v63  }
0x59: {  	_ =	swait.ge [sflag:s0], $0x1400  }
0x5a: {  	[sflag:s0] =	ssyncset.done $0x0  }
0x5b: {  	s5 =	simm.s32 $0x2800;
	[sflag:s0] =	ssyncadd.s32 $0xFFFFEC00  }
0x5c: {  	[spmem:s2] =	stream.indirect.scatter.add.f32 [tilespmem:s20], [sflag:$0x9], $0x40, s5, s14, $0xb8;
	[tilespmem:$0x15220] =	vst v63  }
0x5d: {  	_ =	swait.ge [sflag:s19], $0x1400  }
0x5e: {  	[sflag:s19] =	ssyncset.done $0x0  }
0x5f: {  	s7 =	simm.s32 $0x230;
	[sflag:s19] =	ssyncadd.s32 $0xFFFFEC00  }
0x60: {  	[tilespmem:s18], [sflag:$0x3] =	stream.indirect.gather [hbm4b:s4+s14], $0x40, s7, s14, $0xb8;
	[tilespmem:$0x15220] =	vst v63  }
0x61: {  	_ =	swait.ge [sflag:s25], $0x1400  }
0x62: {  	[sflag:s25] =	ssyncset.done $0x0  }
0x63: {  	s8 =	simm.s32 $0x2850;
	[sflag:s25] =	ssyncadd.s32 $0xFFFFEC00  }
0x64: {  	[spmem:s2] =	stream.indirect.scatter.add.f32 [tilespmem:s23], [sflag:$0xA], $0x40, s8, s14, $0xb8;
	[tilespmem:$0x15220] =	vst v63  }
0x65: {  	_ =	swait.ge [sflag:s30], $0x1400  }
0x66: {  	[sflag:s30] =	ssyncset.done $0x0  }
0x67: {  	s28 =	simm.s32 $0x0;
	s9 =	simm.s32 $0x280;
	[sflag:s30] =	ssyncadd.s32 $0xFFFFEC00  }
0x68: {  	[tilespmem:s20], [sflag:$0x4] =	stream.indirect.gather [hbm4b:s4+s14], $0x40, s9, s14, $0xb8;
	[tilespmem:$0x15220] =	vst v63  }
.LBB2_2:
0x69: {  	_ =	swait.ge [sflag:s21], $0x1400  }
0x6a: {  	s1 =	sshra.s32 s28, $0x2;
	[sflag:s21] =	ssyncset.done $0x0  }
0x6b: {  	s5 =	sadd.s32 $0x28A0, s1;
	[sflag:s21] =	ssyncadd.s32 $0xFFFFEC00  }
0x6c: {  	[spmem:s2] =	stream.indirect.scatter.add.f32 [tilespmem:s15], [sflag:$0x6], $0x40, s5, s14, $0xb8;
	[tilespmem:$0x15220] =	vst v63  }
0x6d: {  	_ =	swait.ge [sflag:s17], $0x1400  }
0x6e: {  	[sflag:s17] =	ssyncset.done $0x0  }
0x6f: {  	s7 =	sadd.s32 $0x2D0, s1;
	[sflag:s17] =	ssyncadd.s32 $0xFFFFEC00  }
0x70: {  	[tilespmem:s23], [sflag:$0x5] =	stream.indirect.gather [hbm4b:s4+s14], $0x40, s7, s14, $0xb8;
	[tilespmem:$0x15220] =	vst v63  }
0x71: {  	_ =	swait.ge [sflag:s24], $0x1400  }
0x72: {  	p0 =	seq.s32 s28, $0x8FC0;
	[sflag:s24] =	ssyncset.done $0x0  }
0x73: {  	s8 =	sadd.s32 $0x28F0, s1;
	s5 =	simm.s32 @p0 $0x3;
	[sflag:s24] =	ssyncadd.s32 $0xFFFFEC00  }
0x74: {  	[spmem:s2] =	stream.indirect.scatter.add.f32 [tilespmem:s16], [sflag:$0x7], $0x40, s8, s14, $0xb8;
	[tilespmem:$0x15220] =	vst v63  }
0x75: {  	_ =	swait.ge @p0 [sflag:s5], $0x1400  }
0x76: {  	[sflag:s5] =	ssyncset.done @p0 $0x0  }
0x77: {  	[sflag:s5] =	ssyncadd.s32 @p0 $0xFFFFEC00;
	s5 =	sshra.s32 @p0 s28, $0x2  }
0x78: {  	s7 =	simm.s32 @p0 $0x50;
	s8 =	simm.s32 @p0 $0x7620;
	s5 =	sadd.s32 @p0 $0x2940, s5  }
0x79: {  	[spmem:s2] =	stream.indirect.scatter.add.f32 @p0 [tilespmem:s8], [sflag:$0x8], $0x40, s5, s7, $0xb8;
	[tilespmem:$0x15220] =	vst v63  }
0x7a: {  	s5 =	simm.s32 @!p0 $0x6  }
0x7b: {  	_ =	swait.ge @!p0 [sflag:s5], $0x1400  }
0x7c: {  	[sflag:s5] =	ssyncset.done @!p0 $0x0  }
0x7d: {  	[sflag:s5] =	ssyncadd.s32 @!p0 $0xFFFFEC00;
	s5 =	sshra.s32 @!p0 s28, $0x2  }
0x7e: {  	s9 =	simm.s32 @!p0 $0x4E20;
	s8 =	simm.s32 @!p0 $0x50;
	s7 =	sadd.s32 @!p0 $0x320, s5  }
0x7f: {  	[tilespmem:s9], [sflag:$0x1] =	stream.indirect.gather @!p0 [hbm4b:s4+s8], $0x40, s7, s8, $0xb8;
	[tilespmem:$0x15220] =	vst v63  }
0x80: {  	s7 =	simm.s32 @!p0 $0x3  }
0x81: {  	_ =	swait.ge @!p0 [sflag:s7], $0x1400  }
0x82: {  	[sflag:s7] =	ssyncset.done @!p0 $0x0  }
0x83: {  	s9 =	simm.s32 @!p0 $0x7620;
	[sflag:s7] =	ssyncadd.s32 @!p0 $0xFFFFEC00;
	s7 =	sadd.s32 @!p0 $0x2940, s5  }
0x84: {  	[spmem:s2] =	stream.indirect.scatter.add.f32 @!p0 [tilespmem:s9], [sflag:$0x8], $0x40, s7, s8, $0xb8;
	[tilespmem:$0x15220] =	vst v63  }
0x85: {  	s7 =	simm.s32 @!p0 $0x7  }
0x86: {  	_ =	swait.ge @!p0 [sflag:s7], $0x1400  }
0x87: {  	[sflag:s7] =	ssyncset.done @!p0 $0x0  }
0x88: {  	s5 =	sadd.s32 @!p0 $0x370, s5;
	[sflag:s7] =	ssyncadd.s32 @!p0 $0xFFFFEC00;
	s7 =	simm.s32 @!p0 $0x6220  }
0x89: {  	[tilespmem:s7], [sflag:$0x2] =	stream.indirect.gather @!p0 [hbm4b:s4+s8], $0x40, s5, s8, $0xb8;
	[tilespmem:$0x15220] =	vst v63  }
.Ltmp2:
0x8a: {  	_ = 	snop;
	(pc) =	sbr.rel @p0 .LBB2_4-.Ltmp2, $4  }
0x8b: {  	_ =	swait.ge [sflag:s0], $0x1400  }
0x8c: {  	[sflag:s0] =	ssyncset.done $0x0  }
0x8d: {  	s9 =	sadd.s32 $0x2990, s1;
	s5 =	sadd.s32 $0x29E0, s1;
	[sflag:s0] =	ssyncadd.s32 $0xFFFFEC00  }
0x8e: {  	[spmem:s2] =	stream.indirect.scatter.add.f32 [tilespmem:s20], [sflag:$0x9], $0x40, s9, s14, $0xb8;
	[tilespmem:$0x15220] =	vst v63  }
0x8f: {  	_ =	swait.ge [sflag:s19], $0x1400  }
0x90: {  	[sflag:s19] =	ssyncset.done $0x0  }
0x91: {  	s7 =	sadd.s32 $0x3C0, s1;
	[sflag:s19] =	ssyncadd.s32 $0xFFFFEC00  }
0x92: {  	[tilespmem:s18], [sflag:$0x3] =	stream.indirect.gather [hbm4b:s4+s14], $0x40, s7, s14, $0xb8;
	[tilespmem:$0x15220] =	vst v63  }
0x93: {  	_ =	swait.ge [sflag:s25], $0x1400  }
0x94: {  	[sflag:s25] =	ssyncset.done $0x0  }
0x95: {  	[sflag:s25] =	ssyncadd.s32 $0xFFFFEC00  }
0x96: {  	[spmem:s2] =	stream.indirect.scatter.add.f32 [tilespmem:s23], [sflag:$0xA], $0x40, s5, s14, $0xb8;
	[tilespmem:$0x15220] =	vst v63  }
.Ltmp3:
0x97: {  	_ = 	snop;
	(pc) =	sbr.rel .LBB2_2-.Ltmp3, $4  }
0x98: {  	_ =	swait.ge [sflag:s30], $0x1400  }
0x99: {  	[sflag:s30] =	ssyncset.done $0x0  }
0x9a: {  	s9 =	sadd.s32 $0x410, s1;
	s28 =	sadd.s32 $0x640, s28;
	[sflag:s30] =	ssyncadd.s32 $0xFFFFEC00  }
0x9b: {  	[tilespmem:s20], [sflag:$0x4] =	stream.indirect.gather [hbm4b:s4+s14], $0x40, s9, s14, $0xb8;
	[tilespmem:$0x15220] =	vst v63  }
.LBB2_5:
0x9c: {  	_ =	sfence.sel $0x180000  }
0x9d: {  	[bflag:$0x0] =	sbarrier.arrive $0xFFFF  }
0x9e: {  	_ =	strace $0x9000004A  }
0x9f: {  	s0 =	stileid.u32;
	[bflag:$0x2] =	sbarrier.arrive $0xFFFF  }
0xa0: {  	p0 =	sne.s32 s0, $0x0;
	s0 =	rddreg [dreg:$0x3]  }
0xa1: {  	s0 =	sadd.s32 @!p0 $0x100000, s0  }
0xa2: {  	[sflag:s0] =	ssyncadd.tile.s32 @!p0 $0x1;
	_ =	shalt  }
.Lfunc_end2:
_tile_overlayer_lowered:
.L_overlay_start_2:
0xa3: {  	(tag) =	ssettag $0x2  }
0xa4: {  	s0 =	rddreg [dreg:$0x0];
	s2 =	stileid.u32  }
0xa5: {  	s1 =	rddreg [dreg:$0x1];
	p0 =	sne.s32 s2, $0x0  }
0xa6: {  	s3 =	rddreg [dreg:$0x2];
	[bflag:$0x3] =	sbarrier.arrive $0xFFFF;
	s2 =	simm.s32 @!p0 $0x1C0B  }
0xa7: {  	[timem:s3], [sflag:s2] =	dma.local @!p0 [hbm:s0], s1  }
0xa8: {  	s0 =	simm.s32 @!p0 $0xB  }
0xa9: {  	_ =	swait.ge @!p0 [sflag:s0], s1  }
0xaa: {  	s1 =	ssub.s32 @!p0 $0x0, s1;
	[sflag:s0] =	ssyncset.done @!p0 $0x0  }
0xab: {  	[sflag:s0] =	ssyncadd.s32 @!p0 s1  }
0xac: {  	[bflag:$0x3] =	sbarrier.arrive $0xFFFF  }
0xad: {  	_ =	shalt  }

// kernel: kernel.16.cloned.1.call-start
scs
__scs_entry_jumppad:
0x0: {  	(pc) =	sbr.rel $0x88, $3  }
0x1: {  	(tag) =	ssettag $0x0;
	lr =	simm.s32 $0x1  }
0x2: {  	[smem:$0x3F8E] =	sst lr;
	_ =	strace $0xD0000000  }
0x3: {  	_ = 	snop  }
0x4: {  	_ = 	snop  }
0x5: {  	_ = 	snop  }
0x6: {  	_ = 	snop  }
0x7: {  	_ = 	snop  }
__scs_overlays_trampoline_lowered:
0x8: {  	[smem:$0x3F9D] =	sst s0  }
0x9: {  	[smem:$0x3F9E] =	sst s1  }
0xa: {  	[smem:$0x3F9F] =	sst s2  }
0xb: {  	[smem:$0x3FA0] =	sst s3  }
0xc: {  	[smem:$0x3FA1] =	sst s4  }
0xd: {  	[smem:$0x3FA2] =	sst s5  }
0xe: {  	[smem:$0x3FA3] =	sst s6  }
0xf: {  	[smem:$0x3FA4] =	sst s7  }
0x10: {  	[smem:$0x3FA5] =	sst s8  }
0x11: {  	[smem:$0x3FA6] =	sst s9;
	s0 =	simm.s32 @!p0 $0x0  }
0x12: {  	s1 =	sld [smem:$0x3F8C];
	s0 =	simm.s32 @p0 $0x1  }
0x13: {  	[smem:$0x3FA7] =	sst s0;
	s0 =	simm.s32 @!p1 $0x0  }
0x14: {  	s2 =	sld [smem:$0x3F8B];
	s0 =	simm.s32 @p1 $0x1  }
0x15: {  	[smem:$0x3FA8] =	sst s0;
	s0 =	simm.s32 @!p2 $0x0  }
0x16: {  	s3 =	sld [smem:$0x3FDB];
	s0 =	simm.s32 @p2 $0x1  }
0x17: {  	s4 =	simm.s32 $0x1BF5;
	[smem:$0x3FAA] =	sst s0  }
0x18: {  	s0 =	sld [smem:$0x3F8D];
	_ =	swait.ge [sflag:s4], $0x0  }
0x19: {  	s7 =	sld [smem:$0x3F8E]  }
0x1a: {  	s8 =	sadd.s32 $0xFFFFE003, lr  }
0x1b: {  	s9 =	sadd.s32 $0xFFFFFEF7, lr;
	s5 =	simm.s32 $0xFFFFFFFF;
	p2 =	slt.u32 s8, $0xFFFFF086  }
0x1c: {  	p1 =	slt.u32 s9, $0xF7A;
	s5 =	simm.s32 @!p2 $0x0  }
0x1d: {  	s5 =	simm.s32 @p1 $0x1;
	p0 =	seq.s32 s7, s2  }
0x1e: {  	s7 =	smul.u32 @!p0 $0xF7A, s2;
	p2 =	seq.s32 @!p0 s5, $0x0  }
0x1f: {  	s9 =	smul.u32 $0xF7A, s1;
	s8 =	simm.s32 @!p0 $0x1BF5;
	p2 =	por !p2, p0  }
0x20: {  	[sflag:s8] =	ssyncset.s32 @!p0 $0xFFFFF086;
	s6 =	sadd.s32 @!p0 s3, s7;
	s7 =	simm.s32 @!p0 $0x108  }
0x21: {  	s3 =	sadd.s32 s3, s9;
	s6 =	sadd.s32 @!p0 $0x88, s6;
	s7 =	simm.s32 @p2 $0x1082  }
0x22: {  	[simem:s7], [sflag:s8] =	dma.local @!p0 [hbm:s6], $0xF7A  }
0x23: {  	s9 =	sor.u32 $0xD0000000, s2;
	s6 =	simm.s32 $0x108;
	_ =	swait.ge @!p0 [sflag:s8], $0x0  }
0x24: {  	s3 =	sadd.s32 $0x88, s3;
	s6 =	simm.s32 @!p1 $0x1082;
	[sflag:s4] =	ssyncset.s32 $0xFFFFF086  }
0x25: {  	[simem:s6], [sflag:s4] =	dma.local [hbm:s3], $0xF7A  }
0x26: {  	[smem:$0x3F8E] =	sst s1;
	(tag) =	ssettag s2;
	_ =	strace s9  }
0x27: {  	s1 =	sld [smem:$0x3F9E]  }
0x28: {  	s2 =	sld [smem:$0x3F9F]  }
0x29: {  	s4 =	sld [smem:$0x3FA1]  }
0x2a: {  	p0 =	seq.s32 s5, $0x0;
	s5 =	sld [smem:$0x3FA2]  }
0x2b: {  	s6 =	sld [smem:$0x3FA3]  }
0x2c: {  	s7 =	sld [smem:$0x3FA4]  }
0x2d: {  	s3 =	simm.s32 $0x108;
	s8 =	sld [smem:$0x3FA5]  }
0x2e: {  	s3 =	simm.s32 @!p0 $0x1082;
	s9 =	sld [smem:$0x3FA6]  }
0x2f: {  	lr =	sadd.s32 s0, s3;
	s0 =	sld [smem:$0x3F9D]  }
0x30: {  	s3 =	sld [smem:$0x3FA0]  }
0x31: {  	[smem:$0x3FA9] =	sst s10  }
0x32: {  	s10 =	sld [smem:$0x3FA7];
	_ =	sdelay $0x3  }
0x33: {  	p0 =	seq.s32 s10, $0x1;
	s10 =	sld [smem:$0x3FA9];
	_ =	sdelay $0x3  }
0x34: {  	[smem:$0x3FA9] =	sst s10  }
0x35: {  	s10 =	sld [smem:$0x3FA8];
	_ =	sdelay $0x3  }
0x36: {  	p1 =	seq.s32 s10, $0x1;
	s10 =	sld [smem:$0x3FA9];
	_ =	sdelay $0x3  }
0x37: {  	[smem:$0x3FA9] =	sst s10  }
0x38: {  	s10 =	sld [smem:$0x3FAA]  }
0x39: {  	_ = 	snop;
	(pc) =	sbr.ind lr, $3  }
0x3a: {  	_ = 	snop  }
0x3b: {  	_ = 	snop  }
0x3c: {  	p2 =	seq.s32 s10, $0x1;
	s10 =	sld [smem:$0x3FA9]  }
0x3d: {  	_ =	shalt  }
0x3e: {  	_ =	shalt  }
0x3f: {  	_ =	shalt  }
0x40: {  	_ =	shalt  }
0x41: {  	_ =	shalt  }
0x42: {  	_ =	shalt  }
0x43: {  	_ =	shalt  }
0x44: {  	_ =	shalt  }
0x45: {  	_ =	shalt  }
0x46: {  	_ =	shalt  }
0x47: {  	_ =	shalt  }
0x48: {  	_ =	shalt  }
0x49: {  	_ =	shalt  }
0x4a: {  	_ =	shalt  }
0x4b: {  	_ =	shalt  }
0x4c: {  	_ =	shalt  }
0x4d: {  	_ =	shalt  }
0x4e: {  	_ =	shalt  }
0x4f: {  	_ =	shalt  }
0x50: {  	_ =	shalt  }
0x51: {  	_ =	shalt  }
0x52: {  	_ =	shalt  }
0x53: {  	_ =	shalt  }
0x54: {  	_ =	shalt  }
0x55: {  	_ =	shalt  }
0x56: {  	_ =	shalt  }
0x57: {  	_ =	shalt  }
0x58: {  	_ =	shalt  }
0x59: {  	_ =	shalt  }
0x5a: {  	_ =	shalt  }
0x5b: {  	_ =	shalt  }
0x5c: {  	_ =	shalt  }
0x5d: {  	_ =	shalt  }
0x5e: {  	_ =	shalt  }
0x5f: {  	_ =	shalt  }
0x60: {  	_ =	shalt  }
0x61: {  	_ =	shalt  }
0x62: {  	_ =	shalt  }
0x63: {  	_ =	shalt  }
0x64: {  	_ =	shalt  }
0x65: {  	_ =	shalt  }
0x66: {  	_ =	shalt  }
0x67: {  	_ =	shalt  }
0x68: {  	_ =	shalt  }
0x69: {  	_ =	shalt  }
0x6a: {  	_ =	shalt  }
0x6b: {  	_ =	shalt  }
0x6c: {  	_ =	shalt  }
0x6d: {  	_ =	shalt  }
0x6e: {  	_ =	shalt  }
0x6f: {  	_ =	shalt  }
0x70: {  	_ =	shalt  }
0x71: {  	_ =	shalt  }
0x72: {  	_ =	shalt  }
0x73: {  	_ =	shalt  }
0x74: {  	_ =	shalt  }
0x75: {  	_ =	shalt  }
0x76: {  	_ =	shalt  }
0x77: {  	_ =	shalt  }
0x78: {  	_ =	shalt  }
0x79: {  	_ =	shalt  }
0x7a: {  	_ =	shalt  }
0x7b: {  	_ =	shalt  }
0x7c: {  	_ =	shalt  }
0x7d: {  	_ =	shalt  }
0x7e: {  	_ =	shalt  }
0x7f: {  	_ =	shalt  }
0x80: {  	_ =	shalt  }
0x81: {  	_ =	shalt  }
0x82: {  	_ =	shalt  }
0x83: {  	_ =	shalt  }
0x84: {  	_ =	shalt  }
0x85: {  	_ =	shalt  }
0x86: {  	_ =	shalt  }
0x87: {  	_ =	shalt  }
.Lfunc_end0:
.L_simem_size_0:
called_computation.2_lowered:
.L_overlay_start_0:
0x88: {  	s2 =	sld [smem:$0x3FD9]  }
0x89: {  	s3 =	sld [smem:$0x3FFE];
	_ =	sdelay $0x1  }
0x8a: {  	s1 =	srdreg.scid  }
0x8b: {  	s0 =	sand.u32 $0x1, s1  }
0x8c: {  	s14 =	sshll.u32 s0, $0xA;
	s2 =	sadd.s32 s3, s2  }
0x8d: {  	s2 =	sadd.s32 s2, s14  }
0x8e: {  	[smem:$0x3FB5] =	sst s2  }
0x8f: {  	_ = 	snop  }
0x90: {  	s2 =	sld [smem:$0x3FD0];
	_ =	sdelay $0x2  }
0x91: {  	s15 =	simm.s32 $0xA;
	s4 =	simm.s32 $0x10  }
0x92: {  	[smem:s4], [sflag:s15] =	dma.local [hbm:s2], $0x1  }
0x93: {  	_ =	swait.eq [sflag:s15], $0x1  }
0x94: {  	[sflag:s15] =	ssyncset.done $0x0  }
0x95: {  	s16 =	sld [smem:$0x12];
	[sflag:s15] =	ssyncadd.s32 $0xFFFFFFFF  }
0x96: {  	s17 =	sld [smem:$0x13];
	(tm) =	ssettm $0x1  }
0x97: {  	s18 =	sld [smem:$0x3FFB];
	_ =	sdelay $0x3  }
0x98: {  	_ =	strace s18  }
0x99: {  	s4 =	sld [smem:$0x3FFC];
	_ =	sdelay $0x3  }
0x9a: {  	_ =	strace s4  }
0x9b: {  	s4 =	sld [smem:$0x3FFD];
	_ =	sdelay $0x3  }
0x9c: {  	_ =	strace s4  }
0x9d: {  	_ =	strace $0x8FFFFFFF  }
0x9e: {  	s19 =	sld [smem:$0x3FDB];
	_ =	sdelay $0x1  }
0x9f: {  	s5 =	simm.s32 $_scs_section_size  }
0xa0: {  	s6 =	simm.s32 $_size__tile_overlayer_lowered;
	s7 =	simm.s32 $_tile_overlayer_lowered  }
0xa1: {  	s22 =	simm.s32 $0x1BFF;
	s21 =	sshll.u32 s7, $0x1;
	s4 =	sadd.s32 s5, s19  }
0xa2: {  	s8 =	simm.s32 $0x0;
	s20 =	sshll.u32 s6, $0x1;
	s6 =	sadd.s32 s21, s4  }
0xa3: {  	[timem:s8], [sflag:s22] =	dma.local [hbm:s6], s20  }
0xa4: {  	_ =	swait.ge [sflag:s22], s20  }
0xa5: {  	s5 =	ssub.s32 $0x0, s20;
	[sflag:s22] =	ssyncset.done $0x0  }
0xa6: {  	[sflag:s22] =	ssyncadd.s32 s5;
	_ =	sdelay $0x1  }
0xa7: {  	s23 =	simm.s32 $0x1B8B  }
0xa8: {  	_ =	swait.ge [sflag:s23], $0x1  }
0xa9: {  	[sflag:s23] =	ssyncset.done $0x0  }
0xaa: {  	s25 =	simm.s32 $0x1B8E;
	s24 =	sld [smem:$0x3FFE];
	[sflag:s23] =	ssyncadd.s32 $0xFFFFFFFF  }
0xab: {  	s26 =	simm.s32 $execute0_lowered;
	[smem:$0x3FD2] =	sst s25  }
0xac: {  	s6 =	sshll.u32 s26, $0x1;
	_ =	strace $0x8000004C;
	[dreg:$0x1] =	wrdreg $0xFFFFFFFF  }
0xad: {  	s28 =	simm.s32 $_size_execute0_lowered;
	s4 =	sadd.s32 s4, s6;
	[dreg:$0x0] =	wrdreg $0x0  }
0xae: {  	s6 =	sshll.u32 s28, $0x1;
	[dreg:$0x2] =	wrdreg s4  }
0xaf: {  	[dreg:$0x3] =	wrdreg s6  }
0xb0: {  	[dreg:$0x4] =	wrdreg $0xC0  }
0xb1: {  	_ =	task [dreg:s8], $0x5FFFF  }
0xb2: {  	[dreg:$0x1] =	wrdreg $0xFFFFFFFF  }
0xb3: {  	[dreg:$0x0] =	wrdreg $0x60  }
0xb4: {  	[dreg:$0x2] =	wrdreg s16  }
0xb5: {  	[dreg:$0x3] =	wrdreg s24  }
0xb6: {  	[dreg:$0x4] =	wrdreg s17  }
0xb7: {  	[dreg:$0x5] =	wrdreg $0x80200  }
0xb8: {  	[dreg:$0x6] =	wrdreg $0x9  }
0xb9: {  	_ =	task.clear_ibuf [dreg:s8], $0x7FFFF;
	_ =	strace $0x9000004C  }
0xba: {  	s29 =	simm.s32 $0x9;
	_ =	strace $0x8000004E  }
0xbb: {  	_ =	swait.ge [sflag:s29], $0x1  }
0xbc: {  	[sflag:s29] =	ssyncadd.s32 $0xFFFFFFFF  }
0xbd: {  	_ =	strace $0x9000004E  }
0xbe: {  	_ =	sfence  }
0xbf: {  	s30 =	sld [smem:$0x0];
	_ =	sdelay $0x2  }
0xc0: {  	s31 =	sshll.u32 s1, $0xD;
	s1 =	sshrl.u32 s1, $0x2  }
0xc1: {  	s3 =	sand.u32 $0x4000, s31;
	s1 =	sadd.s32 s1, s30  }
0xc2: {  	s0 =	sor.u32 s3, s0;
	s1 =	sshll.u32 s1, $0x11  }
0xc3: {  	s0 =	sor.u32 s1, s0  }
0xc4: {  	s0 =	sadd.s32 $0x8F2B, s0  }
0xc5: {  	[sflag:s0] =	ssyncadd.remote.s32 $0x1  }
0xc6: {  	_ =	sfence.sel $0xFFFF  }
0xc7: {  	[dreg:$0x0] =	wrdreg $0xFFFFFFFF;
	(pc) =	sbr.abs _section_cstart, $3  }
0xc8: {  	[dreg:$0x1] =	wrdreg $0xFFFFFFFF  }
0xc9: {  	_ =	task.clear_ibuf [dreg:s8], $0x2FFFF;
	_ =	strace $0x9FFFFFFF  }
0xca: {  	(tm) =	ssettm $0x7FFFFFFF  }
0xcb: {  	_ =	shalt  }
tec
execute0_lowered:
.L_overlay_start_1:
0x0: {  	(tag) =	ssettag $0x1  }
0x1: {  	s0 =	rddreg [dreg:$0x0]  }
0x2: {  	s2 =	rddreg [dreg:$0x1]  }
0x3: {  	s1 =	srdreg.scid;
	s5 =	rddreg [dreg:$0x2]  }
0x4: {  	s12 =	stileid.u32;
	s3 =	rddreg [dreg:$0x3]  }
0x5: {  	s13 =	simm.s32 $0x2710;
	s14 =	simm.s32 $0x50;
	s15 =	simm.s32 $0x4E20  }
0x6: {  	s16 =	simm.s32 $0x5820;
	s18 =	simm.s32 $0x6220;
	s20 =	simm.s32 $0x6C20  }
0x7: {  	s21 =	simm.s32 $0x1;
	s29 =	simm.s32 $0x3;
	s31 =	simm.s32 $0x7  }
0x8: {  	s19 =	simm.s32 $0x8;
	s30 =	simm.s32 $0x9;
	s17 =	simm.s32 $0xA  }
0x9: {  	s22 =	simm.s32 $0x0;
	s1 =	sand.u32 $0x1, s1;
	s7 =	smul.u32 $0x5000, s12  }
0xa: {  	s25 =	sshll.u32 s12, $0x6;
	s4 =	sshll.u32 s1, $0x4;
	s9 =	ssub.s32 $0x2, s1  }
0xb: {  	s1 =	smul.u32 $0x50000, s1;
	s6 =	sor.u32 s12, s4;
	s4 =	simm.s32 $0x0  }
0xc: {  	s23 =	sshrl.u32 s7, $0x3;
	s24 =	sshrl.u32 s9, $0x1;
	s11 =	sadd.s32 s7, s3  }
0xd: {  	s12 =	simm.s32 $0xB;
	s6 =	smul.u32 $0x2710, s6;
	[smem:$0x7FF] =	sst s4  }
0xe: {  	s10 =	ssub.s32 s9, s24;
	s1 =	sadd.s32 s7, s1;
	s11 =	sshrl.u32 s11, $0x3  }
0xf: {  	s24 =	simm.s32 $0x2;
	_ =	strace $0x8000004D;
	s1 =	sshrl.u32 s1, $0x3  }
0x10: {  	s10 =	smax.u32 s10, $0x1;
	s6 =	sshrl.u32 s6, $0x3;
	s1 =	sadd.s32 s5, s1  }
.Ltmp0:
0x11: {  	s8 =	sadd.s32 s6, s2;
	s2 =	sadd.s32 s23, s2;
	(pc) =	sbr.rel .LBB2_1-.Ltmp0, $4  }
0x12: {  	s6 =	sor.u32 $0x1C0B, s25;
	[dreg:$0x8] =	wrdreg s1;
	s2 =	sadd.s32 $0x3EE00, s2  }
0x13: {  	s23 =	simm.s32 $0x7620;
	s26 =	sadd.s32 $0x4200, s8;
	[dreg:$0x5] =	wrdreg s2  }
0x14: {  	s1 =	simm.s32 $0x4;
	s28 =	sadd.s32 $0xDE40, s8;
	[dreg:$0x6] =	wrdreg s26  }
0x15: {  	s25 =	simm.s32 $0x5;
	[dreg:$0x7] =	wrdreg s28;
	s26 =	simm.s32 $0x6  }
.LBB2_4:
0x16: {  	_ =	swait.ge [sflag:s25], $0xA00  }
0x17: {  	[sflag:s25] =	ssyncset.done $0x0  }
0x18: {  	[sflag:s25] =	ssyncadd.s32 $0xFFFFF600  }
0x19: {  	[spmem:s3] =	stream.indirect.scatter.add.f32 [tilespmem:s23], [sflag:$0xA], $0x20, s5, s14, $0xb8;
	[tilespmem:$0xD020] =	vst v63  }
0x1a: {  	_ =	swait.ge [sflag:s26], $0xA00  }
0x1b: {  	[sflag:s26] =	ssyncset.done $0x0  }
0x1c: {  	[sflag:s26] =	ssyncadd.s32 $0xFFFFF600  }
0x1d: {  	_ =	swait.ge [sflag:s31], $0xA00  }
0x1e: {  	[sflag:s31] =	ssyncset.done $0x0  }
0x1f: {  	[sflag:s31] =	ssyncadd.s32 $0xFFFFF600  }
0x20: {  	_ =	swait.ge [sflag:s19], $0xA00  }
0x21: {  	[sflag:s19] =	ssyncset.done $0x0  }
0x22: {  	[sflag:s19] =	ssyncadd.s32 $0xFFFFF600  }
0x23: {  	_ =	swait.ge [sflag:s30], $0xA00  }
0x24: {  	[sflag:s30] =	ssyncset.done $0x0  }
0x25: {  	[sflag:s30] =	ssyncadd.s32 $0xFFFFF600  }
0x26: {  	_ =	swait.ge [sflag:s17], $0xA00  }
0x27: {  	[sflag:s17] =	ssyncset.done $0x0  }
0x28: {  	s22 =	sadd.s32 $0x1, s22;
	[sflag:s17] =	ssyncadd.s32 $0xFFFFF600  }
0x29: {  	p0 =	sne.s32 s22, s10;
	[bflag:$0x0] =	sbarrier.arrive $0xFFFF  }
.Ltmp1:
0x2a: {  	s2 =	rddreg [dreg:$0x8];
	(pc) =	sbr.rel @!p0 .LBB2_5-.Ltmp1, $4  }
0x2b: {  	[hbm:s2], [sflag:s6] =	dma.local [spmem:s11], $0xA00  }
0x2c: {  	_ =	swait.ge [sflag:s12], $0xA00  }
0x2d: {  	[sflag:s12] =	ssyncset.done $0x0  }
0x2e: {  	[sflag:s12] =	ssyncadd.s32 $0xFFFFF600  }
.LBB2_1:
0x2f: {  	s2 =	rddreg [dreg:$0x5]  }
0x30: {  	[spmem:s11], [sflag:s6] =	dma.local [hbm:s2], $0xA00  }
0x31: {  	_ =	swait.ge [sflag:s12], $0xA00  }
0x32: {  	[sflag:s12] =	ssyncset.done $0x0  }
0x33: {  	s9 =	rddreg [dreg:$0x6];
	[sflag:s12] =	ssyncadd.s32 $0xFFFFF600  }
0x34: {  	[tilespmem:s4], [sflag:$0xB] =	stream.linear.gather [hbm4b:s9+s4], $0x2710, $0x38;
	[tilespmem:$0xD020] =	vst v63  }
0x35: {  	_ =	swait.ge [sflag:s12], $0x2710  }
0x36: {  	[sflag:s12] =	ssyncset.done $0x0  }
0x37: {  	s5 =	rddreg [dreg:$0x7];
	[sflag:s12] =	ssyncadd.s32 $0xFFFFD8F0  }
0x38: {  	[tilespmem:s13], [sflag:$0xB] =	stream.linear.gather [hbm4b:s5+s4], $0x2710, $0x38;
	[tilespmem:$0xD020] =	vst v63  }
0x39: {  	_ =	swait.ge [sflag:s12], $0x2710  }
0x3a: {  	[sflag:s12] =	ssyncset.done $0x0  }
0x3b: {  	[sflag:s12] =	ssyncadd.s32 $0xFFFFD8F0  }
0x3c: {  	[bflag:$0x0] =	sbarrier.arrive $0xFFFF  }
0x3d: {  	[tilespmem:s15], [sflag:$0x1] =	stream.indirect.gather [hbm4b:s0+s14], $0x20, s4, s14, $0xb8;
	[tilespmem:$0xD020] =	vst v63  }
0x3e: {  	_ = 	snop  }
0x3f: {  	[tilespmem:s16], [sflag:$0x2] =	stream.indirect.gather [hbm4b:s0+s14], $0x20, s14, s14, $0xb8;
	[tilespmem:$0xD020] =	vst v63  }
0x40: {  	s7 =	simm.s32 $0xA0  }
0x41: {  	[tilespmem:s18], [sflag:$0x3] =	stream.indirect.gather [hbm4b:s0+s14], $0x20, s7, s14, $0xb8;
	[tilespmem:$0xD020] =	vst v63  }
0x42: {  	s8 =	simm.s32 $0xF0  }
0x43: {  	[tilespmem:s20], [sflag:$0x4] =	stream.indirect.gather [hbm4b:s0+s14], $0x20, s8, s14, $0xb8;
	[tilespmem:$0xD020] =	vst v63  }
0x44: {  	_ =	swait.ge [sflag:s21], $0xA00  }
0x45: {  	[sflag:s21] =	ssyncset.done $0x0  }
0x46: {  	[sflag:s21] =	ssyncadd.s32 $0xFFFFF600  }
0x47: {  	[spmem:s3] =	stream.indirect.scatter.add.f32 [tilespmem:s15], [sflag:$0x6], $0x20, s13, s14, $0xb8;
	[tilespmem:$0xD020] =	vst v63  }
0x48: {  	s9 =	simm.s32 $0x140  }
0x49: {  	[tilespmem:s23], [sflag:$0x5] =	stream.indirect.gather [hbm4b:s0+s14], $0x20, s9, s14, $0xb8;
	[tilespmem:$0xD020] =	vst v63  }
0x4a: {  	_ =	swait.ge [sflag:s24], $0xA00  }
0x4b: {  	[sflag:s24] =	ssyncset.done $0x0  }
0x4c: {  	s5 =	simm.s32 $0x2760;
	[sflag:s24] =	ssyncadd.s32 $0xFFFFF600  }
0x4d: {  	[spmem:s3] =	stream.indirect.scatter.add.f32 [tilespmem:s16], [sflag:$0x7], $0x20, s5, s14, $0xb8;
	[tilespmem:$0xD020] =	vst v63  }
0x4e: {  	_ =	swait.ge [sflag:s26], $0xA00  }
0x4f: {  	[sflag:s26] =	ssyncset.done $0x0  }
0x50: {  	s7 =	simm.s32 $0x190;
	[sflag:s26] =	ssyncadd.s32 $0xFFFFF600  }
0x51: {  	[tilespmem:s15], [sflag:$0x1] =	stream.indirect.gather [hbm4b:s0+s14], $0x20, s7, s14, $0xb8;
	[tilespmem:$0xD020] =	vst v63  }
0x52: {  	_ =	swait.ge [sflag:s29], $0xA00  }
0x53: {  	[sflag:s29] =	ssyncset.done $0x0  }
0x54: {  	s8 =	simm.s32 $0x27B0;
	[sflag:s29] =	ssyncadd.s32 $0xFFFFF600  }
0x55: {  	[spmem:s3] =	stream.indirect.scatter.add.f32 [tilespmem:s18], [sflag:$0x8], $0x20, s8, s14, $0xb8;
	[tilespmem:$0xD020] =	vst v63  }
0x56: {  	_ =	swait.ge [sflag:s31], $0xA00  }
0x57: {  	[sflag:s31] =	ssyncset.done $0x0  }
0x58: {  	s9 =	simm.s32 $0x1E0;
	[sflag:s31] =	ssyncadd.s32 $0xFFFFF600  }
0x59: {  	[tilespmem:s16], [sflag:$0x2] =	stream.indirect.gather [hbm4b:s0+s14], $0x20, s9, s14, $0xb8;
	[tilespmem:$0xD020] =	vst v63  }
0x5a: {  	_ =	swait.ge [sflag:s1], $0xA00  }
0x5b: {  	[sflag:s1] =	ssyncset.done $0x0  }
0x5c: {  	s5 =	simm.s32 $0x2800;
	[sflag:s1] =	ssyncadd.s32 $0xFFFFF600  }
0x5d: {  	[spmem:s3] =	stream.indirect.scatter.add.f32 [tilespmem:s20], [sflag:$0x9], $0x20, s5, s14, $0xb8;
	[tilespmem:$0xD020] =	vst v63  }
0x5e: {  	_ =	swait.ge [sflag:s19], $0xA00  }
0x5f: {  	[sflag:s19] =	ssyncset.done $0x0  }
0x60: {  	s7 =	simm.s32 $0x230;
	[sflag:s19] =	ssyncadd.s32 $0xFFFFF600  }
0x61: {  	[tilespmem:s18], [sflag:$0x3] =	stream.indirect.gather [hbm4b:s0+s14], $0x20, s7, s14, $0xb8;
	[tilespmem:$0xD020] =	vst v63  }
0x62: {  	_ =	swait.ge [sflag:s25], $0xA00  }
0x63: {  	[sflag:s25] =	ssyncset.done $0x0  }
0x64: {  	s8 =	simm.s32 $0x2850;
	[sflag:s25] =	ssyncadd.s32 $0xFFFFF600  }
0x65: {  	[spmem:s3] =	stream.indirect.scatter.add.f32 [tilespmem:s23], [sflag:$0xA], $0x20, s8, s14, $0xb8;
	[tilespmem:$0xD020] =	vst v63  }
0x66: {  	_ =	swait.ge [sflag:s30], $0xA00  }
0x67: {  	[sflag:s30] =	ssyncset.done $0x0  }
0x68: {  	s28 =	simm.s32 $0x0;
	s9 =	simm.s32 $0x280;
	[sflag:s30] =	ssyncadd.s32 $0xFFFFF600  }
0x69: {  	[tilespmem:s20], [sflag:$0x4] =	stream.indirect.gather [hbm4b:s0+s14], $0x20, s9, s14, $0xb8;
	[tilespmem:$0xD020] =	vst v63  }
.LBB2_2:
0x6a: {  	_ =	swait.ge [sflag:s21], $0xA00  }
0x6b: {  	s2 =	sshra.s32 s28, $0x2;
	[sflag:s21] =	ssyncset.done $0x0  }
0x6c: {  	s5 =	sadd.s32 $0x28A0, s2;
	[sflag:s21] =	ssyncadd.s32 $0xFFFFF600  }
0x6d: {  	[spmem:s3] =	stream.indirect.scatter.add.f32 [tilespmem:s15], [sflag:$0x6], $0x20, s5, s14, $0xb8;
	[tilespmem:$0xD020] =	vst v63  }
0x6e: {  	_ =	swait.ge [sflag:s17], $0xA00  }
0x6f: {  	[sflag:s17] =	ssyncset.done $0x0  }
0x70: {  	s7 =	sadd.s32 $0x2D0, s2;
	[sflag:s17] =	ssyncadd.s32 $0xFFFFF600  }
0x71: {  	[tilespmem:s23], [sflag:$0x5] =	stream.indirect.gather [hbm4b:s0+s14], $0x20, s7, s14, $0xb8;
	[tilespmem:$0xD020] =	vst v63  }
0x72: {  	_ =	swait.ge [sflag:s24], $0xA00  }
0x73: {  	p0 =	seq.s32 s28, $0x8FC0;
	[sflag:s24] =	ssyncset.done $0x0  }
0x74: {  	s8 =	sadd.s32 $0x28F0, s2;
	s5 =	simm.s32 @p0 $0x3;
	[sflag:s24] =	ssyncadd.s32 $0xFFFFF600  }
0x75: {  	[spmem:s3] =	stream.indirect.scatter.add.f32 [tilespmem:s16], [sflag:$0x7], $0x20, s8, s14, $0xb8;
	[tilespmem:$0xD020] =	vst v63  }
0x76: {  	_ =	swait.ge @p0 [sflag:s5], $0xA00  }
0x77: {  	[sflag:s5] =	ssyncset.done @p0 $0x0  }
0x78: {  	[sflag:s5] =	ssyncadd.s32 @p0 $0xFFFFF600;
	s5 =	sshra.s32 @p0 s28, $0x2  }
0x79: {  	s7 =	simm.s32 @p0 $0x50;
	s8 =	simm.s32 @p0 $0x6220;
	s5 =	sadd.s32 @p0 $0x2940, s5  }
0x7a: {  	[spmem:s3] =	stream.indirect.scatter.add.f32 @p0 [tilespmem:s8], [sflag:$0x8], $0x20, s5, s7, $0xb8;
	[tilespmem:$0xD020] =	vst v63  }
0x7b: {  	s5 =	simm.s32 @!p0 $0x6  }
0x7c: {  	_ =	swait.ge @!p0 [sflag:s5], $0xA00  }
0x7d: {  	[sflag:s5] =	ssyncset.done @!p0 $0x0  }
0x7e: {  	[sflag:s5] =	ssyncadd.s32 @!p0 $0xFFFFF600;
	s5 =	sshra.s32 @!p0 s28, $0x2  }
0x7f: {  	s9 =	simm.s32 @!p0 $0x4E20;
	s8 =	simm.s32 @!p0 $0x50;
	s7 =	sadd.s32 @!p0 $0x320, s5  }
0x80: {  	[tilespmem:s9], [sflag:$0x1] =	stream.indirect.gather @!p0 [hbm4b:s0+s8], $0x20, s7, s8, $0xb8;
	[tilespmem:$0xD020] =	vst v63  }
0x81: {  	s7 =	simm.s32 @!p0 $0x3  }
0x82: {  	_ =	swait.ge @!p0 [sflag:s7], $0xA00  }
0x83: {  	[sflag:s7] =	ssyncset.done @!p0 $0x0  }
0x84: {  	s9 =	simm.s32 @!p0 $0x6220;
	[sflag:s7] =	ssyncadd.s32 @!p0 $0xFFFFF600;
	s7 =	sadd.s32 @!p0 $0x2940, s5  }
0x85: {  	[spmem:s3] =	stream.indirect.scatter.add.f32 @!p0 [tilespmem:s9], [sflag:$0x8], $0x20, s7, s8, $0xb8;
	[tilespmem:$0xD020] =	vst v63  }
0x86: {  	s7 =	simm.s32 @!p0 $0x7  }
0x87: {  	_ =	swait.ge @!p0 [sflag:s7], $0xA00  }
0x88: {  	[sflag:s7] =	ssyncset.done @!p0 $0x0  }
0x89: {  	s5 =	sadd.s32 @!p0 $0x370, s5;
	[sflag:s7] =	ssyncadd.s32 @!p0 $0xFFFFF600;
	s7 =	simm.s32 @!p0 $0x5820  }
0x8a: {  	[tilespmem:s7], [sflag:$0x2] =	stream.indirect.gather @!p0 [hbm4b:s0+s8], $0x20, s5, s8, $0xb8;
	[tilespmem:$0xD020] =	vst v63  }
.Ltmp2:
0x8b: {  	_ = 	snop;
	(pc) =	sbr.rel @p0 .LBB2_4-.Ltmp2, $4  }
0x8c: {  	_ =	swait.ge [sflag:s1], $0xA00  }
0x8d: {  	[sflag:s1] =	ssyncset.done $0x0  }
0x8e: {  	s9 =	sadd.s32 $0x2990, s2;
	s5 =	sadd.s32 $0x29E0, s2;
	[sflag:s1] =	ssyncadd.s32 $0xFFFFF600  }
0x8f: {  	[spmem:s3] =	stream.indirect.scatter.add.f32 [tilespmem:s20], [sflag:$0x9], $0x20, s9, s14, $0xb8;
	[tilespmem:$0xD020] =	vst v63  }
0x90: {  	_ =	swait.ge [sflag:s19], $0xA00  }
0x91: {  	[sflag:s19] =	ssyncset.done $0x0  }
0x92: {  	s7 =	sadd.s32 $0x3C0, s2;
	[sflag:s19] =	ssyncadd.s32 $0xFFFFF600  }
0x93: {  	[tilespmem:s18], [sflag:$0x3] =	stream.indirect.gather [hbm4b:s0+s14], $0x20, s7, s14, $0xb8;
	[tilespmem:$0xD020] =	vst v63  }
0x94: {  	_ =	swait.ge [sflag:s25], $0xA00  }
0x95: {  	[sflag:s25] =	ssyncset.done $0x0  }
0x96: {  	[sflag:s25] =	ssyncadd.s32 $0xFFFFF600  }
0x97: {  	[spmem:s3] =	stream.indirect.scatter.add.f32 [tilespmem:s23], [sflag:$0xA], $0x20, s5, s14, $0xb8;
	[tilespmem:$0xD020] =	vst v63  }
.Ltmp3:
0x98: {  	_ = 	snop;
	(pc) =	sbr.rel .LBB2_2-.Ltmp3, $4  }
0x99: {  	_ =	swait.ge [sflag:s30], $0xA00  }
0x9a: {  	[sflag:s30] =	ssyncset.done $0x0  }
0x9b: {  	s9 =	sadd.s32 $0x410, s2;
	s28 =	sadd.s32 $0x640, s28;
	[sflag:s30] =	ssyncadd.s32 $0xFFFFF600  }
0x9c: {  	[tilespmem:s20], [sflag:$0x4] =	stream.indirect.gather [hbm4b:s0+s14], $0x20, s9, s14, $0xb8;
	[tilespmem:$0xD020] =	vst v63  }
.LBB2_5:
0x9d: {  	_ =	sfence.sel $0x180000  }
0x9e: {  	[bflag:$0x0] =	sbarrier.arrive $0xFFFF  }
0x9f: {  	_ =	strace $0x9000004D  }
0xa0: {  	s0 =	stileid.u32;
	[bflag:$0x2] =	sbarrier.arrive $0xFFFF  }
0xa1: {  	p0 =	sne.s32 s0, $0x0;
	s0 =	rddreg [dreg:$0x4]  }
0xa2: {  	s0 =	sadd.s32 @!p0 $0x100000, s0  }
0xa3: {  	[sflag:s0] =	ssyncadd.tile.s32 @!p0 $0x1;
	_ =	shalt  }
.Lfunc_end2:
_tile_overlayer_lowered:
.L_overlay_start_2:
0xa4: {  	(tag) =	ssettag $0x2  }
0xa5: {  	s0 =	rddreg [dreg:$0x0];
	s2 =	stileid.u32  }
0xa6: {  	s1 =	rddreg [dreg:$0x1];
	p0 =	sne.s32 s2, $0x0  }
0xa7: {  	s3 =	rddreg [dreg:$0x2];
	[bflag:$0x3] =	sbarrier.arrive $0xFFFF;
	s2 =	simm.s32 @!p0 $0x1C0B  }
0xa8: {  	[timem:s3], [sflag:s2] =	dma.local @!p0 [hbm:s0], s1  }
0xa9: {  	s0 =	simm.s32 @!p0 $0xB  }
0xaa: {  	_ =	swait.ge @!p0 [sflag:s0], s1  }
0xab: {  	s1 =	ssub.s32 @!p0 $0x0, s1;
	[sflag:s0] =	ssyncset.done @!p0 $0x0  }
0xac: {  	[sflag:s0] =	ssyncadd.s32 @!p0 s1  }
0xad: {  	[bflag:$0x3] =	sbarrier.arrive $0xFFFF  }
0xae: {  	_ =	shalt  }

// kernel: kernel.19.cloned.1.call-start
scs
__scs_entry_jumppad:
0x0: {  	(pc) =	sbr.rel $0x88, $3  }
0x1: {  	(tag) =	ssettag $0x0;
	lr =	simm.s32 $0x1  }
0x2: {  	[smem:$0x3F8E] =	sst lr;
	_ =	strace $0xD0000000  }
0x3: {  	_ = 	snop  }
0x4: {  	_ = 	snop  }
0x5: {  	_ = 	snop  }
0x6: {  	_ = 	snop  }
0x7: {  	_ = 	snop  }
__scs_overlays_trampoline_lowered:
0x8: {  	[smem:$0x3F9D] =	sst s0  }
0x9: {  	[smem:$0x3F9E] =	sst s1  }
0xa: {  	[smem:$0x3F9F] =	sst s2  }
0xb: {  	[smem:$0x3FA0] =	sst s3  }
0xc: {  	[smem:$0x3FA1] =	sst s4  }
0xd: {  	[smem:$0x3FA2] =	sst s5  }
0xe: {  	[smem:$0x3FA3] =	sst s6  }
0xf: {  	[smem:$0x3FA4] =	sst s7  }
0x10: {  	[smem:$0x3FA5] =	sst s8  }
0x11: {  	[smem:$0x3FA6] =	sst s9;
	s0 =	simm.s32 @!p0 $0x0  }
0x12: {  	s1 =	sld [smem:$0x3F8C];
	s0 =	simm.s32 @p0 $0x1  }
0x13: {  	[smem:$0x3FA7] =	sst s0;
	s0 =	simm.s32 @!p1 $0x0  }
0x14: {  	s2 =	sld [smem:$0x3F8B];
	s0 =	simm.s32 @p1 $0x1  }
0x15: {  	[smem:$0x3FA8] =	sst s0;
	s0 =	simm.s32 @!p2 $0x0  }
0x16: {  	s3 =	sld [smem:$0x3FDB];
	s0 =	simm.s32 @p2 $0x1  }
0x17: {  	s4 =	simm.s32 $0x1BF5;
	[smem:$0x3FAA] =	sst s0  }
0x18: {  	s0 =	sld [smem:$0x3F8D];
	_ =	swait.ge [sflag:s4], $0x0  }
0x19: {  	s7 =	sld [smem:$0x3F8E]  }
0x1a: {  	s8 =	sadd.s32 $0xFFFFE003, lr  }
0x1b: {  	s9 =	sadd.s32 $0xFFFFFEF7, lr;
	s5 =	simm.s32 $0xFFFFFFFF;
	p2 =	slt.u32 s8, $0xFFFFF086  }
0x1c: {  	p1 =	slt.u32 s9, $0xF7A;
	s5 =	simm.s32 @!p2 $0x0  }
0x1d: {  	s5 =	simm.s32 @p1 $0x1;
	p0 =	seq.s32 s7, s2  }
0x1e: {  	s7 =	smul.u32 @!p0 $0xF7A, s2;
	p2 =	seq.s32 @!p0 s5, $0x0  }
0x1f: {  	s9 =	smul.u32 $0xF7A, s1;
	s8 =	simm.s32 @!p0 $0x1BF5;
	p2 =	por !p2, p0  }
0x20: {  	[sflag:s8] =	ssyncset.s32 @!p0 $0xFFFFF086;
	s6 =	sadd.s32 @!p0 s3, s7;
	s7 =	simm.s32 @!p0 $0x108  }
0x21: {  	s3 =	sadd.s32 s3, s9;
	s6 =	sadd.s32 @!p0 $0x88, s6;
	s7 =	simm.s32 @p2 $0x1082  }
0x22: {  	[simem:s7], [sflag:s8] =	dma.local @!p0 [hbm:s6], $0xF7A  }
0x23: {  	s9 =	sor.u32 $0xD0000000, s2;
	s6 =	simm.s32 $0x108;
	_ =	swait.ge @!p0 [sflag:s8], $0x0  }
0x24: {  	s3 =	sadd.s32 $0x88, s3;
	s6 =	simm.s32 @!p1 $0x1082;
	[sflag:s4] =	ssyncset.s32 $0xFFFFF086  }
0x25: {  	[simem:s6], [sflag:s4] =	dma.local [hbm:s3], $0xF7A  }
0x26: {  	[smem:$0x3F8E] =	sst s1;
	(tag) =	ssettag s2;
	_ =	strace s9  }
0x27: {  	s1 =	sld [smem:$0x3F9E]  }
0x28: {  	s2 =	sld [smem:$0x3F9F]  }
0x29: {  	s4 =	sld [smem:$0x3FA1]  }
0x2a: {  	p0 =	seq.s32 s5, $0x0;
	s5 =	sld [smem:$0x3FA2]  }
0x2b: {  	s6 =	sld [smem:$0x3FA3]  }
0x2c: {  	s7 =	sld [smem:$0x3FA4]  }
0x2d: {  	s3 =	simm.s32 $0x108;
	s8 =	sld [smem:$0x3FA5]  }
0x2e: {  	s3 =	simm.s32 @!p0 $0x1082;
	s9 =	sld [smem:$0x3FA6]  }
0x2f: {  	lr =	sadd.s32 s0, s3;
	s0 =	sld [smem:$0x3F9D]  }
0x30: {  	s3 =	sld [smem:$0x3FA0]  }
0x31: {  	[smem:$0x3FA9] =	sst s10  }
0x32: {  	s10 =	sld [smem:$0x3FA7];
	_ =	sdelay $0x3  }
0x33: {  	p0 =	seq.s32 s10, $0x1;
	s10 =	sld [smem:$0x3FA9];
	_ =	sdelay $0x3  }
0x34: {  	[smem:$0x3FA9] =	sst s10  }
0x35: {  	s10 =	sld [smem:$0x3FA8];
	_ =	sdelay $0x3  }
0x36: {  	p1 =	seq.s32 s10, $0x1;
	s10 =	sld [smem:$0x3FA9];
	_ =	sdelay $0x3  }
0x37: {  	[smem:$0x3FA9] =	sst s10  }
0x38: {  	s10 =	sld [smem:$0x3FAA]  }
0x39: {  	_ = 	snop;
	(pc) =	sbr.ind lr, $3  }
0x3a: {  	_ = 	snop  }
0x3b: {  	_ = 	snop  }
0x3c: {  	p2 =	seq.s32 s10, $0x1;
	s10 =	sld [smem:$0x3FA9]  }
0x3d: {  	_ =	shalt  }
0x3e: {  	_ =	shalt  }
0x3f: {  	_ =	shalt  }
0x40: {  	_ =	shalt  }
0x41: {  	_ =	shalt  }
0x42: {  	_ =	shalt  }
0x43: {  	_ =	shalt  }
0x44: {  	_ =	shalt  }
0x45: {  	_ =	shalt  }
0x46: {  	_ =	shalt  }
0x47: {  	_ =	shalt  }
0x48: {  	_ =	shalt  }
0x49: {  	_ =	shalt  }
0x4a: {  	_ =	shalt  }
0x4b: {  	_ =	shalt  }
0x4c: {  	_ =	shalt  }
0x4d: {  	_ =	shalt  }
0x4e: {  	_ =	shalt  }
0x4f: {  	_ =	shalt  }
0x50: {  	_ =	shalt  }
0x51: {  	_ =	shalt  }
0x52: {  	_ =	shalt  }
0x53: {  	_ =	shalt  }
0x54: {  	_ =	shalt  }
0x55: {  	_ =	shalt  }
0x56: {  	_ =	shalt  }
0x57: {  	_ =	shalt  }
0x58: {  	_ =	shalt  }
0x59: {  	_ =	shalt  }
0x5a: {  	_ =	shalt  }
0x5b: {  	_ =	shalt  }
0x5c: {  	_ =	shalt  }
0x5d: {  	_ =	shalt  }
0x5e: {  	_ =	shalt  }
0x5f: {  	_ =	shalt  }
0x60: {  	_ =	shalt  }
0x61: {  	_ =	shalt  }
0x62: {  	_ =	shalt  }
0x63: {  	_ =	shalt  }
0x64: {  	_ =	shalt  }
0x65: {  	_ =	shalt  }
0x66: {  	_ =	shalt  }
0x67: {  	_ =	shalt  }
0x68: {  	_ =	shalt  }
0x69: {  	_ =	shalt  }
0x6a: {  	_ =	shalt  }
0x6b: {  	_ =	shalt  }
0x6c: {  	_ =	shalt  }
0x6d: {  	_ =	shalt  }
0x6e: {  	_ =	shalt  }
0x6f: {  	_ =	shalt  }
0x70: {  	_ =	shalt  }
0x71: {  	_ =	shalt  }
0x72: {  	_ =	shalt  }
0x73: {  	_ =	shalt  }
0x74: {  	_ =	shalt  }
0x75: {  	_ =	shalt  }
0x76: {  	_ =	shalt  }
0x77: {  	_ =	shalt  }
0x78: {  	_ =	shalt  }
0x79: {  	_ =	shalt  }
0x7a: {  	_ =	shalt  }
0x7b: {  	_ =	shalt  }
0x7c: {  	_ =	shalt  }
0x7d: {  	_ =	shalt  }
0x7e: {  	_ =	shalt  }
0x7f: {  	_ =	shalt  }
0x80: {  	_ =	shalt  }
0x81: {  	_ =	shalt  }
0x82: {  	_ =	shalt  }
0x83: {  	_ =	shalt  }
0x84: {  	_ =	shalt  }
0x85: {  	_ =	shalt  }
0x86: {  	_ =	shalt  }
0x87: {  	_ =	shalt  }
.Lfunc_end0:
.L_simem_size_0:
called_computation.3_lowered:
.L_overlay_start_0:
0x88: {  	s2 =	sld [smem:$0x3FD9]  }
0x89: {  	s3 =	sld [smem:$0x3FFE];
	_ =	sdelay $0x1  }
0x8a: {  	s1 =	srdreg.scid  }
0x8b: {  	s0 =	sand.u32 $0x1, s1  }
0x8c: {  	s14 =	sshll.u32 s0, $0xA;
	s2 =	sadd.s32 s3, s2  }
0x8d: {  	s2 =	sadd.s32 s2, s14  }
0x8e: {  	[smem:$0x3FB5] =	sst s2  }
0x8f: {  	_ = 	snop  }
0x90: {  	s2 =	sld [smem:$0x3FD0];
	_ =	sdelay $0x2  }
0x91: {  	s15 =	simm.s32 $0xA;
	s4 =	simm.s32 $0x10  }
0x92: {  	[smem:s4], [sflag:s15] =	dma.local [hbm:s2], $0x1  }
0x93: {  	_ =	swait.eq [sflag:s15], $0x1  }
0x94: {  	[sflag:s15] =	ssyncset.done $0x0  }
0x95: {  	s16 =	sld [smem:$0x12];
	[sflag:s15] =	ssyncadd.s32 $0xFFFFFFFF  }
0x96: {  	s17 =	sld [smem:$0x13];
	(tm) =	ssettm $0x1  }
0x97: {  	s18 =	sld [smem:$0x3FFB];
	_ =	sdelay $0x3  }
0x98: {  	_ =	strace s18  }
0x99: {  	s4 =	sld [smem:$0x3FFC];
	_ =	sdelay $0x3  }
0x9a: {  	_ =	strace s4  }
0x9b: {  	s4 =	sld [smem:$0x3FFD];
	_ =	sdelay $0x3  }
0x9c: {  	_ =	strace s4  }
0x9d: {  	_ =	strace $0x8FFFFFFF  }
0x9e: {  	s19 =	sld [smem:$0x3FDB];
	_ =	sdelay $0x1  }
0x9f: {  	s5 =	simm.s32 $_scs_section_size  }
0xa0: {  	s6 =	simm.s32 $_size__tile_overlayer_lowered;
	s7 =	simm.s32 $_tile_overlayer_lowered  }
0xa1: {  	s22 =	simm.s32 $0x1BFF;
	s21 =	sshll.u32 s7, $0x1;
	s4 =	sadd.s32 s5, s19  }
0xa2: {  	s8 =	simm.s32 $0x0;
	s20 =	sshll.u32 s6, $0x1;
	s6 =	sadd.s32 s21, s4  }
0xa3: {  	[timem:s8], [sflag:s22] =	dma.local [hbm:s6], s20  }
0xa4: {  	_ =	swait.ge [sflag:s22], s20  }
0xa5: {  	s5 =	ssub.s32 $0x0, s20;
	[sflag:s22] =	ssyncset.done $0x0  }
0xa6: {  	[sflag:s22] =	ssyncadd.s32 s5;
	_ =	sdelay $0x1  }
0xa7: {  	s23 =	simm.s32 $0x1B8B  }
0xa8: {  	_ =	swait.ge [sflag:s23], $0x1  }
0xa9: {  	[sflag:s23] =	ssyncset.done $0x0  }
0xaa: {  	s25 =	simm.s32 $0x1B8E;
	s24 =	sld [smem:$0x3FFE];
	[sflag:s23] =	ssyncadd.s32 $0xFFFFFFFF  }
0xab: {  	s26 =	simm.s32 $execute0_lowered;
	[smem:$0x3FD2] =	sst s25  }
0xac: {  	s6 =	sshll.u32 s26, $0x1;
	_ =	strace $0x8000004F;
	[dreg:$0x1] =	wrdreg $0xFFFFFFFF  }
0xad: {  	s28 =	simm.s32 $_size_execute0_lowered;
	s4 =	sadd.s32 s4, s6;
	[dreg:$0x0] =	wrdreg $0x0  }
0xae: {  	s6 =	sshll.u32 s28, $0x1;
	[dreg:$0x2] =	wrdreg s4  }
0xaf: {  	[dreg:$0x3] =	wrdreg s6  }
0xb0: {  	[dreg:$0x4] =	wrdreg $0xC0  }
0xb1: {  	_ =	task [dreg:s8], $0x5FFFF  }
0xb2: {  	[dreg:$0x1] =	wrdreg $0xFFFFFFFF  }
0xb3: {  	[dreg:$0x0] =	wrdreg $0x60  }
0xb4: {  	[dreg:$0x2] =	wrdreg s16  }
0xb5: {  	[dreg:$0x3] =	wrdreg s24  }
0xb6: {  	[dreg:$0x4] =	wrdreg s17  }
0xb7: {  	[dreg:$0x5] =	wrdreg $0x80200  }
0xb8: {  	[dreg:$0x6] =	wrdreg $0x9  }
0xb9: {  	_ =	task.clear_ibuf [dreg:s8], $0x7FFFF;
	_ =	strace $0x9000004F  }
0xba: {  	s29 =	simm.s32 $0x9;
	_ =	strace $0x80000051  }
0xbb: {  	_ =	swait.ge [sflag:s29], $0x1  }
0xbc: {  	[sflag:s29] =	ssyncadd.s32 $0xFFFFFFFF  }
0xbd: {  	_ =	strace $0x90000051  }
0xbe: {  	_ =	sfence  }
0xbf: {  	s30 =	sld [smem:$0x0];
	_ =	sdelay $0x2  }
0xc0: {  	s31 =	sshll.u32 s1, $0xD;
	s1 =	sshrl.u32 s1, $0x2  }
0xc1: {  	s3 =	sand.u32 $0x4000, s31;
	s1 =	sadd.s32 s1, s30  }
0xc2: {  	s0 =	sor.u32 s3, s0;
	s1 =	sshll.u32 s1, $0x11  }
0xc3: {  	s0 =	sor.u32 s1, s0  }
0xc4: {  	s0 =	sadd.s32 $0x8F2B, s0  }
0xc5: {  	[sflag:s0] =	ssyncadd.remote.s32 $0x1  }
0xc6: {  	_ =	sfence.sel $0xFFFF  }
0xc7: {  	[dreg:$0x0] =	wrdreg $0xFFFFFFFF;
	(pc) =	sbr.abs _section_cstart, $3  }
0xc8: {  	[dreg:$0x1] =	wrdreg $0xFFFFFFFF  }
0xc9: {  	_ =	task.clear_ibuf [dreg:s8], $0x2FFFF;
	_ =	strace $0x9FFFFFFF  }
0xca: {  	(tm) =	ssettm $0x7FFFFFFF  }
0xcb: {  	_ =	shalt  }
tec
execute0_lowered:
.L_overlay_start_1:
0x0: {  	(tag) =	ssettag $0x1  }
0x1: {  	s0 =	rddreg [dreg:$0x0]  }
0x2: {  	s2 =	rddreg [dreg:$0x1]  }
0x3: {  	s1 =	srdreg.scid;
	s5 =	rddreg [dreg:$0x2]  }
0x4: {  	s12 =	stileid.u32;
	s3 =	rddreg [dreg:$0x3]  }
0x5: {  	s13 =	simm.s32 $0x2710;
	s14 =	simm.s32 $0x50;
	s15 =	simm.s32 $0x4E20  }
0x6: {  	s16 =	simm.s32 $0x5820;
	s18 =	simm.s32 $0x6220;
	s20 =	simm.s32 $0x6C20  }
0x7: {  	s21 =	simm.s32 $0x1;
	s29 =	simm.s32 $0x3;
	s31 =	simm.s32 $0x7  }
0x8: {  	s19 =	simm.s32 $0x8;
	s30 =	simm.s32 $0x9;
	s17 =	simm.s32 $0xA  }
0x9: {  	s22 =	simm.s32 $0x0;
	s1 =	sand.u32 $0x1, s1;
	s7 =	smul.u32 $0x5000, s12  }
0xa: {  	s25 =	sshll.u32 s12, $0x6;
	s4 =	sshll.u32 s1, $0x4;
	s9 =	ssub.s32 $0x2, s1  }
0xb: {  	s1 =	smul.u32 $0x50000, s1;
	s6 =	sor.u32 s12, s4;
	s4 =	simm.s32 $0x0  }
0xc: {  	s23 =	sshrl.u32 s7, $0x3;
	s24 =	sshrl.u32 s9, $0x1;
	s11 =	sadd.s32 s7, s3  }
0xd: {  	s12 =	simm.s32 $0xB;
	s6 =	smul.u32 $0x2710, s6;
	[smem:$0x7FF] =	sst s4  }
0xe: {  	s10 =	ssub.s32 s9, s24;
	s1 =	sadd.s32 s7, s1;
	s11 =	sshrl.u32 s11, $0x3  }
0xf: {  	s24 =	simm.s32 $0x2;
	_ =	strace $0x80000050;
	s1 =	sshrl.u32 s1, $0x3  }
0x10: {  	s10 =	smax.u32 s10, $0x1;
	s6 =	sshrl.u32 s6, $0x3;
	s1 =	sadd.s32 s5, s1  }
.Ltmp0:
0x11: {  	s8 =	sadd.s32 s6, s2;
	s2 =	sadd.s32 s23, s2;
	(pc) =	sbr.rel .LBB2_1-.Ltmp0, $4  }
0x12: {  	s6 =	sor.u32 $0x1C0B, s25;
	[dreg:$0x8] =	wrdreg s1;
	s2 =	sadd.s32 $0x3EE00, s2  }
0x13: {  	s23 =	simm.s32 $0x7620;
	s26 =	sadd.s32 $0x4200, s8;
	[dreg:$0x5] =	wrdreg s2  }
0x14: {  	s1 =	simm.s32 $0x4;
	s28 =	sadd.s32 $0xDE40, s8;
	[dreg:$0x6] =	wrdreg s26  }
0x15: {  	s25 =	simm.s32 $0x5;
	[dreg:$0x7] =	wrdreg s28;
	s26 =	simm.s32 $0x6  }
.LBB2_4:
0x16: {  	_ =	swait.ge [sflag:s25], $0xA00  }
0x17: {  	[sflag:s25] =	ssyncset.done $0x0  }
0x18: {  	[sflag:s25] =	ssyncadd.s32 $0xFFFFF600  }
0x19: {  	[spmem:s3] =	stream.indirect.scatter.add.f32 [tilespmem:s23], [sflag:$0xA], $0x20, s5, s14, $0xb8;
	[tilespmem:$0xD020] =	vst v63  }
0x1a: {  	_ =	swait.ge [sflag:s26], $0xA00  }
0x1b: {  	[sflag:s26] =	ssyncset.done $0x0  }
0x1c: {  	[sflag:s26] =	ssyncadd.s32 $0xFFFFF600  }
0x1d: {  	_ =	swait.ge [sflag:s31], $0xA00  }
0x1e: {  	[sflag:s31] =	ssyncset.done $0x0  }
0x1f: {  	[sflag:s31] =	ssyncadd.s32 $0xFFFFF600  }
0x20: {  	_ =	swait.ge [sflag:s19], $0xA00  }
0x21: {  	[sflag:s19] =	ssyncset.done $0x0  }
0x22: {  	[sflag:s19] =	ssyncadd.s32 $0xFFFFF600  }
0x23: {  	_ =	swait.ge [sflag:s30], $0xA00  }
0x24: {  	[sflag:s30] =	ssyncset.done $0x0  }
0x25: {  	[sflag:s30] =	ssyncadd.s32 $0xFFFFF600  }
0x26: {  	_ =	swait.ge [sflag:s17], $0xA00  }
0x27: {  	[sflag:s17] =	ssyncset.done $0x0  }
0x28: {  	s22 =	sadd.s32 $0x1, s22;
	[sflag:s17] =	ssyncadd.s32 $0xFFFFF600  }
0x29: {  	p0 =	sne.s32 s22, s10;
	[bflag:$0x0] =	sbarrier.arrive $0xFFFF  }
.Ltmp1:
0x2a: {  	s2 =	rddreg [dreg:$0x8];
	(pc) =	sbr.rel @!p0 .LBB2_5-.Ltmp1, $4  }
0x2b: {  	[hbm:s2], [sflag:s6] =	dma.local [spmem:s11], $0xA00  }
0x2c: {  	_ =	swait.ge [sflag:s12], $0xA00  }
0x2d: {  	[sflag:s12] =	ssyncset.done $0x0  }
0x2e: {  	[sflag:s12] =	ssyncadd.s32 $0xFFFFF600  }
.LBB2_1:
0x2f: {  	s2 =	rddreg [dreg:$0x5]  }
0x30: {  	[spmem:s11], [sflag:s6] =	dma.local [hbm:s2], $0xA00  }
0x31: {  	_ =	swait.ge [sflag:s12], $0xA00  }
0x32: {  	[sflag:s12] =	ssyncset.done $0x0  }
0x33: {  	s9 =	rddreg [dreg:$0x6];
	[sflag:s12] =	ssyncadd.s32 $0xFFFFF600  }
0x34: {  	[tilespmem:s4], [sflag:$0xB] =	stream.linear.gather [hbm4b:s9+s4], $0x2710, $0x38;
	[tilespmem:$0xD020] =	vst v63  }
0x35: {  	_ =	swait.ge [sflag:s12], $0x2710  }
0x36: {  	[sflag:s12] =	ssyncset.done $0x0  }
0x37: {  	s5 =	rddreg [dreg:$0x7];
	[sflag:s12] =	ssyncadd.s32 $0xFFFFD8F0  }
0x38: {  	[tilespmem:s13], [sflag:$0xB] =	stream.linear.gather [hbm4b:s5+s4], $0x2710, $0x38;
	[tilespmem:$0xD020] =	vst v63  }
0x39: {  	_ =	swait.ge [sflag:s12], $0x2710  }
0x3a: {  	[sflag:s12] =	ssyncset.done $0x0  }
0x3b: {  	[sflag:s12] =	ssyncadd.s32 $0xFFFFD8F0  }
0x3c: {  	[bflag:$0x0] =	sbarrier.arrive $0xFFFF  }
0x3d: {  	[tilespmem:s15], [sflag:$0x1] =	stream.indirect.gather [hbm4b:s0+s14], $0x20, s4, s14, $0xb8;
	[tilespmem:$0xD020] =	vst v63  }
0x3e: {  	_ = 	snop  }
0x3f: {  	[tilespmem:s16], [sflag:$0x2] =	stream.indirect.gather [hbm4b:s0+s14], $0x20, s14, s14, $0xb8;
	[tilespmem:$0xD020] =	vst v63  }
0x40: {  	s7 =	simm.s32 $0xA0  }
0x41: {  	[tilespmem:s18], [sflag:$0x3] =	stream.indirect.gather [hbm4b:s0+s14], $0x20, s7, s14, $0xb8;
	[tilespmem:$0xD020] =	vst v63  }
0x42: {  	s8 =	simm.s32 $0xF0  }
0x43: {  	[tilespmem:s20], [sflag:$0x4] =	stream.indirect.gather [hbm4b:s0+s14], $0x20, s8, s14, $0xb8;
	[tilespmem:$0xD020] =	vst v63  }
0x44: {  	_ =	swait.ge [sflag:s21], $0xA00  }
0x45: {  	[sflag:s21] =	ssyncset.done $0x0  }
0x46: {  	[sflag:s21] =	ssyncadd.s32 $0xFFFFF600  }
0x47: {  	[spmem:s3] =	stream.indirect.scatter.add.f32 [tilespmem:s15], [sflag:$0x6], $0x20, s13, s14, $0xb8;
	[tilespmem:$0xD020] =	vst v63  }
0x48: {  	s9 =	simm.s32 $0x140  }
0x49: {  	[tilespmem:s23], [sflag:$0x5] =	stream.indirect.gather [hbm4b:s0+s14], $0x20, s9, s14, $0xb8;
	[tilespmem:$0xD020] =	vst v63  }
0x4a: {  	_ =	swait.ge [sflag:s24], $0xA00  }
0x4b: {  	[sflag:s24] =	ssyncset.done $0x0  }
0x4c: {  	s5 =	simm.s32 $0x2760;
	[sflag:s24] =	ssyncadd.s32 $0xFFFFF600  }
0x4d: {  	[spmem:s3] =	stream.indirect.scatter.add.f32 [tilespmem:s16], [sflag:$0x7], $0x20, s5, s14, $0xb8;
	[tilespmem:$0xD020] =	vst v63  }
0x4e: {  	_ =	swait.ge [sflag:s26], $0xA00  }
0x4f: {  	[sflag:s26] =	ssyncset.done $0x0  }
0x50: {  	s7 =	simm.s32 $0x190;
	[sflag:s26] =	ssyncadd.s32 $0xFFFFF600  }
0x51: {  	[tilespmem:s15], [sflag:$0x1] =	stream.indirect.gather [hbm4b:s0+s14], $0x20, s7, s14, $0xb8;
	[tilespmem:$0xD020] =	vst v63  }
0x52: {  	_ =	swait.ge [sflag:s29], $0xA00  }
0x53: {  	[sflag:s29] =	ssyncset.done $0x0  }
0x54: {  	s8 =	simm.s32 $0x27B0;
	[sflag:s29] =	ssyncadd.s32 $0xFFFFF600  }
0x55: {  	[spmem:s3] =	stream.indirect.scatter.add.f32 [tilespmem:s18], [sflag:$0x8], $0x20, s8, s14, $0xb8;
	[tilespmem:$0xD020] =	vst v63  }
0x56: {  	_ =	swait.ge [sflag:s31], $0xA00  }
0x57: {  	[sflag:s31] =	ssyncset.done $0x0  }
0x58: {  	s9 =	simm.s32 $0x1E0;
	[sflag:s31] =	ssyncadd.s32 $0xFFFFF600  }
0x59: {  	[tilespmem:s16], [sflag:$0x2] =	stream.indirect.gather [hbm4b:s0+s14], $0x20, s9, s14, $0xb8;
	[tilespmem:$0xD020] =	vst v63  }
0x5a: {  	_ =	swait.ge [sflag:s1], $0xA00  }
0x5b: {  	[sflag:s1] =	ssyncset.done $0x0  }
0x5c: {  	s5 =	simm.s32 $0x2800;
	[sflag:s1] =	ssyncadd.s32 $0xFFFFF600  }
0x5d: {  	[spmem:s3] =	stream.indirect.scatter.add.f32 [tilespmem:s20], [sflag:$0x9], $0x20, s5, s14, $0xb8;
	[tilespmem:$0xD020] =	vst v63  }
0x5e: {  	_ =	swait.ge [sflag:s19], $0xA00  }
0x5f: {  	[sflag:s19] =	ssyncset.done $0x0  }
0x60: {  	s7 =	simm.s32 $0x230;
	[sflag:s19] =	ssyncadd.s32 $0xFFFFF600  }
0x61: {  	[tilespmem:s18], [sflag:$0x3] =	stream.indirect.gather [hbm4b:s0+s14], $0x20, s7, s14, $0xb8;
	[tilespmem:$0xD020] =	vst v63  }
0x62: {  	_ =	swait.ge [sflag:s25], $0xA00  }
0x63: {  	[sflag:s25] =	ssyncset.done $0x0  }
0x64: {  	s8 =	simm.s32 $0x2850;
	[sflag:s25] =	ssyncadd.s32 $0xFFFFF600  }
0x65: {  	[spmem:s3] =	stream.indirect.scatter.add.f32 [tilespmem:s23], [sflag:$0xA], $0x20, s8, s14, $0xb8;
	[tilespmem:$0xD020] =	vst v63  }
0x66: {  	_ =	swait.ge [sflag:s30], $0xA00  }
0x67: {  	[sflag:s30] =	ssyncset.done $0x0  }
0x68: {  	s28 =	simm.s32 $0x0;
	s9 =	simm.s32 $0x280;
	[sflag:s30] =	ssyncadd.s32 $0xFFFFF600  }
0x69: {  	[tilespmem:s20], [sflag:$0x4] =	stream.indirect.gather [hbm4b:s0+s14], $0x20, s9, s14, $0xb8;
	[tilespmem:$0xD020] =	vst v63  }
.LBB2_2:
0x6a: {  	_ =	swait.ge [sflag:s21], $0xA00  }
0x6b: {  	s2 =	sshra.s32 s28, $0x2;
	[sflag:s21] =	ssyncset.done $0x0  }
0x6c: {  	s5 =	sadd.s32 $0x28A0, s2;
	[sflag:s21] =	ssyncadd.s32 $0xFFFFF600  }
0x6d: {  	[spmem:s3] =	stream.indirect.scatter.add.f32 [tilespmem:s15], [sflag:$0x6], $0x20, s5, s14, $0xb8;
	[tilespmem:$0xD020] =	vst v63  }
0x6e: {  	_ =	swait.ge [sflag:s17], $0xA00  }
0x6f: {  	[sflag:s17] =	ssyncset.done $0x0  }
0x70: {  	s7 =	sadd.s32 $0x2D0, s2;
	[sflag:s17] =	ssyncadd.s32 $0xFFFFF600  }
0x71: {  	[tilespmem:s23], [sflag:$0x5] =	stream.indirect.gather [hbm4b:s0+s14], $0x20, s7, s14, $0xb8;
	[tilespmem:$0xD020] =	vst v63  }
0x72: {  	_ =	swait.ge [sflag:s24], $0xA00  }
0x73: {  	p0 =	seq.s32 s28, $0x8FC0;
	[sflag:s24] =	ssyncset.done $0x0  }
0x74: {  	s8 =	sadd.s32 $0x28F0, s2;
	s5 =	simm.s32 @p0 $0x3;
	[sflag:s24] =	ssyncadd.s32 $0xFFFFF600  }
0x75: {  	[spmem:s3] =	stream.indirect.scatter.add.f32 [tilespmem:s16], [sflag:$0x7], $0x20, s8, s14, $0xb8;
	[tilespmem:$0xD020] =	vst v63  }
0x76: {  	_ =	swait.ge @p0 [sflag:s5], $0xA00  }
0x77: {  	[sflag:s5] =	ssyncset.done @p0 $0x0  }
0x78: {  	[sflag:s5] =	ssyncadd.s32 @p0 $0xFFFFF600;
	s5 =	sshra.s32 @p0 s28, $0x2  }
0x79: {  	s7 =	simm.s32 @p0 $0x50;
	s8 =	simm.s32 @p0 $0x6220;
	s5 =	sadd.s32 @p0 $0x2940, s5  }
0x7a: {  	[spmem:s3] =	stream.indirect.scatter.add.f32 @p0 [tilespmem:s8], [sflag:$0x8], $0x20, s5, s7, $0xb8;
	[tilespmem:$0xD020] =	vst v63  }
0x7b: {  	s5 =	simm.s32 @!p0 $0x6  }
0x7c: {  	_ =	swait.ge @!p0 [sflag:s5], $0xA00  }
0x7d: {  	[sflag:s5] =	ssyncset.done @!p0 $0x0  }
0x7e: {  	[sflag:s5] =	ssyncadd.s32 @!p0 $0xFFFFF600;
	s5 =	sshra.s32 @!p0 s28, $0x2  }
0x7f: {  	s9 =	simm.s32 @!p0 $0x4E20;
	s8 =	simm.s32 @!p0 $0x50;
	s7 =	sadd.s32 @!p0 $0x320, s5  }
0x80: {  	[tilespmem:s9], [sflag:$0x1] =	stream.indirect.gather @!p0 [hbm4b:s0+s8], $0x20, s7, s8, $0xb8;
	[tilespmem:$0xD020] =	vst v63  }
0x81: {  	s7 =	simm.s32 @!p0 $0x3  }
0x82: {  	_ =	swait.ge @!p0 [sflag:s7], $0xA00  }
0x83: {  	[sflag:s7] =	ssyncset.done @!p0 $0x0  }
0x84: {  	s9 =	simm.s32 @!p0 $0x6220;
	[sflag:s7] =	ssyncadd.s32 @!p0 $0xFFFFF600;
	s7 =	sadd.s32 @!p0 $0x2940, s5  }
0x85: {  	[spmem:s3] =	stream.indirect.scatter.add.f32 @!p0 [tilespmem:s9], [sflag:$0x8], $0x20, s7, s8, $0xb8;
	[tilespmem:$0xD020] =	vst v63  }
0x86: {  	s7 =	simm.s32 @!p0 $0x7  }
0x87: {  	_ =	swait.ge @!p0 [sflag:s7], $0xA00  }
0x88: {  	[sflag:s7] =	ssyncset.done @!p0 $0x0  }
0x89: {  	s5 =	sadd.s32 @!p0 $0x370, s5;
	[sflag:s7] =	ssyncadd.s32 @!p0 $0xFFFFF600;
	s7 =	simm.s32 @!p0 $0x5820  }
0x8a: {  	[tilespmem:s7], [sflag:$0x2] =	stream.indirect.gather @!p0 [hbm4b:s0+s8], $0x20, s5, s8, $0xb8;
	[tilespmem:$0xD020] =	vst v63  }
.Ltmp2:
0x8b: {  	_ = 	snop;
	(pc) =	sbr.rel @p0 .LBB2_4-.Ltmp2, $4  }
0x8c: {  	_ =	swait.ge [sflag:s1], $0xA00  }
0x8d: {  	[sflag:s1] =	ssyncset.done $0x0  }
0x8e: {  	s9 =	sadd.s32 $0x2990, s2;
	s5 =	sadd.s32 $0x29E0, s2;
	[sflag:s1] =	ssyncadd.s32 $0xFFFFF600  }
0x8f: {  	[spmem:s3] =	stream.indirect.scatter.add.f32 [tilespmem:s20], [sflag:$0x9], $0x20, s9, s14, $0xb8;
	[tilespmem:$0xD020] =	vst v63  }
0x90: {  	_ =	swait.ge [sflag:s19], $0xA00  }
0x91: {  	[sflag:s19] =	ssyncset.done $0x0  }
0x92: {  	s7 =	sadd.s32 $0x3C0, s2;
	[sflag:s19] =	ssyncadd.s32 $0xFFFFF600  }
0x93: {  	[tilespmem:s18], [sflag:$0x3] =	stream.indirect.gather [hbm4b:s0+s14], $0x20, s7, s14, $0xb8;
	[tilespmem:$0xD020] =	vst v63  }
0x94: {  	_ =	swait.ge [sflag:s25], $0xA00  }
0x95: {  	[sflag:s25] =	ssyncset.done $0x0  }
0x96: {  	[sflag:s25] =	ssyncadd.s32 $0xFFFFF600  }
0x97: {  	[spmem:s3] =	stream.indirect.scatter.add.f32 [tilespmem:s23], [sflag:$0xA], $0x20, s5, s14, $0xb8;
	[tilespmem:$0xD020] =	vst v63  }
.Ltmp3:
0x98: {  	_ = 	snop;
	(pc) =	sbr.rel .LBB2_2-.Ltmp3, $4  }
0x99: {  	_ =	swait.ge [sflag:s30], $0xA00  }
0x9a: {  	[sflag:s30] =	ssyncset.done $0x0  }
0x9b: {  	s9 =	sadd.s32 $0x410, s2;
	s28 =	sadd.s32 $0x640, s28;
	[sflag:s30] =	ssyncadd.s32 $0xFFFFF600  }
0x9c: {  	[tilespmem:s20], [sflag:$0x4] =	stream.indirect.gather [hbm4b:s0+s14], $0x20, s9, s14, $0xb8;
	[tilespmem:$0xD020] =	vst v63  }
.LBB2_5:
0x9d: {  	_ =	sfence.sel $0x180000  }
0x9e: {  	[bflag:$0x0] =	sbarrier.arrive $0xFFFF  }
0x9f: {  	_ =	strace $0x90000050  }
0xa0: {  	s0 =	stileid.u32;
	[bflag:$0x2] =	sbarrier.arrive $0xFFFF  }
0xa1: {  	p0 =	sne.s32 s0, $0x0;
	s0 =	rddreg [dreg:$0x4]  }
0xa2: {  	s0 =	sadd.s32 @!p0 $0x100000, s0  }
0xa3: {  	[sflag:s0] =	ssyncadd.tile.s32 @!p0 $0x1;
	_ =	shalt  }
.Lfunc_end2:
_tile_overlayer_lowered:
.L_overlay_start_2:
0xa4: {  	(tag) =	ssettag $0x2  }
0xa5: {  	s0 =	rddreg [dreg:$0x0];
	s2 =	stileid.u32  }
0xa6: {  	s1 =	rddreg [dreg:$0x1];
	p0 =	sne.s32 s2, $0x0  }
0xa7: {  	s3 =	rddreg [dreg:$0x2];
	[bflag:$0x3] =	sbarrier.arrive $0xFFFF;
	s2 =	simm.s32 @!p0 $0x1C0B  }
0xa8: {  	[timem:s3], [sflag:s2] =	dma.local @!p0 [hbm:s0], s1  }
0xa9: {  	s0 =	simm.s32 @!p0 $0xB  }
0xaa: {  	_ =	swait.ge @!p0 [sflag:s0], s1  }
0xab: {  	s1 =	ssub.s32 @!p0 $0x0, s1;
	[sflag:s0] =	ssyncset.done @!p0 $0x0  }
0xac: {  	[sflag:s0] =	ssyncadd.s32 @!p0 s1  }
0xad: {  	[bflag:$0x3] =	sbarrier.arrive $0xFFFF  }
0xae: {  	_ =	shalt  }

</sc_bundles>
